<compile_context>
chip_gen: v7x
topology: tpu7x:2x2x1
jax: 0.10.2.dev20260603
libtpu: 0.0.44.dev20260713+nightly
codegen_flags: <defaults>
</compile_context>

<pallas_src>
import functools

import jax
import jax.numpy as jnp
from jax import lax
from jax.experimental import pallas as pl
from jax.experimental.pallas import tpu as pltpu
from jax.experimental.pallas import tpu_sc as plsc

LO = 0
HI = 4

_info = plsc.get_sparse_core_info()
_NC, _NS, _L = _info.num_cores, _info.num_subcores, _info.num_lanes
_NW = _NC * _NS

_BPC = 2
_NBUF = 4
_LOOKAHEAD = 2


@functools.lru_cache(maxsize=None)
def _build(batch: int, seq: int, vocab: int, d: int):
    assert batch % (_NW * _BPC) == 0
    bpw = batch // _NW
    nchunk = bpw // _BPC
    chunk = _BPC * seq
    rpw = bpw * seq
    assert nchunk % _NBUF == 0 and seq <= 128
    mesh = plsc.VectorSubcoreMesh(core_axis_name="c", subcore_axis_name="s")

    @functools.partial(
        pl.kernel,
        mesh=mesh,
        out_type=jax.ShapeDtypeStruct((batch, seq, d), jnp.float32),
        scratch_types=[
            pltpu.VMEM((nchunk + 1, chunk), jnp.int32),
            pltpu.VMEM_SHARED((HI - LO, d), jnp.float32),
        ]
        + [pltpu.VMEM((chunk, d), jnp.float32) for _ in range(_NBUF)]
        + [pltpu.SemaphoreType.DMA for _ in range(2 * _NBUF)],
    )
    def k(x3_hbm, table_hbm, sp_hbm, out_hbm,
          idx3_v, sp_sh, *bufs_and_sems):
        rows = bufs_and_sems[:_NBUF]
        gsem = bufs_and_sems[_NBUF:2 * _NBUF]
        ssem = bufs_and_sems[2 * _NBUF:]
        wid = lax.axis_index("s") * _NC + lax.axis_index("c")
        bbase = wid * bpw
        pltpu.sync_copy(x3_hbm.at[wid], idx3_v.at[pl.ds(0, nchunk)])

        @pl.when(lax.axis_index("s") == 0)
        def _():
            pltpu.sync_copy(sp_hbm, sp_sh)
        plsc.subcore_barrier()

        def start_gather(j, b):
            pltpu.async_copy(table_hbm.at[idx3_v.at[j]], rows[b], gsem[b])

        def start_store(j, b):
            for i in range(_BPC):
                pltpu.async_copy(
                    rows[b].at[pl.ds(i * seq, seq)],
                    out_hbm.at[bbase + j * _BPC + i], ssem[b])

        def wait_store(b):
            for _ in range(_BPC):
                pltpu.make_async_copy(
                    rows[b].at[pl.ds(0, seq)], out_hbm.at[0], ssem[b]).wait()

        def fixup(j, b):
            acc = None
            starts = [v * _L for v in range(chunk // _L)] + (
                [chunk - _L] if chunk % _L else [])
            for s0 in starts:
                xv = idx3_v[j, pl.ds(s0, _L)]
                mv = jnp.where((xv >= LO) & (xv < HI), 1, 0).astype(jnp.int32)
                acc = mv if acc is None else (acc + mv)
            cnt = acc[0]
            for l in range(1, _L):
                cnt = cnt + acc[l]

            @pl.when(cnt > 0)
            def _():
                def fix(i, c2):
                    xi = idx3_v[j, pl.ds(i, _L)][0]

                    @pl.when((xi >= LO) & (xi < HI))
                    def _():
                        pltpu.sync_copy(sp_sh.at[xi - LO], rows[b].at[i])
                    return c2
                lax.fori_loop(0, chunk, fix, 0)

        def wait_gather(b):
            pltpu.make_async_copy(
                table_hbm.at[idx3_v.at[0]], rows[b], gsem[b]).wait()

        for j in range(_LOOKAHEAD):
            start_gather(j, j)
        for j in range(_NBUF - _LOOKAHEAD):
            b = j % _NBUF
            wait_gather(b)
            fixup(j, b)
            start_store(j, b)
            start_gather(j + _LOOKAHEAD, (j + _LOOKAHEAD) % _NBUF)

        def steady(g, carry):
            for bb in range(_NBUF):
                j = (_NBUF - _LOOKAHEAD) + g * _NBUF + bb
                b = (_NBUF - _LOOKAHEAD + bb) % _NBUF
                b2 = (b + _LOOKAHEAD) % _NBUF
                wait_gather(b)
                fixup(j, b)
                start_store(j, b)
                wait_store(b2)
                start_gather(j + _LOOKAHEAD, b2)
            return carry
        lax.fori_loop(0, (nchunk - _NBUF) // _NBUF, steady, 0)

        for j in range(nchunk - _LOOKAHEAD, nchunk):
            b = j % _NBUF
            wait_gather(b)
            fixup(j, b)
            start_store(j, b)

        for b in range(_NBUF):
            wait_store(b)

    return k


def kernel(x, table, specials_table):
    batch, seq = x.shape
    vocab, d = table.shape
    x3 = x.reshape(_NW, batch // (_NW * _BPC), _BPC * seq)
    return _build(batch, seq, vocab, d)(x3, table, specials_table)

# --- scband reference (transcript-rebuilt; emitter-appended) ---
"""Pipeline reference for scband-nlembedding-11123965296647 (READ-ONLY COPY).

The authoritative reference and input builder live on the scoring server;
editing this copy changes nothing except your own understanding.
"""

import jax, jax.numpy as jnp
import numpy as np

VOCAB = 100000
EMBED_DIM = 128
LO = 0
HI = 4
BATCH = 4096
SEQ = 50


def setup_inputs(seed: int = 0) -> dict:
    key = jax.random.key(seed)
    kx, kt, ks = jax.random.split(key, 3)
    # token indices (int32 used since jax x64 is disabled by default; values fit easily)
    x = jax.random.randint(kx, (BATCH, SEQ), 0, VOCAB, dtype=jnp.int32)
    # frozen pretrained embedding table (nn.Embedding.from_pretrained, freeze=True)
    table = jax.random.normal(kt, (VOCAB, EMBED_DIM), dtype=jnp.float32) * 0.02
    # learnable specials embedding table, size (hi - lo, embedding_dim)
    specials_table = jax.random.normal(ks, (HI - LO, EMBED_DIM), dtype=jnp.float32) * 0.02
    return {"x": x, "table": table, "specials_table": specials_table}


def reference(x, table, specials_table):
    # nonspecial = positions where NOT (lo <= x < hi)
    mask_special = (x >= LO) & (x < HI)
    # xx = x.clone(); xx[nonspecial] = 0; xx -= lo
    xx = jnp.where(mask_special, x, 0) - LO
    # embed = specials_embedding(xx)
    embed_sp = jnp.take(specials_table, xx, axis=0)
    # embed[nonspecial] = embedding(x[nonspecial])  -> overwrite nonspecial rows with main-table lookup
    embed_main = jnp.take(table, x, axis=0)
    embed = jnp.where(mask_special[..., None], embed_sp, embed_main)
    return embed

if __name__ == "__main__":
    import jax
    _d = setup_inputs()
    print(jax.jit(kernel)(*tuple(_d.values())))

</pallas_src>

<mosaic_0001>
#map = affine_map<(d0, d1) -> (0, 0, 0)>
#map1 = affine_map<(d0, d1) -> (0, 0)>
module attributes {stable_mosaic.version = 14 : i64} {
  func.func @k(%arg0: i32, %arg1: i32, %arg2: memref<32x64x100xi32, #tpu.memory_space<hbm>>, %arg3: memref<100000x128xf32, #tpu.memory_space<hbm>>, %arg4: memref<4x128xf32, #tpu.memory_space<hbm>>, %arg5: memref<4096x50x128xf32, #tpu.memory_space<hbm>>, %arg6: memref<65x100xi32, #tpu.memory_space<vmem>>, %arg7: memref<4x128xf32, #tpu.memory_space<vmem_shared>>, %arg8: memref<100x128xf32, #tpu.memory_space<vmem>>, %arg9: memref<100x128xf32, #tpu.memory_space<vmem>>, %arg10: memref<100x128xf32, #tpu.memory_space<vmem>>, %arg11: memref<100x128xf32, #tpu.memory_space<vmem>>, %arg12: memref<!tpu.dma_semaphore, #tpu.memory_space<semaphore_mem>>, %arg13: memref<!tpu.dma_semaphore, #tpu.memory_space<semaphore_mem>>, %arg14: memref<!tpu.dma_semaphore, #tpu.memory_space<semaphore_mem>>, %arg15: memref<!tpu.dma_semaphore, #tpu.memory_space<semaphore_mem>>, %arg16: memref<!tpu.dma_semaphore, #tpu.memory_space<semaphore_mem>>, %arg17: memref<!tpu.dma_semaphore, #tpu.memory_space<semaphore_mem>>, %arg18: memref<!tpu.dma_semaphore, #tpu.memory_space<semaphore_mem>>, %arg19: memref<!tpu.dma_semaphore, #tpu.memory_space<semaphore_mem>>) attributes {dimension_semantics = [#tpu.dimension_semantics<core_parallel>, #tpu.dimension_semantics<subcore_parallel>], iteration_bounds = array<i64: 2, 16>, scalar_prefetch = 0 : i64, scratch_operands = 14 : i64, tpu.core_type = #tpu.core_type<sc_vector_subcore>, window_params = [{transform_indices = #map}, {transform_indices = #map1}, {transform_indices = #map1}, {transform_indices = #map}]} {
    %mul3A = arith.constant 2 : i32
    %mul3A_0 = arith.muli %arg1, %mul3A : i32
    %add3A = arith.addi %mul3A_0, %arg0 : i32
    %mul3A_1 = arith.constant 128 : i32
    %mul3A_2 = arith.muli %add3A, %mul3A_1 : i32
    "tpu.region"() ({
      %run_scoped3A = tpu.sem_alloc : memref<!tpu.dma_semaphore, #tpu.memory_space<semaphore_mem>>
      %dma_start3A_1026 = arith.constant 0 : i32
      %dma_start3A_1027 = arith.constant 0 : i32
      %dma_start3A_1028 = tpu.memref_slice %arg6[%dma_start3A_1026, %dma_start3A_1027] : memref<65x100xi32, #tpu.memory_space<vmem>> -> memref<64x100xi32, #tpu.memory_space<vmem>>
      %dma_start3A_1029 = arith.constant 0 : i32
      %dma_start3A_1030 = arith.constant 0 : i32
      %dma_start3A_1031 = tpu.memref_slice %arg2[%add3A, %dma_start3A_1029, %dma_start3A_1030] : memref<32x64x100xi32, #tpu.memory_space<hbm>> -> memref<1x64x100xi32, #tpu.memory_space<hbm>>
      %dma_start3A_1032 = tpu.memref_squeeze %dma_start3A_1031 : memref<1x64x100xi32, #tpu.memory_space<hbm>> -> memref<64x100xi32, #tpu.memory_space<hbm>>
      %dma_start3A_1033 = arith.constant 0 : i32
      %dma_start3A_1034 = arith.constant 0 : i32
      %dma_start3A_1035 = tpu.memref_slice %arg6[%dma_start3A_1033, %dma_start3A_1034] : memref<65x100xi32, #tpu.memory_space<vmem>> -> memref<64x100xi32, #tpu.memory_space<vmem>>
      %dma_start3A_1036 = arith.constant 0 : i32
      %dma_start3A_1037 = arith.constant 0 : i32
      %dma_start3A_1038 = tpu.memref_slice %arg2[%add3A, %dma_start3A_1036, %dma_start3A_1037] : memref<32x64x100xi32, #tpu.memory_space<hbm>> -> memref<1x64x100xi32, #tpu.memory_space<hbm>>
      %dma_start3A_1039 = tpu.memref_squeeze %dma_start3A_1038 : memref<1x64x100xi32, #tpu.memory_space<hbm>> -> memref<64x100xi32, #tpu.memory_space<hbm>>
      tpu.enqueue_dma source(%dma_start3A_1039 : memref<64x100xi32, #tpu.memory_space<hbm>>) target(%dma_start3A_1035 : memref<64x100xi32, #tpu.memory_space<vmem>>) target_semaphore(%run_scoped3A : memref<!tpu.dma_semaphore, #tpu.memory_space<semaphore_mem>>)
      %dma_wait3A_1040 = arith.constant 0 : i32
      %dma_wait3A_1041 = arith.constant 0 : i32
      %dma_wait3A_1042 = tpu.memref_slice %arg6[%dma_wait3A_1040, %dma_wait3A_1041] : memref<65x100xi32, #tpu.memory_space<vmem>> -> memref<64x100xi32, #tpu.memory_space<vmem>>
      %dma_wait3A_1043 = arith.constant 0 : i32
      %dma_wait3A_1044 = arith.constant 0 : i32
      %dma_wait3A_1045 = tpu.memref_slice %arg2[%add3A, %dma_wait3A_1043, %dma_wait3A_1044] : memref<32x64x100xi32, #tpu.memory_space<hbm>> -> memref<1x64x100xi32, #tpu.memory_space<hbm>>
      %dma_wait3A_1046 = tpu.memref_squeeze %dma_wait3A_1045 : memref<1x64x100xi32, #tpu.memory_space<hbm>> -> memref<64x100xi32, #tpu.memory_space<hbm>>
      %dma_wait3A_1047 = arith.constant 0 : i32
      %dma_wait3A_1048 = arith.constant 0 : i32
      %dma_wait3A_1049 = tpu.memref_slice %arg6[%dma_wait3A_1047, %dma_wait3A_1048] : memref<65x100xi32, #tpu.memory_space<vmem>> -> memref<64x100xi32, #tpu.memory_space<vmem>>
      %dma_wait3A_1050 = arith.constant 0 : i32
      %dma_wait3A_1051 = arith.constant 0 : i32
      %dma_wait3A_1052 = tpu.memref_slice %arg2[%add3A, %dma_wait3A_1050, %dma_wait3A_1051] : memref<32x64x100xi32, #tpu.memory_space<hbm>> -> memref<1x64x100xi32, #tpu.memory_space<hbm>>
      %dma_wait3A_1053 = tpu.memref_squeeze %dma_wait3A_1052 : memref<1x64x100xi32, #tpu.memory_space<hbm>> -> memref<64x100xi32, #tpu.memory_space<hbm>>
      tpu.wait_dma2 semaphore(%run_scoped3A : memref<!tpu.dma_semaphore, #tpu.memory_space<semaphore_mem>>) src(%dma_wait3A_1053 : memref<64x100xi32, #tpu.memory_space<hbm>>) dst(%dma_wait3A_1049 : memref<64x100xi32, #tpu.memory_space<vmem>>)
      tpu.yield
    }) : () -> ()
    %eq3A = arith.constant 0 : i32
    %eq3A_3 = arith.cmpi eq, %arg1, %eq3A : i32
    %convert_element_type3A = arith.extui %eq3A_3 : i1 to i32
    %cond3A = arith.constant 0 : i32
    %cond3A_4 = arith.cmpi ne, %convert_element_type3A, %cond3A : i32
    scf.if %cond3A_4 {
      "tpu.region"() ({
        %run_scoped3A = tpu.sem_alloc : memref<!tpu.dma_semaphore, #tpu.memory_space<semaphore_mem>>
        tpu.enqueue_dma source(%arg4 : memref<4x128xf32, #tpu.memory_space<hbm>>) target(%arg7 : memref<4x128xf32, #tpu.memory_space<vmem_shared>>) target_semaphore(%run_scoped3A : memref<!tpu.dma_semaphore, #tpu.memory_space<semaphore_mem>>)
        tpu.wait_dma2 semaphore(%run_scoped3A : memref<!tpu.dma_semaphore, #tpu.memory_space<semaphore_mem>>) src(%arg4 : memref<4x128xf32, #tpu.memory_space<hbm>>) dst(%arg7 : memref<4x128xf32, #tpu.memory_space<vmem_shared>>)
        tpu.yield
      }) : () -> ()
    } else {
    }
    %barrier3A = arith.constant 0 : index
    tpu.barrier barrier_id(%barrier3A)
    %dma_start3A = arith.constant 0 : i32
    %dma_start3A_5 = arith.constant 0 : i32
    %dma_start3A_6 = tpu.memref_slice %arg6[%dma_start3A, %dma_start3A_5] : memref<65x100xi32, #tpu.memory_space<vmem>> -> memref<1x100xi32, #tpu.memory_space<vmem>>
    %dma_start3A_7 = tpu.memref_squeeze %dma_start3A_6 : memref<1x100xi32, #tpu.memory_space<vmem>> -> memref<100xi32, #tpu.memory_space<vmem>>
    %dma_start3A_8 = arith.constant 0 : i32
    %dma_start3A_9 = arith.constant 0 : i32
    %dma_start3A_10 = tpu.memref_slice %arg3[%dma_start3A_8, %dma_start3A_9] : memref<100000x128xf32, #tpu.memory_space<hbm>> -> memref<100000x128xf32, #tpu.memory_space<hbm>>
    tpu.enqueue_indirect_dma source(%dma_start3A_10 : memref<100000x128xf32, #tpu.memory_space<hbm>>) target(%arg8 : memref<100x128xf32, #tpu.memory_space<vmem>>) offsets(%dma_start3A_7 : memref<100xi32, #tpu.memory_space<vmem>>) semaphore(%arg12 : memref<!tpu.dma_semaphore, #tpu.memory_space<semaphore_mem>>)
    %dma_start3A_11 = arith.constant 1 : i32
    %dma_start3A_12 = arith.constant 0 : i32
    %dma_start3A_13 = tpu.memref_slice %arg6[%dma_start3A_11, %dma_start3A_12] : memref<65x100xi32, #tpu.memory_space<vmem>> -> memref<1x100xi32, #tpu.memory_space<vmem>>
    %dma_start3A_14 = tpu.memref_squeeze %dma_start3A_13 : memref<1x100xi32, #tpu.memory_space<vmem>> -> memref<100xi32, #tpu.memory_space<vmem>>
    %dma_start3A_15 = arith.constant 0 : i32
    %dma_start3A_16 = arith.constant 0 : i32
    %dma_start3A_17 = tpu.memref_slice %arg3[%dma_start3A_15, %dma_start3A_16] : memref<100000x128xf32, #tpu.memory_space<hbm>> -> memref<100000x128xf32, #tpu.memory_space<hbm>>
    tpu.enqueue_indirect_dma source(%dma_start3A_17 : memref<100000x128xf32, #tpu.memory_space<hbm>>) target(%arg9 : memref<100x128xf32, #tpu.memory_space<vmem>>) offsets(%dma_start3A_14 : memref<100xi32, #tpu.memory_space<vmem>>) semaphore(%arg13 : memref<!tpu.dma_semaphore, #tpu.memory_space<semaphore_mem>>)
    %dma_wait3A = arith.constant 0 : i32
    %dma_wait3A_18 = arith.constant 0 : i32
    %dma_wait3A_19 = tpu.memref_slice %arg6[%dma_wait3A, %dma_wait3A_18] : memref<65x100xi32, #tpu.memory_space<vmem>> -> memref<1x100xi32, #tpu.memory_space<vmem>>
    %dma_wait3A_20 = tpu.memref_squeeze %dma_wait3A_19 : memref<1x100xi32, #tpu.memory_space<vmem>> -> memref<100xi32, #tpu.memory_space<vmem>>
    %dma_wait3A_21 = arith.constant 0 : i32
    %dma_wait3A_22 = arith.constant 0 : i32
    %dma_wait3A_23 = tpu.memref_slice %arg3[%dma_wait3A_21, %dma_wait3A_22] : memref<100000x128xf32, #tpu.memory_space<hbm>> -> memref<100000x128xf32, #tpu.memory_space<hbm>>
    tpu.wait_indirect_dma semaphore(%arg12 : memref<!tpu.dma_semaphore, #tpu.memory_space<semaphore_mem>>) src(%dma_wait3A_23 : memref<100000x128xf32, #tpu.memory_space<hbm>>) dst(%arg8 : memref<100x128xf32, #tpu.memory_space<vmem>>)
    %get3A = arith.constant 0 : i32
    %get3A_24 = arith.index_cast %get3A : i32 to index
    %get3A_25 = arith.constant 0 : index
    %get3A_26 = tpu.vector_load %arg6[%get3A_24, %get3A_25] {strides = array<i32>} : memref<65x100xi32, #tpu.memory_space<vmem>>, vector<1x16xi32>,
    %get3A_27 = vector.shape_cast %get3A_26 : vector<1x16xi32> to vector<16xi32>
    %ge3A = arith.constant 0 : i32
    %ge3A_28 = vector.broadcast %ge3A : i32 to vector<16xi32>
    %ge3A_29 = arith.cmpi sge, %get3A_27, %ge3A_28 : vector<16xi32>
    %lt3A = arith.constant 4 : i32
    %lt3A_30 = vector.broadcast %lt3A : i32 to vector<16xi32>
    %lt3A_31 = arith.cmpi slt, %get3A_27, %lt3A_30 : vector<16xi32>
    %and3A = arith.andi %ge3A_29, %lt3A_31 : vector<16xi1>
    %jit3A = arith.constant 1 : i32
    %jit3A_32 = arith.constant 0 : i32
    %broadcast_in_dim3A = vector.broadcast %jit3A : i32 to vector<16xi32>
    %broadcast_in_dim3A_33 = vector.broadcast %jit3A_32 : i32 to vector<16xi32>
    %select_n3A = arith.select %and3A, %broadcast_in_dim3A, %broadcast_in_dim3A_33 : vector<16xi1>, vector<16xi32>
    %get3A_34 = arith.constant 0 : i32
    %get3A_35 = arith.index_cast %get3A_34 : i32 to index
    %get3A_36 = arith.constant 16 : index
    %get3A_37 = tpu.vector_load %arg6[%get3A_35, %get3A_36] {strides = array<i32>} : memref<65x100xi32, #tpu.memory_space<vmem>>, vector<1x16xi32>,
    %get3A_38 = vector.shape_cast %get3A_37 : vector<1x16xi32> to vector<16xi32>
    %ge3A_39 = arith.constant 0 : i32
    %ge3A_40 = vector.broadcast %ge3A_39 : i32 to vector<16xi32>
    %ge3A_41 = arith.cmpi sge, %get3A_38, %ge3A_40 : vector<16xi32>
    %lt3A_42 = arith.constant 4 : i32
    %lt3A_43 = vector.broadcast %lt3A_42 : i32 to vector<16xi32>
    %lt3A_44 = arith.cmpi slt, %get3A_38, %lt3A_43 : vector<16xi32>
    %and3A_45 = arith.andi %ge3A_41, %lt3A_44 : vector<16xi1>
    %jit3A_46 = arith.constant 1 : i32
    %jit3A_47 = arith.constant 0 : i32
    %broadcast_in_dim3A_48 = vector.broadcast %jit3A_46 : i32 to vector<16xi32>
    %broadcast_in_dim3A_49 = vector.broadcast %jit3A_47 : i32 to vector<16xi32>
    %select_n3A_50 = arith.select %and3A_45, %broadcast_in_dim3A_48, %broadcast_in_dim3A_49 : vector<16xi1>, vector<16xi32>
    %add3A_51 = arith.addi %select_n3A, %select_n3A_50 : vector<16xi32>
    %get3A_52 = arith.constant 0 : i32
    %get3A_53 = arith.index_cast %get3A_52 : i32 to index
    %get3A_54 = arith.constant 32 : index
    %get3A_55 = tpu.vector_load %arg6[%get3A_53, %get3A_54] {strides = array<i32>} : memref<65x100xi32, #tpu.memory_space<vmem>>, vector<1x16xi32>,
    %get3A_56 = vector.shape_cast %get3A_55 : vector<1x16xi32> to vector<16xi32>
    %ge3A_57 = arith.constant 0 : i32
    %ge3A_58 = vector.broadcast %ge3A_57 : i32 to vector<16xi32>
    %ge3A_59 = arith.cmpi sge, %get3A_56, %ge3A_58 : vector<16xi32>
    %lt3A_60 = arith.constant 4 : i32
    %lt3A_61 = vector.broadcast %lt3A_60 : i32 to vector<16xi32>
    %lt3A_62 = arith.cmpi slt, %get3A_56, %lt3A_61 : vector<16xi32>
    %and3A_63 = arith.andi %ge3A_59, %lt3A_62 : vector<16xi1>
    %jit3A_64 = arith.constant 1 : i32
    %jit3A_65 = arith.constant 0 : i32
    %broadcast_in_dim3A_66 = vector.broadcast %jit3A_64 : i32 to vector<16xi32>
    %broadcast_in_dim3A_67 = vector.broadcast %jit3A_65 : i32 to vector<16xi32>
    %select_n3A_68 = arith.select %and3A_63, %broadcast_in_dim3A_66, %broadcast_in_dim3A_67 : vector<16xi1>, vector<16xi32>
    %add3A_69 = arith.addi %add3A_51, %select_n3A_68 : vector<16xi32>
    %get3A_70 = arith.constant 0 : i32
    %get3A_71 = arith.index_cast %get3A_70 : i32 to index
    %get3A_72 = arith.constant 48 : index
    %get3A_73 = tpu.vector_load %arg6[%get3A_71, %get3A_72] {strides = array<i32>} : memref<65x100xi32, #tpu.memory_space<vmem>>, vector<1x16xi32>,
    %get3A_74 = vector.shape_cast %get3A_73 : vector<1x16xi32> to vector<16xi32>
    %ge3A_75 = arith.constant 0 : i32
    %ge3A_76 = vector.broadcast %ge3A_75 : i32 to vector<16xi32>
    %ge3A_77 = arith.cmpi sge, %get3A_74, %ge3A_76 : vector<16xi32>
    %lt3A_78 = arith.constant 4 : i32
    %lt3A_79 = vector.broadcast %lt3A_78 : i32 to vector<16xi32>
    %lt3A_80 = arith.cmpi slt, %get3A_74, %lt3A_79 : vector<16xi32>
    %and3A_81 = arith.andi %ge3A_77, %lt3A_80 : vector<16xi1>
    %jit3A_82 = arith.constant 1 : i32
    %jit3A_83 = arith.constant 0 : i32
    %broadcast_in_dim3A_84 = vector.broadcast %jit3A_82 : i32 to vector<16xi32>
    %broadcast_in_dim3A_85 = vector.broadcast %jit3A_83 : i32 to vector<16xi32>
    %select_n3A_86 = arith.select %and3A_81, %broadcast_in_dim3A_84, %broadcast_in_dim3A_85 : vector<16xi1>, vector<16xi32>
    %add3A_87 = arith.addi %add3A_69, %select_n3A_86 : vector<16xi32>
    %get3A_88 = arith.constant 0 : i32
    %get3A_89 = arith.index_cast %get3A_88 : i32 to index
    %get3A_90 = arith.constant 64 : index
    %get3A_91 = tpu.vector_load %arg6[%get3A_89, %get3A_90] {strides = array<i32>} : memref<65x100xi32, #tpu.memory_space<vmem>>, vector<1x16xi32>,
    %get3A_92 = vector.shape_cast %get3A_91 : vector<1x16xi32> to vector<16xi32>
    %ge3A_93 = arith.constant 0 : i32
    %ge3A_94 = vector.broadcast %ge3A_93 : i32 to vector<16xi32>
    %ge3A_95 = arith.cmpi sge, %get3A_92, %ge3A_94 : vector<16xi32>
    %lt3A_96 = arith.constant 4 : i32
    %lt3A_97 = vector.broadcast %lt3A_96 : i32 to vector<16xi32>
    %lt3A_98 = arith.cmpi slt, %get3A_92, %lt3A_97 : vector<16xi32>
    %and3A_99 = arith.andi %ge3A_95, %lt3A_98 : vector<16xi1>
    %jit3A_100 = arith.constant 1 : i32
    %jit3A_101 = arith.constant 0 : i32
    %broadcast_in_dim3A_102 = vector.broadcast %jit3A_100 : i32 to vector<16xi32>
    %broadcast_in_dim3A_103 = vector.broadcast %jit3A_101 : i32 to vector<16xi32>
    %select_n3A_104 = arith.select %and3A_99, %broadcast_in_dim3A_102, %broadcast_in_dim3A_103 : vector<16xi1>, vector<16xi32>
    %add3A_105 = arith.addi %add3A_87, %select_n3A_104 : vector<16xi32>
    %get3A_106 = arith.constant 0 : i32
    %get3A_107 = arith.index_cast %get3A_106 : i32 to index
    %get3A_108 = arith.constant 80 : index
    %get3A_109 = tpu.vector_load %arg6[%get3A_107, %get3A_108] {strides = array<i32>} : memref<65x100xi32, #tpu.memory_space<vmem>>, vector<1x16xi32>,
    %get3A_110 = vector.shape_cast %get3A_109 : vector<1x16xi32> to vector<16xi32>
    %ge3A_111 = arith.constant 0 : i32
    %ge3A_112 = vector.broadcast %ge3A_111 : i32 to vector<16xi32>
    %ge3A_113 = arith.cmpi sge, %get3A_110, %ge3A_112 : vector<16xi32>
    %lt3A_114 = arith.constant 4 : i32
    %lt3A_115 = vector.broadcast %lt3A_114 : i32 to vector<16xi32>
    %lt3A_116 = arith.cmpi slt, %get3A_110, %lt3A_115 : vector<16xi32>
    %and3A_117 = arith.andi %ge3A_113, %lt3A_116 : vector<16xi1>
    %jit3A_118 = arith.constant 1 : i32
    %jit3A_119 = arith.constant 0 : i32
    %broadcast_in_dim3A_120 = vector.broadcast %jit3A_118 : i32 to vector<16xi32>
    %broadcast_in_dim3A_121 = vector.broadcast %jit3A_119 : i32 to vector<16xi32>
    %select_n3A_122 = arith.select %and3A_117, %broadcast_in_dim3A_120, %broadcast_in_dim3A_121 : vector<16xi1>, vector<16xi32>
    %add3A_123 = arith.addi %add3A_105, %select_n3A_122 : vector<16xi32>
    %get3A_124 = arith.constant 0 : i32
    %get3A_125 = arith.index_cast %get3A_124 : i32 to index
    %get3A_126 = arith.constant 84 : index
    %get3A_127 = tpu.vector_load %arg6[%get3A_125, %get3A_126] {strides = array<i32>} : memref<65x100xi32, #tpu.memory_space<vmem>>, vector<1x16xi32>,
    %get3A_128 = vector.shape_cast %get3A_127 : vector<1x16xi32> to vector<16xi32>
    %ge3A_129 = arith.constant 0 : i32
    %ge3A_130 = vector.broadcast %ge3A_129 : i32 to vector<16xi32>
    %ge3A_131 = arith.cmpi sge, %get3A_128, %ge3A_130 : vector<16xi32>
    %lt3A_132 = arith.constant 4 : i32
    %lt3A_133 = vector.broadcast %lt3A_132 : i32 to vector<16xi32>
    %lt3A_134 = arith.cmpi slt, %get3A_128, %lt3A_133 : vector<16xi32>
    %and3A_135 = arith.andi %ge3A_131, %lt3A_134 : vector<16xi1>
    %jit3A_136 = arith.constant 1 : i32
    %jit3A_137 = arith.constant 0 : i32
    %broadcast_in_dim3A_138 = vector.broadcast %jit3A_136 : i32 to vector<16xi32>
    %broadcast_in_dim3A_139 = vector.broadcast %jit3A_137 : i32 to vector<16xi32>
    %select_n3A_140 = arith.select %and3A_135, %broadcast_in_dim3A_138, %broadcast_in_dim3A_139 : vector<16xi1>, vector<16xi32>
    %add3A_141 = arith.addi %add3A_123, %select_n3A_140 : vector<16xi32>
    %slice3A = vector.extract_strided_slice %add3A_141 {offsets = [0], sizes = [1], strides = [1]} : vector<16xi32> to vector<1xi32>
    %squeeze3A = vector.extract %slice3A[0] : i32 from vector<1xi32>
    %slice3A_142 = vector.extract_strided_slice %add3A_141 {offsets = [1], sizes = [1], strides = [1]} : vector<16xi32> to vector<1xi32>
    %squeeze3A_143 = vector.extract %slice3A_142[0] : i32 from vector<1xi32>
    %add3A_144 = arith.addi %squeeze3A, %squeeze3A_143 : i32
    %slice3A_145 = vector.extract_strided_slice %add3A_141 {offsets = [2], sizes = [1], strides = [1]} : vector<16xi32> to vector<1xi32>
    %squeeze3A_146 = vector.extract %slice3A_145[0] : i32 from vector<1xi32>
    %add3A_147 = arith.addi %add3A_144, %squeeze3A_146 : i32
    %slice3A_148 = vector.extract_strided_slice %add3A_141 {offsets = [3], sizes = [1], strides = [1]} : vector<16xi32> to vector<1xi32>
    %squeeze3A_149 = vector.extract %slice3A_148[0] : i32 from vector<1xi32>
    %add3A_150 = arith.addi %add3A_147, %squeeze3A_149 : i32
    %slice3A_151 = vector.extract_strided_slice %add3A_141 {offsets = [4], sizes = [1], strides = [1]} : vector<16xi32> to vector<1xi32>
    %squeeze3A_152 = vector.extract %slice3A_151[0] : i32 from vector<1xi32>
    %add3A_153 = arith.addi %add3A_150, %squeeze3A_152 : i32
    %slice3A_154 = vector.extract_strided_slice %add3A_141 {offsets = [5], sizes = [1], strides = [1]} : vector<16xi32> to vector<1xi32>
    %squeeze3A_155 = vector.extract %slice3A_154[0] : i32 from vector<1xi32>
    %add3A_156 = arith.addi %add3A_153, %squeeze3A_155 : i32
    %slice3A_157 = vector.extract_strided_slice %add3A_141 {offsets = [6], sizes = [1], strides = [1]} : vector<16xi32> to vector<1xi32>
    %squeeze3A_158 = vector.extract %slice3A_157[0] : i32 from vector<1xi32>
    %add3A_159 = arith.addi %add3A_156, %squeeze3A_158 : i32
    %slice3A_160 = vector.extract_strided_slice %add3A_141 {offsets = [7], sizes = [1], strides = [1]} : vector<16xi32> to vector<1xi32>
    %squeeze3A_161 = vector.extract %slice3A_160[0] : i32 from vector<1xi32>
    %add3A_162 = arith.addi %add3A_159, %squeeze3A_161 : i32
    %slice3A_163 = vector.extract_strided_slice %add3A_141 {offsets = [8], sizes = [1], strides = [1]} : vector<16xi32> to vector<1xi32>
    %squeeze3A_164 = vector.extract %slice3A_163[0] : i32 from vector<1xi32>
    %add3A_165 = arith.addi %add3A_162, %squeeze3A_164 : i32
    %slice3A_166 = vector.extract_strided_slice %add3A_141 {offsets = [9], sizes = [1], strides = [1]} : vector<16xi32> to vector<1xi32>
    %squeeze3A_167 = vector.extract %slice3A_166[0] : i32 from vector<1xi32>
    %add3A_168 = arith.addi %add3A_165, %squeeze3A_167 : i32
    %slice3A_169 = vector.extract_strided_slice %add3A_141 {offsets = [10], sizes = [1], strides = [1]} : vector<16xi32> to vector<1xi32>
    %squeeze3A_170 = vector.extract %slice3A_169[0] : i32 from vector<1xi32>
    %add3A_171 = arith.addi %add3A_168, %squeeze3A_170 : i32
    %slice3A_172 = vector.extract_strided_slice %add3A_141 {offsets = [11], sizes = [1], strides = [1]} : vector<16xi32> to vector<1xi32>
    %squeeze3A_173 = vector.extract %slice3A_172[0] : i32 from vector<1xi32>
    %add3A_174 = arith.addi %add3A_171, %squeeze3A_173 : i32
    %slice3A_175 = vector.extract_strided_slice %add3A_141 {offsets = [12], sizes = [1], strides = [1]} : vector<16xi32> to vector<1xi32>
    %squeeze3A_176 = vector.extract %slice3A_175[0] : i32 from vector<1xi32>
    %add3A_177 = arith.addi %add3A_174, %squeeze3A_176 : i32
    %slice3A_178 = vector.extract_strided_slice %add3A_141 {offsets = [13], sizes = [1], strides = [1]} : vector<16xi32> to vector<1xi32>
    %squeeze3A_179 = vector.extract %slice3A_178[0] : i32 from vector<1xi32>
    %add3A_180 = arith.addi %add3A_177, %squeeze3A_179 : i32
    %slice3A_181 = vector.extract_strided_slice %add3A_141 {offsets = [14], sizes = [1], strides = [1]} : vector<16xi32> to vector<1xi32>
    %squeeze3A_182 = vector.extract %slice3A_181[0] : i32 from vector<1xi32>
    %add3A_183 = arith.addi %add3A_180, %squeeze3A_182 : i32
    %slice3A_184 = vector.extract_strided_slice %add3A_141 {offsets = [15], sizes = [1], strides = [1]} : vector<16xi32> to vector<1xi32>
    %squeeze3A_185 = vector.extract %slice3A_184[0] : i32 from vector<1xi32>
    %add3A_186 = arith.addi %add3A_183, %squeeze3A_185 : i32
    %gt3A = arith.constant 0 : i32
    %gt3A_187 = arith.cmpi sgt, %add3A_186, %gt3A : i32
    %convert_element_type3A_188 = arith.extui %gt3A_187 : i1 to i32
    %cond3A_189 = arith.constant 0 : i32
    %cond3A_190 = arith.cmpi ne, %convert_element_type3A_188, %cond3A_189 : i32
    scf.if %cond3A_190 {
      %scan3A_1026 = arith.constant 0 : i32
      %scan3A_1027 = arith.constant 0 : i32
      %scan3A_1028 = arith.constant 100 : i32
      %scan3A_1029 = arith.addi %scan3A_1027, %scan3A_1028 : i32
      %scan3A_1030 = arith.constant 1 : i32
      scf.for %scan3A_1032 = %scan3A_1027 to %scan3A_1029 step %scan3A_1030  : i32 {
        %get3A_1033 = arith.constant 0 : i32
        %get3A_1034 = arith.index_cast %get3A_1033 : i32 to index
        %get3A_1035 = arith.index_cast %scan3A_1032 : i32 to index
        %get3A_1036 = tpu.vector_load %arg6[%get3A_1034, %get3A_1035] {strides = array<i32>} : memref<65x100xi32, #tpu.memory_space<vmem>>, vector<1x16xi32>,
        %get3A_1037 = vector.shape_cast %get3A_1036 : vector<1x16xi32> to vector<16xi32>
        %slice3A_1038 = vector.extract_strided_slice %get3A_1037 {offsets = [0], sizes = [1], strides = [1]} : vector<16xi32> to vector<1xi32>
        %squeeze3A_1039 = vector.extract %slice3A_1038[0] : i32 from vector<1xi32>
        %ge3A_1040 = arith.constant 0 : i32
        %ge3A_1041 = arith.cmpi sge, %squeeze3A_1039, %ge3A_1040 : i32
        %lt3A_1042 = arith.constant 4 : i32
        %lt3A_1043 = arith.cmpi slt, %squeeze3A_1039, %lt3A_1042 : i32
        %and3A_1044 = arith.andi %ge3A_1041, %lt3A_1043 : i1
        %convert_element_type3A_1045 = arith.extui %and3A_1044 : i1 to i32
        %cond3A_1046 = arith.constant 0 : i32
        %cond3A_1047 = arith.cmpi ne, %convert_element_type3A_1045, %cond3A_1046 : i32
        scf.if %cond3A_1047 {
          %sub3A = arith.constant 0 : i32
          %sub3A_1048 = arith.subi %squeeze3A_1039, %sub3A : i32
          "tpu.region"() ({
            %run_scoped3A = tpu.sem_alloc : memref<!tpu.dma_semaphore, #tpu.memory_space<semaphore_mem>>
            %dma_start3A_1049 = arith.constant 0 : i32
            %dma_start3A_1050 = tpu.memref_slice %arg8[%scan3A_1032, %dma_start3A_1049] : memref<100x128xf32, #tpu.memory_space<vmem>> -> memref<1x128xf32, #tpu.memory_space<vmem>>
            %dma_start3A_1051 = tpu.memref_squeeze %dma_start3A_1050 : memref<1x128xf32, #tpu.memory_space<vmem>> -> memref<128xf32, #tpu.memory_space<vmem>>
            %dma_start3A_1052 = arith.constant 0 : i32
            %dma_start3A_1053 = tpu.memref_slice %arg7[%sub3A_1048, %dma_start3A_1052] : memref<4x128xf32, #tpu.memory_space<vmem_shared>> -> memref<1x128xf32, #tpu.memory_space<vmem_shared>>
            %dma_start3A_1054 = tpu.memref_squeeze %dma_start3A_1053 : memref<1x128xf32, #tpu.memory_space<vmem_shared>> -> memref<128xf32, #tpu.memory_space<vmem_shared>>
            %dma_start3A_1055 = arith.constant 0 : i32
            %dma_start3A_1056 = tpu.memref_slice %arg8[%scan3A_1032, %dma_start3A_1055] : memref<100x128xf32, #tpu.memory_space<vmem>> -> memref<1x128xf32, #tpu.memory_space<vmem>>
            %dma_start3A_1057 = tpu.memref_squeeze %dma_start3A_1056 : memref<1x128xf32, #tpu.memory_space<vmem>> -> memref<128xf32, #tpu.memory_space<vmem>>
            %dma_start3A_1058 = arith.constant 0 : i32
            %dma_start3A_1059 = tpu.memref_slice %arg7[%sub3A_1048, %dma_start3A_1058] : memref<4x128xf32, #tpu.memory_space<vmem_shared>> -> memref<1x128xf32, #tpu.memory_space<vmem_shared>>
            %dma_start3A_1060 = tpu.memref_squeeze %dma_start3A_1059 : memref<1x128xf32, #tpu.memory_space<vmem_shared>> -> memref<128xf32, #tpu.memory_space<vmem_shared>>
            tpu.enqueue_dma source(%dma_start3A_1060 : memref<128xf32, #tpu.memory_space<vmem_shared>>) target(%dma_start3A_1057 : memref<128xf32, #tpu.memory_space<vmem>>) target_semaphore(%run_scoped3A : memref<!tpu.dma_semaphore, #tpu.memory_space<semaphore_mem>>)
            %dma_wait3A_1061 = arith.constant 0 : i32
            %dma_wait3A_1062 = tpu.memref_slice %arg8[%scan3A_1032, %dma_wait3A_1061] : memref<100x128xf32, #tpu.memory_space<vmem>> -> memref<1x128xf32, #tpu.memory_space<vmem>>
            %dma_wait3A_1063 = tpu.memref_squeeze %dma_wait3A_1062 : memref<1x128xf32, #tpu.memory_space<vmem>> -> memref<128xf32, #tpu.memory_space<vmem>>
            %dma_wait3A_1064 = arith.constant 0 : i32
            %dma_wait3A_1065 = tpu.memref_slice %arg7[%sub3A_1048, %dma_wait3A_1064] : memref<4x128xf32, #tpu.memory_space<vmem_shared>> -> memref<1x128xf32, #tpu.memory_space<vmem_shared>>
            %dma_wait3A_1066 = tpu.memref_squeeze %dma_wait3A_1065 : memref<1x128xf32, #tpu.memory_space<vmem_shared>> -> memref<128xf32, #tpu.memory_space<vmem_shared>>
            %dma_wait3A_1067 = arith.constant 0 : i32
            %dma_wait3A_1068 = tpu.memref_slice %arg8[%scan3A_1032, %dma_wait3A_1067] : memref<100x128xf32, #tpu.memory_space<vmem>> -> memref<1x128xf32, #tpu.memory_space<vmem>>
            %dma_wait3A_1069 = tpu.memref_squeeze %dma_wait3A_1068 : memref<1x128xf32, #tpu.memory_space<vmem>> -> memref<128xf32, #tpu.memory_space<vmem>>
            %dma_wait3A_1070 = arith.constant 0 : i32
            %dma_wait3A_1071 = tpu.memref_slice %arg7[%sub3A_1048, %dma_wait3A_1070] : memref<4x128xf32, #tpu.memory_space<vmem_shared>> -> memref<1x128xf32, #tpu.memory_space<vmem_shared>>
            %dma_wait3A_1072 = tpu.memref_squeeze %dma_wait3A_1071 : memref<1x128xf32, #tpu.memory_space<vmem_shared>> -> memref<128xf32, #tpu.memory_space<vmem_shared>>
            tpu.wait_dma2 semaphore(%run_scoped3A : memref<!tpu.dma_semaphore, #tpu.memory_space<semaphore_mem>>) src(%dma_wait3A_1072 : memref<128xf32, #tpu.memory_space<vmem_shared>>) dst(%dma_wait3A_1069 : memref<128xf32, #tpu.memory_space<vmem>>)
            tpu.yield
          }) : () -> ()
        } else {
        }
      }
      %scan3A_1031 = arith.constant 100 : i32
    } else {
    }
    %add3A_191 = arith.constant 0 : i32
    %add3A_192 = arith.addi %mul3A_2, %add3A_191 : i32
    %add3A_193 = arith.constant 0 : i32
    %add3A_194 = arith.addi %add3A_192, %add3A_193 : i32
    %dma_start3A_195 = arith.constant 0 : i32
    %dma_start3A_196 = arith.constant 0 : i32
    %dma_start3A_197 = tpu.memref_slice %arg8[%dma_start3A_195, %dma_start3A_196] : memref<100x128xf32, #tpu.memory_space<vmem>> -> memref<50x128xf32, #tpu.memory_space<vmem>>
    %dma_start3A_198 = arith.constant 0 : i32
    %dma_start3A_199 = arith.constant 0 : i32
    %dma_start3A_200 = tpu.memref_slice %arg5[%add3A_194, %dma_start3A_198, %dma_start3A_199] : memref<4096x50x128xf32, #tpu.memory_space<hbm>> -> memref<1x50x128xf32, #tpu.memory_space<hbm>>
    %dma_start3A_201 = tpu.memref_squeeze %dma_start3A_200 : memref<1x50x128xf32, #tpu.memory_space<hbm>> -> memref<50x128xf32, #tpu.memory_space<hbm>>
    %dma_start3A_202 = arith.constant 0 : i32
    %dma_start3A_203 = arith.constant 0 : i32
    %dma_start3A_204 = tpu.memref_slice %arg5[%add3A_194, %dma_start3A_202, %dma_start3A_203] : memref<4096x50x128xf32, #tpu.memory_space<hbm>> -> memref<1x50x128xf32, #tpu.memory_space<hbm>>
    %dma_start3A_205 = tpu.memref_squeeze %dma_start3A_204 : memref<1x50x128xf32, #tpu.memory_space<hbm>> -> memref<50x128xf32, #tpu.memory_space<hbm>>
    %dma_start3A_206 = arith.constant 0 : i32
    %dma_start3A_207 = arith.constant 0 : i32
    %dma_start3A_208 = tpu.memref_slice %arg8[%dma_start3A_206, %dma_start3A_207] : memref<100x128xf32, #tpu.memory_space<vmem>> -> memref<50x128xf32, #tpu.memory_space<vmem>>
    tpu.enqueue_dma source(%dma_start3A_208 : memref<50x128xf32, #tpu.memory_space<vmem>>) target(%dma_start3A_205 : memref<50x128xf32, #tpu.memory_space<hbm>>) target_semaphore(%arg16 : memref<!tpu.dma_semaphore, #tpu.memory_space<semaphore_mem>>)
    %add3A_209 = arith.constant 0 : i32
    %add3A_210 = arith.addi %mul3A_2, %add3A_209 : i32
    %add3A_211 = arith.constant 1 : i32
    %add3A_212 = arith.addi %add3A_210, %add3A_211 : i32
    %dma_start3A_213 = arith.constant 50 : i32
    %dma_start3A_214 = arith.constant 0 : i32
    %dma_start3A_215 = tpu.memref_slice %arg8[%dma_start3A_213, %dma_start3A_214] : memref<100x128xf32, #tpu.memory_space<vmem>> -> memref<50x128xf32, #tpu.memory_space<vmem>>
    %dma_start3A_216 = arith.constant 0 : i32
    %dma_start3A_217 = arith.constant 0 : i32
    %dma_start3A_218 = tpu.memref_slice %arg5[%add3A_212, %dma_start3A_216, %dma_start3A_217] : memref<4096x50x128xf32, #tpu.memory_space<hbm>> -> memref<1x50x128xf32, #tpu.memory_space<hbm>>
    %dma_start3A_219 = tpu.memref_squeeze %dma_start3A_218 : memref<1x50x128xf32, #tpu.memory_space<hbm>> -> memref<50x128xf32, #tpu.memory_space<hbm>>
    %dma_start3A_220 = arith.constant 0 : i32
    %dma_start3A_221 = arith.constant 0 : i32
    %dma_start3A_222 = tpu.memref_slice %arg5[%add3A_212, %dma_start3A_220, %dma_start3A_221] : memref<4096x50x128xf32, #tpu.memory_space<hbm>> -> memref<1x50x128xf32, #tpu.memory_space<hbm>>
    %dma_start3A_223 = tpu.memref_squeeze %dma_start3A_222 : memref<1x50x128xf32, #tpu.memory_space<hbm>> -> memref<50x128xf32, #tpu.memory_space<hbm>>
    %dma_start3A_224 = arith.constant 50 : i32
    %dma_start3A_225 = arith.constant 0 : i32
    %dma_start3A_226 = tpu.memref_slice %arg8[%dma_start3A_224, %dma_start3A_225] : memref<100x128xf32, #tpu.memory_space<vmem>> -> memref<50x128xf32, #tpu.memory_space<vmem>>
    tpu.enqueue_dma source(%dma_start3A_226 : memref<50x128xf32, #tpu.memory_space<vmem>>) target(%dma_start3A_223 : memref<50x128xf32, #tpu.memory_space<hbm>>) target_semaphore(%arg16 : memref<!tpu.dma_semaphore, #tpu.memory_space<semaphore_mem>>)
    %dma_start3A_227 = arith.constant 2 : i32
    %dma_start3A_228 = arith.constant 0 : i32
    %dma_start3A_229 = tpu.memref_slice %arg6[%dma_start3A_227, %dma_start3A_228] : memref<65x100xi32, #tpu.memory_space<vmem>> -> memref<1x100xi32, #tpu.memory_space<vmem>>
    %dma_start3A_230 = tpu.memref_squeeze %dma_start3A_229 : memref<1x100xi32, #tpu.memory_space<vmem>> -> memref<100xi32, #tpu.memory_space<vmem>>
    %dma_start3A_231 = arith.constant 0 : i32
    %dma_start3A_232 = arith.constant 0 : i32
    %dma_start3A_233 = tpu.memref_slice %arg3[%dma_start3A_231, %dma_start3A_232] : memref<100000x128xf32, #tpu.memory_space<hbm>> -> memref<100000x128xf32, #tpu.memory_space<hbm>>
    tpu.enqueue_indirect_dma source(%dma_start3A_233 : memref<100000x128xf32, #tpu.memory_space<hbm>>) target(%arg10 : memref<100x128xf32, #tpu.memory_space<vmem>>) offsets(%dma_start3A_230 : memref<100xi32, #tpu.memory_space<vmem>>) semaphore(%arg14 : memref<!tpu.dma_semaphore, #tpu.memory_space<semaphore_mem>>)
    %dma_wait3A_234 = arith.constant 0 : i32
    %dma_wait3A_235 = arith.constant 0 : i32
    %dma_wait3A_236 = tpu.memref_slice %arg6[%dma_wait3A_234, %dma_wait3A_235] : memref<65x100xi32, #tpu.memory_space<vmem>> -> memref<1x100xi32, #tpu.memory_space<vmem>>
    %dma_wait3A_237 = tpu.memref_squeeze %dma_wait3A_236 : memref<1x100xi32, #tpu.memory_space<vmem>> -> memref<100xi32, #tpu.memory_space<vmem>>
    %dma_wait3A_238 = arith.constant 0 : i32
    %dma_wait3A_239 = arith.constant 0 : i32
    %dma_wait3A_240 = tpu.memref_slice %arg3[%dma_wait3A_238, %dma_wait3A_239] : memref<100000x128xf32, #tpu.memory_space<hbm>> -> memref<100000x128xf32, #tpu.memory_space<hbm>>
    tpu.wait_indirect_dma semaphore(%arg13 : memref<!tpu.dma_semaphore, #tpu.memory_space<semaphore_mem>>) src(%dma_wait3A_240 : memref<100000x128xf32, #tpu.memory_space<hbm>>) dst(%arg9 : memref<100x128xf32, #tpu.memory_space<vmem>>)
    %get3A_241 = arith.constant 1 : i32
    %get3A_242 = arith.index_cast %get3A_241 : i32 to index
    %get3A_243 = arith.constant 0 : index
    %get3A_244 = tpu.vector_load %arg6[%get3A_242, %get3A_243] {strides = array<i32>} : memref<65x100xi32, #tpu.memory_space<vmem>>, vector<1x16xi32>,
    %get3A_245 = vector.shape_cast %get3A_244 : vector<1x16xi32> to vector<16xi32>
    %ge3A_246 = arith.constant 0 : i32
    %ge3A_247 = vector.broadcast %ge3A_246 : i32 to vector<16xi32>
    %ge3A_248 = arith.cmpi sge, %get3A_245, %ge3A_247 : vector<16xi32>
    %lt3A_249 = arith.constant 4 : i32
    %lt3A_250 = vector.broadcast %lt3A_249 : i32 to vector<16xi32>
    %lt3A_251 = arith.cmpi slt, %get3A_245, %lt3A_250 : vector<16xi32>
    %and3A_252 = arith.andi %ge3A_248, %lt3A_251 : vector<16xi1>
    %jit3A_253 = arith.constant 1 : i32
    %jit3A_254 = arith.constant 0 : i32
    %broadcast_in_dim3A_255 = vector.broadcast %jit3A_253 : i32 to vector<16xi32>
    %broadcast_in_dim3A_256 = vector.broadcast %jit3A_254 : i32 to vector<16xi32>
    %select_n3A_257 = arith.select %and3A_252, %broadcast_in_dim3A_255, %broadcast_in_dim3A_256 : vector<16xi1>, vector<16xi32>
    %get3A_258 = arith.constant 1 : i32
    %get3A_259 = arith.index_cast %get3A_258 : i32 to index
    %get3A_260 = arith.constant 16 : index
    %get3A_261 = tpu.vector_load %arg6[%get3A_259, %get3A_260] {strides = array<i32>} : memref<65x100xi32, #tpu.memory_space<vmem>>, vector<1x16xi32>,
    %get3A_262 = vector.shape_cast %get3A_261 : vector<1x16xi32> to vector<16xi32>
    %ge3A_263 = arith.constant 0 : i32
    %ge3A_264 = vector.broadcast %ge3A_263 : i32 to vector<16xi32>
    %ge3A_265 = arith.cmpi sge, %get3A_262, %ge3A_264 : vector<16xi32>
    %lt3A_266 = arith.constant 4 : i32
    %lt3A_267 = vector.broadcast %lt3A_266 : i32 to vector<16xi32>
    %lt3A_268 = arith.cmpi slt, %get3A_262, %lt3A_267 : vector<16xi32>
    %and3A_269 = arith.andi %ge3A_265, %lt3A_268 : vector<16xi1>
    %jit3A_270 = arith.constant 1 : i32
    %jit3A_271 = arith.constant 0 : i32
    %broadcast_in_dim3A_272 = vector.broadcast %jit3A_270 : i32 to vector<16xi32>
    %broadcast_in_dim3A_273 = vector.broadcast %jit3A_271 : i32 to vector<16xi32>
    %select_n3A_274 = arith.select %and3A_269, %broadcast_in_dim3A_272, %broadcast_in_dim3A_273 : vector<16xi1>, vector<16xi32>
    %add3A_275 = arith.addi %select_n3A_257, %select_n3A_274 : vector<16xi32>
    %get3A_276 = arith.constant 1 : i32
    %get3A_277 = arith.index_cast %get3A_276 : i32 to index
    %get3A_278 = arith.constant 32 : index
    %get3A_279 = tpu.vector_load %arg6[%get3A_277, %get3A_278] {strides = array<i32>} : memref<65x100xi32, #tpu.memory_space<vmem>>, vector<1x16xi32>,
    %get3A_280 = vector.shape_cast %get3A_279 : vector<1x16xi32> to vector<16xi32>
    %ge3A_281 = arith.constant 0 : i32
    %ge3A_282 = vector.broadcast %ge3A_281 : i32 to vector<16xi32>
    %ge3A_283 = arith.cmpi sge, %get3A_280, %ge3A_282 : vector<16xi32>
    %lt3A_284 = arith.constant 4 : i32
    %lt3A_285 = vector.broadcast %lt3A_284 : i32 to vector<16xi32>
    %lt3A_286 = arith.cmpi slt, %get3A_280, %lt3A_285 : vector<16xi32>
    %and3A_287 = arith.andi %ge3A_283, %lt3A_286 : vector<16xi1>
    %jit3A_288 = arith.constant 1 : i32
    %jit3A_289 = arith.constant 0 : i32
    %broadcast_in_dim3A_290 = vector.broadcast %jit3A_288 : i32 to vector<16xi32>
    %broadcast_in_dim3A_291 = vector.broadcast %jit3A_289 : i32 to vector<16xi32>
    %select_n3A_292 = arith.select %and3A_287, %broadcast_in_dim3A_290, %broadcast_in_dim3A_291 : vector<16xi1>, vector<16xi32>
    %add3A_293 = arith.addi %add3A_275, %select_n3A_292 : vector<16xi32>
    %get3A_294 = arith.constant 1 : i32
    %get3A_295 = arith.index_cast %get3A_294 : i32 to index
    %get3A_296 = arith.constant 48 : index
    %get3A_297 = tpu.vector_load %arg6[%get3A_295, %get3A_296] {strides = array<i32>} : memref<65x100xi32, #tpu.memory_space<vmem>>, vector<1x16xi32>,
    %get3A_298 = vector.shape_cast %get3A_297 : vector<1x16xi32> to vector<16xi32>
    %ge3A_299 = arith.constant 0 : i32
    %ge3A_300 = vector.broadcast %ge3A_299 : i32 to vector<16xi32>
    %ge3A_301 = arith.cmpi sge, %get3A_298, %ge3A_300 : vector<16xi32>
    %lt3A_302 = arith.constant 4 : i32
    %lt3A_303 = vector.broadcast %lt3A_302 : i32 to vector<16xi32>
    %lt3A_304 = arith.cmpi slt, %get3A_298, %lt3A_303 : vector<16xi32>
    %and3A_305 = arith.andi %ge3A_301, %lt3A_304 : vector<16xi1>
    %jit3A_306 = arith.constant 1 : i32
    %jit3A_307 = arith.constant 0 : i32
    %broadcast_in_dim3A_308 = vector.broadcast %jit3A_306 : i32 to vector<16xi32>
    %broadcast_in_dim3A_309 = vector.broadcast %jit3A_307 : i32 to vector<16xi32>
    %select_n3A_310 = arith.select %and3A_305, %broadcast_in_dim3A_308, %broadcast_in_dim3A_309 : vector<16xi1>, vector<16xi32>
    %add3A_311 = arith.addi %add3A_293, %select_n3A_310 : vector<16xi32>
    %get3A_312 = arith.constant 1 : i32
    %get3A_313 = arith.index_cast %get3A_312 : i32 to index
    %get3A_314 = arith.constant 64 : index
    %get3A_315 = tpu.vector_load %arg6[%get3A_313, %get3A_314] {strides = array<i32>} : memref<65x100xi32, #tpu.memory_space<vmem>>, vector<1x16xi32>,
    %get3A_316 = vector.shape_cast %get3A_315 : vector<1x16xi32> to vector<16xi32>
    %ge3A_317 = arith.constant 0 : i32
    %ge3A_318 = vector.broadcast %ge3A_317 : i32 to vector<16xi32>
    %ge3A_319 = arith.cmpi sge, %get3A_316, %ge3A_318 : vector<16xi32>
    %lt3A_320 = arith.constant 4 : i32
    %lt3A_321 = vector.broadcast %lt3A_320 : i32 to vector<16xi32>
    %lt3A_322 = arith.cmpi slt, %get3A_316, %lt3A_321 : vector<16xi32>
    %and3A_323 = arith.andi %ge3A_319, %lt3A_322 : vector<16xi1>
    %jit3A_324 = arith.constant 1 : i32
    %jit3A_325 = arith.constant 0 : i32
    %broadcast_in_dim3A_326 = vector.broadcast %jit3A_324 : i32 to vector<16xi32>
    %broadcast_in_dim3A_327 = vector.broadcast %jit3A_325 : i32 to vector<16xi32>
    %select_n3A_328 = arith.select %and3A_323, %broadcast_in_dim3A_326, %broadcast_in_dim3A_327 : vector<16xi1>, vector<16xi32>
    %add3A_329 = arith.addi %add3A_311, %select_n3A_328 : vector<16xi32>
    %get3A_330 = arith.constant 1 : i32
    %get3A_331 = arith.index_cast %get3A_330 : i32 to index
    %get3A_332 = arith.constant 80 : index
    %get3A_333 = tpu.vector_load %arg6[%get3A_331, %get3A_332] {strides = array<i32>} : memref<65x100xi32, #tpu.memory_space<vmem>>, vector<1x16xi32>,
    %get3A_334 = vector.shape_cast %get3A_333 : vector<1x16xi32> to vector<16xi32>
    %ge3A_335 = arith.constant 0 : i32
    %ge3A_336 = vector.broadcast %ge3A_335 : i32 to vector<16xi32>
    %ge3A_337 = arith.cmpi sge, %get3A_334, %ge3A_336 : vector<16xi32>
    %lt3A_338 = arith.constant 4 : i32
    %lt3A_339 = vector.broadcast %lt3A_338 : i32 to vector<16xi32>
    %lt3A_340 = arith.cmpi slt, %get3A_334, %lt3A_339 : vector<16xi32>
    %and3A_341 = arith.andi %ge3A_337, %lt3A_340 : vector<16xi1>
    %jit3A_342 = arith.constant 1 : i32
    %jit3A_343 = arith.constant 0 : i32
    %broadcast_in_dim3A_344 = vector.broadcast %jit3A_342 : i32 to vector<16xi32>
    %broadcast_in_dim3A_345 = vector.broadcast %jit3A_343 : i32 to vector<16xi32>
    %select_n3A_346 = arith.select %and3A_341, %broadcast_in_dim3A_344, %broadcast_in_dim3A_345 : vector<16xi1>, vector<16xi32>
    %add3A_347 = arith.addi %add3A_329, %select_n3A_346 : vector<16xi32>
    %get3A_348 = arith.constant 1 : i32
    %get3A_349 = arith.index_cast %get3A_348 : i32 to index
    %get3A_350 = arith.constant 84 : index
    %get3A_351 = tpu.vector_load %arg6[%get3A_349, %get3A_350] {strides = array<i32>} : memref<65x100xi32, #tpu.memory_space<vmem>>, vector<1x16xi32>,
    %get3A_352 = vector.shape_cast %get3A_351 : vector<1x16xi32> to vector<16xi32>
    %ge3A_353 = arith.constant 0 : i32
    %ge3A_354 = vector.broadcast %ge3A_353 : i32 to vector<16xi32>
    %ge3A_355 = arith.cmpi sge, %get3A_352, %ge3A_354 : vector<16xi32>
    %lt3A_356 = arith.constant 4 : i32
    %lt3A_357 = vector.broadcast %lt3A_356 : i32 to vector<16xi32>
    %lt3A_358 = arith.cmpi slt, %get3A_352, %lt3A_357 : vector<16xi32>
    %and3A_359 = arith.andi %ge3A_355, %lt3A_358 : vector<16xi1>
    %jit3A_360 = arith.constant 1 : i32
    %jit3A_361 = arith.constant 0 : i32
    %broadcast_in_dim3A_362 = vector.broadcast %jit3A_360 : i32 to vector<16xi32>
    %broadcast_in_dim3A_363 = vector.broadcast %jit3A_361 : i32 to vector<16xi32>
    %select_n3A_364 = arith.select %and3A_359, %broadcast_in_dim3A_362, %broadcast_in_dim3A_363 : vector<16xi1>, vector<16xi32>
    %add3A_365 = arith.addi %add3A_347, %select_n3A_364 : vector<16xi32>
    %slice3A_366 = vector.extract_strided_slice %add3A_365 {offsets = [0], sizes = [1], strides = [1]} : vector<16xi32> to vector<1xi32>
    %squeeze3A_367 = vector.extract %slice3A_366[0] : i32 from vector<1xi32>
    %slice3A_368 = vector.extract_strided_slice %add3A_365 {offsets = [1], sizes = [1], strides = [1]} : vector<16xi32> to vector<1xi32>
    %squeeze3A_369 = vector.extract %slice3A_368[0] : i32 from vector<1xi32>
    %add3A_370 = arith.addi %squeeze3A_367, %squeeze3A_369 : i32
    %slice3A_371 = vector.extract_strided_slice %add3A_365 {offsets = [2], sizes = [1], strides = [1]} : vector<16xi32> to vector<1xi32>
    %squeeze3A_372 = vector.extract %slice3A_371[0] : i32 from vector<1xi32>
    %add3A_373 = arith.addi %add3A_370, %squeeze3A_372 : i32
    %slice3A_374 = vector.extract_strided_slice %add3A_365 {offsets = [3], sizes = [1], strides = [1]} : vector<16xi32> to vector<1xi32>
    %squeeze3A_375 = vector.extract %slice3A_374[0] : i32 from vector<1xi32>
    %add3A_376 = arith.addi %add3A_373, %squeeze3A_375 : i32
    %slice3A_377 = vector.extract_strided_slice %add3A_365 {offsets = [4], sizes = [1], strides = [1]} : vector<16xi32> to vector<1xi32>
    %squeeze3A_378 = vector.extract %slice3A_377[0] : i32 from vector<1xi32>
    %add3A_379 = arith.addi %add3A_376, %squeeze3A_378 : i32
    %slice3A_380 = vector.extract_strided_slice %add3A_365 {offsets = [5], sizes = [1], strides = [1]} : vector<16xi32> to vector<1xi32>
    %squeeze3A_381 = vector.extract %slice3A_380[0] : i32 from vector<1xi32>
    %add3A_382 = arith.addi %add3A_379, %squeeze3A_381 : i32
    %slice3A_383 = vector.extract_strided_slice %add3A_365 {offsets = [6], sizes = [1], strides = [1]} : vector<16xi32> to vector<1xi32>
    %squeeze3A_384 = vector.extract %slice3A_383[0] : i32 from vector<1xi32>
    %add3A_385 = arith.addi %add3A_382, %squeeze3A_384 : i32
    %slice3A_386 = vector.extract_strided_slice %add3A_365 {offsets = [7], sizes = [1], strides = [1]} : vector<16xi32> to vector<1xi32>
    %squeeze3A_387 = vector.extract %slice3A_386[0] : i32 from vector<1xi32>
    %add3A_388 = arith.addi %add3A_385, %squeeze3A_387 : i32
    %slice3A_389 = vector.extract_strided_slice %add3A_365 {offsets = [8], sizes = [1], strides = [1]} : vector<16xi32> to vector<1xi32>
    %squeeze3A_390 = vector.extract %slice3A_389[0] : i32 from vector<1xi32>
    %add3A_391 = arith.addi %add3A_388, %squeeze3A_390 : i32
    %slice3A_392 = vector.extract_strided_slice %add3A_365 {offsets = [9], sizes = [1], strides = [1]} : vector<16xi32> to vector<1xi32>
    %squeeze3A_393 = vector.extract %slice3A_392[0] : i32 from vector<1xi32>
    %add3A_394 = arith.addi %add3A_391, %squeeze3A_393 : i32
    %slice3A_395 = vector.extract_strided_slice %add3A_365 {offsets = [10], sizes = [1], strides = [1]} : vector<16xi32> to vector<1xi32>
    %squeeze3A_396 = vector.extract %slice3A_395[0] : i32 from vector<1xi32>
    %add3A_397 = arith.addi %add3A_394, %squeeze3A_396 : i32
    %slice3A_398 = vector.extract_strided_slice %add3A_365 {offsets = [11], sizes = [1], strides = [1]} : vector<16xi32> to vector<1xi32>
    %squeeze3A_399 = vector.extract %slice3A_398[0] : i32 from vector<1xi32>
    %add3A_400 = arith.addi %add3A_397, %squeeze3A_399 : i32
    %slice3A_401 = vector.extract_strided_slice %add3A_365 {offsets = [12], sizes = [1], strides = [1]} : vector<16xi32> to vector<1xi32>
    %squeeze3A_402 = vector.extract %slice3A_401[0] : i32 from vector<1xi32>
    %add3A_403 = arith.addi %add3A_400, %squeeze3A_402 : i32
    %slice3A_404 = vector.extract_strided_slice %add3A_365 {offsets = [13], sizes = [1], strides = [1]} : vector<16xi32> to vector<1xi32>
    %squeeze3A_405 = vector.extract %slice3A_404[0] : i32 from vector<1xi32>
    %add3A_406 = arith.addi %add3A_403, %squeeze3A_405 : i32
    %slice3A_407 = vector.extract_strided_slice %add3A_365 {offsets = [14], sizes = [1], strides = [1]} : vector<16xi32> to vector<1xi32>
    %squeeze3A_408 = vector.extract %slice3A_407[0] : i32 from vector<1xi32>
    %add3A_409 = arith.addi %add3A_406, %squeeze3A_408 : i32
    %slice3A_410 = vector.extract_strided_slice %add3A_365 {offsets = [15], sizes = [1], strides = [1]} : vector<16xi32> to vector<1xi32>
    %squeeze3A_411 = vector.extract %slice3A_410[0] : i32 from vector<1xi32>
    %add3A_412 = arith.addi %add3A_409, %squeeze3A_411 : i32
    %gt3A_413 = arith.constant 0 : i32
    %gt3A_414 = arith.cmpi sgt, %add3A_412, %gt3A_413 : i32
    %convert_element_type3A_415 = arith.extui %gt3A_414 : i1 to i32
    %cond3A_416 = arith.constant 0 : i32
    %cond3A_417 = arith.cmpi ne, %convert_element_type3A_415, %cond3A_416 : i32
    scf.if %cond3A_417 {
      %scan3A_1026 = arith.constant 0 : i32
      %scan3A_1027 = arith.constant 0 : i32
      %scan3A_1028 = arith.constant 100 : i32
      %scan3A_1029 = arith.addi %scan3A_1027, %scan3A_1028 : i32
      %scan3A_1030 = arith.constant 1 : i32
      scf.for %scan3A_1032 = %scan3A_1027 to %scan3A_1029 step %scan3A_1030  : i32 {
        %get3A_1033 = arith.constant 1 : i32
        %get3A_1034 = arith.index_cast %get3A_1033 : i32 to index
        %get3A_1035 = arith.index_cast %scan3A_1032 : i32 to index
        %get3A_1036 = tpu.vector_load %arg6[%get3A_1034, %get3A_1035] {strides = array<i32>} : memref<65x100xi32, #tpu.memory_space<vmem>>, vector<1x16xi32>,
        %get3A_1037 = vector.shape_cast %get3A_1036 : vector<1x16xi32> to vector<16xi32>
        %slice3A_1038 = vector.extract_strided_slice %get3A_1037 {offsets = [0], sizes = [1], strides = [1]} : vector<16xi32> to vector<1xi32>
        %squeeze3A_1039 = vector.extract %slice3A_1038[0] : i32 from vector<1xi32>
        %ge3A_1040 = arith.constant 0 : i32
        %ge3A_1041 = arith.cmpi sge, %squeeze3A_1039, %ge3A_1040 : i32
        %lt3A_1042 = arith.constant 4 : i32
        %lt3A_1043 = arith.cmpi slt, %squeeze3A_1039, %lt3A_1042 : i32
        %and3A_1044 = arith.andi %ge3A_1041, %lt3A_1043 : i1
        %convert_element_type3A_1045 = arith.extui %and3A_1044 : i1 to i32
        %cond3A_1046 = arith.constant 0 : i32
        %cond3A_1047 = arith.cmpi ne, %convert_element_type3A_1045, %cond3A_1046 : i32
        scf.if %cond3A_1047 {
          %sub3A = arith.constant 0 : i32
          %sub3A_1048 = arith.subi %squeeze3A_1039, %sub3A : i32
          "tpu.region"() ({
            %run_scoped3A = tpu.sem_alloc : memref<!tpu.dma_semaphore, #tpu.memory_space<semaphore_mem>>
            %dma_start3A_1049 = arith.constant 0 : i32
            %dma_start3A_1050 = tpu.memref_slice %arg9[%scan3A_1032, %dma_start3A_1049] : memref<100x128xf32, #tpu.memory_space<vmem>> -> memref<1x128xf32, #tpu.memory_space<vmem>>
            %dma_start3A_1051 = tpu.memref_squeeze %dma_start3A_1050 : memref<1x128xf32, #tpu.memory_space<vmem>> -> memref<128xf32, #tpu.memory_space<vmem>>
            %dma_start3A_1052 = arith.constant 0 : i32
            %dma_start3A_1053 = tpu.memref_slice %arg7[%sub3A_1048, %dma_start3A_1052] : memref<4x128xf32, #tpu.memory_space<vmem_shared>> -> memref<1x128xf32, #tpu.memory_space<vmem_shared>>
            %dma_start3A_1054 = tpu.memref_squeeze %dma_start3A_1053 : memref<1x128xf32, #tpu.memory_space<vmem_shared>> -> memref<128xf32, #tpu.memory_space<vmem_shared>>
            %dma_start3A_1055 = arith.constant 0 : i32
            %dma_start3A_1056 = tpu.memref_slice %arg9[%scan3A_1032, %dma_start3A_1055] : memref<100x128xf32, #tpu.memory_space<vmem>> -> memref<1x128xf32, #tpu.memory_space<vmem>>
            %dma_start3A_1057 = tpu.memref_squeeze %dma_start3A_1056 : memref<1x128xf32, #tpu.memory_space<vmem>> -> memref<128xf32, #tpu.memory_space<vmem>>
            %dma_start3A_1058 = arith.constant 0 : i32
            %dma_start3A_1059 = tpu.memref_slice %arg7[%sub3A_1048, %dma_start3A_1058] : memref<4x128xf32, #tpu.memory_space<vmem_shared>> -> memref<1x128xf32, #tpu.memory_space<vmem_shared>>
            %dma_start3A_1060 = tpu.memref_squeeze %dma_start3A_1059 : memref<1x128xf32, #tpu.memory_space<vmem_shared>> -> memref<128xf32, #tpu.memory_space<vmem_shared>>
            tpu.enqueue_dma source(%dma_start3A_1060 : memref<128xf32, #tpu.memory_space<vmem_shared>>) target(%dma_start3A_1057 : memref<128xf32, #tpu.memory_space<vmem>>) target_semaphore(%run_scoped3A : memref<!tpu.dma_semaphore, #tpu.memory_space<semaphore_mem>>)
            %dma_wait3A_1061 = arith.constant 0 : i32
            %dma_wait3A_1062 = tpu.memref_slice %arg9[%scan3A_1032, %dma_wait3A_1061] : memref<100x128xf32, #tpu.memory_space<vmem>> -> memref<1x128xf32, #tpu.memory_space<vmem>>
            %dma_wait3A_1063 = tpu.memref_squeeze %dma_wait3A_1062 : memref<1x128xf32, #tpu.memory_space<vmem>> -> memref<128xf32, #tpu.memory_space<vmem>>
            %dma_wait3A_1064 = arith.constant 0 : i32
            %dma_wait3A_1065 = tpu.memref_slice %arg7[%sub3A_1048, %dma_wait3A_1064] : memref<4x128xf32, #tpu.memory_space<vmem_shared>> -> memref<1x128xf32, #tpu.memory_space<vmem_shared>>
            %dma_wait3A_1066 = tpu.memref_squeeze %dma_wait3A_1065 : memref<1x128xf32, #tpu.memory_space<vmem_shared>> -> memref<128xf32, #tpu.memory_space<vmem_shared>>
            %dma_wait3A_1067 = arith.constant 0 : i32
            %dma_wait3A_1068 = tpu.memref_slice %arg9[%scan3A_1032, %dma_wait3A_1067] : memref<100x128xf32, #tpu.memory_space<vmem>> -> memref<1x128xf32, #tpu.memory_space<vmem>>
            %dma_wait3A_1069 = tpu.memref_squeeze %dma_wait3A_1068 : memref<1x128xf32, #tpu.memory_space<vmem>> -> memref<128xf32, #tpu.memory_space<vmem>>
            %dma_wait3A_1070 = arith.constant 0 : i32
            %dma_wait3A_1071 = tpu.memref_slice %arg7[%sub3A_1048, %dma_wait3A_1070] : memref<4x128xf32, #tpu.memory_space<vmem_shared>> -> memref<1x128xf32, #tpu.memory_space<vmem_shared>>
            %dma_wait3A_1072 = tpu.memref_squeeze %dma_wait3A_1071 : memref<1x128xf32, #tpu.memory_space<vmem_shared>> -> memref<128xf32, #tpu.memory_space<vmem_shared>>
            tpu.wait_dma2 semaphore(%run_scoped3A : memref<!tpu.dma_semaphore, #tpu.memory_space<semaphore_mem>>) src(%dma_wait3A_1072 : memref<128xf32, #tpu.memory_space<vmem_shared>>) dst(%dma_wait3A_1069 : memref<128xf32, #tpu.memory_space<vmem>>)
            tpu.yield
          }) : () -> ()
        } else {
        }
      }
      %scan3A_1031 = arith.constant 100 : i32
    } else {
    }
    %add3A_418 = arith.constant 2 : i32
    %add3A_419 = arith.addi %mul3A_2, %add3A_418 : i32
    %add3A_420 = arith.constant 0 : i32
    %add3A_421 = arith.addi %add3A_419, %add3A_420 : i32
    %dma_start3A_422 = arith.constant 0 : i32
    %dma_start3A_423 = arith.constant 0 : i32
    %dma_start3A_424 = tpu.memref_slice %arg9[%dma_start3A_422, %dma_start3A_423] : memref<100x128xf32, #tpu.memory_space<vmem>> -> memref<50x128xf32, #tpu.memory_space<vmem>>
    %dma_start3A_425 = arith.constant 0 : i32
    %dma_start3A_426 = arith.constant 0 : i32
    %dma_start3A_427 = tpu.memref_slice %arg5[%add3A_421, %dma_start3A_425, %dma_start3A_426] : memref<4096x50x128xf32, #tpu.memory_space<hbm>> -> memref<1x50x128xf32, #tpu.memory_space<hbm>>
    %dma_start3A_428 = tpu.memref_squeeze %dma_start3A_427 : memref<1x50x128xf32, #tpu.memory_space<hbm>> -> memref<50x128xf32, #tpu.memory_space<hbm>>
    %dma_start3A_429 = arith.constant 0 : i32
    %dma_start3A_430 = arith.constant 0 : i32
    %dma_start3A_431 = tpu.memref_slice %arg5[%add3A_421, %dma_start3A_429, %dma_start3A_430] : memref<4096x50x128xf32, #tpu.memory_space<hbm>> -> memref<1x50x128xf32, #tpu.memory_space<hbm>>
    %dma_start3A_432 = tpu.memref_squeeze %dma_start3A_431 : memref<1x50x128xf32, #tpu.memory_space<hbm>> -> memref<50x128xf32, #tpu.memory_space<hbm>>
    %dma_start3A_433 = arith.constant 0 : i32
    %dma_start3A_434 = arith.constant 0 : i32
    %dma_start3A_435 = tpu.memref_slice %arg9[%dma_start3A_433, %dma_start3A_434] : memref<100x128xf32, #tpu.memory_space<vmem>> -> memref<50x128xf32, #tpu.memory_space<vmem>>
    tpu.enqueue_dma source(%dma_start3A_435 : memref<50x128xf32, #tpu.memory_space<vmem>>) target(%dma_start3A_432 : memref<50x128xf32, #tpu.memory_space<hbm>>) target_semaphore(%arg17 : memref<!tpu.dma_semaphore, #tpu.memory_space<semaphore_mem>>)
    %add3A_436 = arith.constant 2 : i32
    %add3A_437 = arith.addi %mul3A_2, %add3A_436 : i32
    %add3A_438 = arith.constant 1 : i32
    %add3A_439 = arith.addi %add3A_437, %add3A_438 : i32
    %dma_start3A_440 = arith.constant 50 : i32
    %dma_start3A_441 = arith.constant 0 : i32
    %dma_start3A_442 = tpu.memref_slice %arg9[%dma_start3A_440, %dma_start3A_441] : memref<100x128xf32, #tpu.memory_space<vmem>> -> memref<50x128xf32, #tpu.memory_space<vmem>>
    %dma_start3A_443 = arith.constant 0 : i32
    %dma_start3A_444 = arith.constant 0 : i32
    %dma_start3A_445 = tpu.memref_slice %arg5[%add3A_439, %dma_start3A_443, %dma_start3A_444] : memref<4096x50x128xf32, #tpu.memory_space<hbm>> -> memref<1x50x128xf32, #tpu.memory_space<hbm>>
    %dma_start3A_446 = tpu.memref_squeeze %dma_start3A_445 : memref<1x50x128xf32, #tpu.memory_space<hbm>> -> memref<50x128xf32, #tpu.memory_space<hbm>>
    %dma_start3A_447 = arith.constant 0 : i32
    %dma_start3A_448 = arith.constant 0 : i32
    %dma_start3A_449 = tpu.memref_slice %arg5[%add3A_439, %dma_start3A_447, %dma_start3A_448] : memref<4096x50x128xf32, #tpu.memory_space<hbm>> -> memref<1x50x128xf32, #tpu.memory_space<hbm>>
    %dma_start3A_450 = tpu.memref_squeeze %dma_start3A_449 : memref<1x50x128xf32, #tpu.memory_space<hbm>> -> memref<50x128xf32, #tpu.memory_space<hbm>>
    %dma_start3A_451 = arith.constant 50 : i32
    %dma_start3A_452 = arith.constant 0 : i32
    %dma_start3A_453 = tpu.memref_slice %arg9[%dma_start3A_451, %dma_start3A_452] : memref<100x128xf32, #tpu.memory_space<vmem>> -> memref<50x128xf32, #tpu.memory_space<vmem>>
    tpu.enqueue_dma source(%dma_start3A_453 : memref<50x128xf32, #tpu.memory_space<vmem>>) target(%dma_start3A_450 : memref<50x128xf32, #tpu.memory_space<hbm>>) target_semaphore(%arg17 : memref<!tpu.dma_semaphore, #tpu.memory_space<semaphore_mem>>)
    %dma_start3A_454 = arith.constant 3 : i32
    %dma_start3A_455 = arith.constant 0 : i32
    %dma_start3A_456 = tpu.memref_slice %arg6[%dma_start3A_454, %dma_start3A_455] : memref<65x100xi32, #tpu.memory_space<vmem>> -> memref<1x100xi32, #tpu.memory_space<vmem>>
    %dma_start3A_457 = tpu.memref_squeeze %dma_start3A_456 : memref<1x100xi32, #tpu.memory_space<vmem>> -> memref<100xi32, #tpu.memory_space<vmem>>
    %dma_start3A_458 = arith.constant 0 : i32
    %dma_start3A_459 = arith.constant 0 : i32
    %dma_start3A_460 = tpu.memref_slice %arg3[%dma_start3A_458, %dma_start3A_459] : memref<100000x128xf32, #tpu.memory_space<hbm>> -> memref<100000x128xf32, #tpu.memory_space<hbm>>
    tpu.enqueue_indirect_dma source(%dma_start3A_460 : memref<100000x128xf32, #tpu.memory_space<hbm>>) target(%arg11 : memref<100x128xf32, #tpu.memory_space<vmem>>) offsets(%dma_start3A_457 : memref<100xi32, #tpu.memory_space<vmem>>) semaphore(%arg15 : memref<!tpu.dma_semaphore, #tpu.memory_space<semaphore_mem>>)
    %scan3A = arith.constant 0 : i32
    %scan3A_461 = arith.constant 0 : i32
    %scan3A_462 = arith.constant 15 : i32
    %scan3A_463 = arith.addi %scan3A_461, %scan3A_462 : i32
    %scan3A_464 = arith.constant 1 : i32
    scf.for %scan3A_1026 = %scan3A_461 to %scan3A_463 step %scan3A_464  : i32 {
      %mul3A_1027 = arith.constant 4 : i32
      %mul3A_1028 = arith.muli %scan3A_1026, %mul3A_1027 : i32
      %add3A_1029 = arith.constant 2 : i32
      %add3A_1030 = arith.addi %add3A_1029, %mul3A_1028 : i32
      %add3A_1031 = arith.constant 0 : i32
      %add3A_1032 = arith.addi %add3A_1030, %add3A_1031 : i32
      %dma_wait3A_1033 = arith.constant 0 : i32
      %dma_wait3A_1034 = arith.constant 0 : i32
      %dma_wait3A_1035 = tpu.memref_slice %arg6[%dma_wait3A_1033, %dma_wait3A_1034] : memref<65x100xi32, #tpu.memory_space<vmem>> -> memref<1x100xi32, #tpu.memory_space<vmem>>
      %dma_wait3A_1036 = tpu.memref_squeeze %dma_wait3A_1035 : memref<1x100xi32, #tpu.memory_space<vmem>> -> memref<100xi32, #tpu.memory_space<vmem>>
      %dma_wait3A_1037 = arith.constant 0 : i32
      %dma_wait3A_1038 = arith.constant 0 : i32
      %dma_wait3A_1039 = tpu.memref_slice %arg3[%dma_wait3A_1037, %dma_wait3A_1038] : memref<100000x128xf32, #tpu.memory_space<hbm>> -> memref<100000x128xf32, #tpu.memory_space<hbm>>
      tpu.wait_indirect_dma semaphore(%arg14 : memref<!tpu.dma_semaphore, #tpu.memory_space<semaphore_mem>>) src(%dma_wait3A_1039 : memref<100000x128xf32, #tpu.memory_space<hbm>>) dst(%arg10 : memref<100x128xf32, #tpu.memory_space<vmem>>)
      %get3A_1040 = arith.index_cast %add3A_1032 : i32 to index
      %get3A_1041 = arith.constant 0 : index
      %get3A_1042 = tpu.vector_load %arg6[%get3A_1040, %get3A_1041] {strides = array<i32>} : memref<65x100xi32, #tpu.memory_space<vmem>>, vector<1x16xi32>,
      %get3A_1043 = vector.shape_cast %get3A_1042 : vector<1x16xi32> to vector<16xi32>
      %ge3A_1044 = arith.constant 0 : i32
      %ge3A_1045 = vector.broadcast %ge3A_1044 : i32 to vector<16xi32>
      %ge3A_1046 = arith.cmpi sge, %get3A_1043, %ge3A_1045 : vector<16xi32>
      %lt3A_1047 = arith.constant 4 : i32
      %lt3A_1048 = vector.broadcast %lt3A_1047 : i32 to vector<16xi32>
      %lt3A_1049 = arith.cmpi slt, %get3A_1043, %lt3A_1048 : vector<16xi32>
      %and3A_1050 = arith.andi %ge3A_1046, %lt3A_1049 : vector<16xi1>
      %jit3A_1051 = arith.constant 1 : i32
      %jit3A_1052 = arith.constant 0 : i32
      %broadcast_in_dim3A_1053 = vector.broadcast %jit3A_1051 : i32 to vector<16xi32>
      %broadcast_in_dim3A_1054 = vector.broadcast %jit3A_1052 : i32 to vector<16xi32>
      %select_n3A_1055 = arith.select %and3A_1050, %broadcast_in_dim3A_1053, %broadcast_in_dim3A_1054 : vector<16xi1>, vector<16xi32>
      %get3A_1056 = arith.index_cast %add3A_1032 : i32 to index
      %get3A_1057 = arith.constant 16 : index
      %get3A_1058 = tpu.vector_load %arg6[%get3A_1056, %get3A_1057] {strides = array<i32>} : memref<65x100xi32, #tpu.memory_space<vmem>>, vector<1x16xi32>,
      %get3A_1059 = vector.shape_cast %get3A_1058 : vector<1x16xi32> to vector<16xi32>
      %ge3A_1060 = arith.constant 0 : i32
      %ge3A_1061 = vector.broadcast %ge3A_1060 : i32 to vector<16xi32>
      %ge3A_1062 = arith.cmpi sge, %get3A_1059, %ge3A_1061 : vector<16xi32>
      %lt3A_1063 = arith.constant 4 : i32
      %lt3A_1064 = vector.broadcast %lt3A_1063 : i32 to vector<16xi32>
      %lt3A_1065 = arith.cmpi slt, %get3A_1059, %lt3A_1064 : vector<16xi32>
      %and3A_1066 = arith.andi %ge3A_1062, %lt3A_1065 : vector<16xi1>
      %jit3A_1067 = arith.constant 1 : i32
      %jit3A_1068 = arith.constant 0 : i32
      %broadcast_in_dim3A_1069 = vector.broadcast %jit3A_1067 : i32 to vector<16xi32>
      %broadcast_in_dim3A_1070 = vector.broadcast %jit3A_1068 : i32 to vector<16xi32>
      %select_n3A_1071 = arith.select %and3A_1066, %broadcast_in_dim3A_1069, %broadcast_in_dim3A_1070 : vector<16xi1>, vector<16xi32>
      %add3A_1072 = arith.addi %select_n3A_1055, %select_n3A_1071 : vector<16xi32>
      %get3A_1073 = arith.index_cast %add3A_1032 : i32 to index
      %get3A_1074 = arith.constant 32 : index
      %get3A_1075 = tpu.vector_load %arg6[%get3A_1073, %get3A_1074] {strides = array<i32>} : memref<65x100xi32, #tpu.memory_space<vmem>>, vector<1x16xi32>,
      %get3A_1076 = vector.shape_cast %get3A_1075 : vector<1x16xi32> to vector<16xi32>
      %ge3A_1077 = arith.constant 0 : i32
      %ge3A_1078 = vector.broadcast %ge3A_1077 : i32 to vector<16xi32>
      %ge3A_1079 = arith.cmpi sge, %get3A_1076, %ge3A_1078 : vector<16xi32>
      %lt3A_1080 = arith.constant 4 : i32
      %lt3A_1081 = vector.broadcast %lt3A_1080 : i32 to vector<16xi32>
      %lt3A_1082 = arith.cmpi slt, %get3A_1076, %lt3A_1081 : vector<16xi32>
      %and3A_1083 = arith.andi %ge3A_1079, %lt3A_1082 : vector<16xi1>
      %jit3A_1084 = arith.constant 1 : i32
      %jit3A_1085 = arith.constant 0 : i32
      %broadcast_in_dim3A_1086 = vector.broadcast %jit3A_1084 : i32 to vector<16xi32>
      %broadcast_in_dim3A_1087 = vector.broadcast %jit3A_1085 : i32 to vector<16xi32>
      %select_n3A_1088 = arith.select %and3A_1083, %broadcast_in_dim3A_1086, %broadcast_in_dim3A_1087 : vector<16xi1>, vector<16xi32>
      %add3A_1089 = arith.addi %add3A_1072, %select_n3A_1088 : vector<16xi32>
      %get3A_1090 = arith.index_cast %add3A_1032 : i32 to index
      %get3A_1091 = arith.constant 48 : index
      %get3A_1092 = tpu.vector_load %arg6[%get3A_1090, %get3A_1091] {strides = array<i32>} : memref<65x100xi32, #tpu.memory_space<vmem>>, vector<1x16xi32>,
      %get3A_1093 = vector.shape_cast %get3A_1092 : vector<1x16xi32> to vector<16xi32>
      %ge3A_1094 = arith.constant 0 : i32
      %ge3A_1095 = vector.broadcast %ge3A_1094 : i32 to vector<16xi32>
      %ge3A_1096 = arith.cmpi sge, %get3A_1093, %ge3A_1095 : vector<16xi32>
      %lt3A_1097 = arith.constant 4 : i32
      %lt3A_1098 = vector.broadcast %lt3A_1097 : i32 to vector<16xi32>
      %lt3A_1099 = arith.cmpi slt, %get3A_1093, %lt3A_1098 : vector<16xi32>
      %and3A_1100 = arith.andi %ge3A_1096, %lt3A_1099 : vector<16xi1>
      %jit3A_1101 = arith.constant 1 : i32
      %jit3A_1102 = arith.constant 0 : i32
      %broadcast_in_dim3A_1103 = vector.broadcast %jit3A_1101 : i32 to vector<16xi32>
      %broadcast_in_dim3A_1104 = vector.broadcast %jit3A_1102 : i32 to vector<16xi32>
      %select_n3A_1105 = arith.select %and3A_1100, %broadcast_in_dim3A_1103, %broadcast_in_dim3A_1104 : vector<16xi1>, vector<16xi32>
      %add3A_1106 = arith.addi %add3A_1089, %select_n3A_1105 : vector<16xi32>
      %get3A_1107 = arith.index_cast %add3A_1032 : i32 to index
      %get3A_1108 = arith.constant 64 : index
      %get3A_1109 = tpu.vector_load %arg6[%get3A_1107, %get3A_1108] {strides = array<i32>} : memref<65x100xi32, #tpu.memory_space<vmem>>, vector<1x16xi32>,
      %get3A_1110 = vector.shape_cast %get3A_1109 : vector<1x16xi32> to vector<16xi32>
      %ge3A_1111 = arith.constant 0 : i32
      %ge3A_1112 = vector.broadcast %ge3A_1111 : i32 to vector<16xi32>
      %ge3A_1113 = arith.cmpi sge, %get3A_1110, %ge3A_1112 : vector<16xi32>
      %lt3A_1114 = arith.constant 4 : i32
      %lt3A_1115 = vector.broadcast %lt3A_1114 : i32 to vector<16xi32>
      %lt3A_1116 = arith.cmpi slt, %get3A_1110, %lt3A_1115 : vector<16xi32>
      %and3A_1117 = arith.andi %ge3A_1113, %lt3A_1116 : vector<16xi1>
      %jit3A_1118 = arith.constant 1 : i32
      %jit3A_1119 = arith.constant 0 : i32
      %broadcast_in_dim3A_1120 = vector.broadcast %jit3A_1118 : i32 to vector<16xi32>
      %broadcast_in_dim3A_1121 = vector.broadcast %jit3A_1119 : i32 to vector<16xi32>
      %select_n3A_1122 = arith.select %and3A_1117, %broadcast_in_dim3A_1120, %broadcast_in_dim3A_1121 : vector<16xi1>, vector<16xi32>
      %add3A_1123 = arith.addi %add3A_1106, %select_n3A_1122 : vector<16xi32>
      %get3A_1124 = arith.index_cast %add3A_1032 : i32 to index
      %get3A_1125 = arith.constant 80 : index
      %get3A_1126 = tpu.vector_load %arg6[%get3A_1124, %get3A_1125] {strides = array<i32>} : memref<65x100xi32, #tpu.memory_space<vmem>>, vector<1x16xi32>,
      %get3A_1127 = vector.shape_cast %get3A_1126 : vector<1x16xi32> to vector<16xi32>
      %ge3A_1128 = arith.constant 0 : i32
      %ge3A_1129 = vector.broadcast %ge3A_1128 : i32 to vector<16xi32>
      %ge3A_1130 = arith.cmpi sge, %get3A_1127, %ge3A_1129 : vector<16xi32>
      %lt3A_1131 = arith.constant 4 : i32
      %lt3A_1132 = vector.broadcast %lt3A_1131 : i32 to vector<16xi32>
      %lt3A_1133 = arith.cmpi slt, %get3A_1127, %lt3A_1132 : vector<16xi32>
      %and3A_1134 = arith.andi %ge3A_1130, %lt3A_1133 : vector<16xi1>
      %jit3A_1135 = arith.constant 1 : i32
      %jit3A_1136 = arith.constant 0 : i32
      %broadcast_in_dim3A_1137 = vector.broadcast %jit3A_1135 : i32 to vector<16xi32>
      %broadcast_in_dim3A_1138 = vector.broadcast %jit3A_1136 : i32 to vector<16xi32>
      %select_n3A_1139 = arith.select %and3A_1134, %broadcast_in_dim3A_1137, %broadcast_in_dim3A_1138 : vector<16xi1>, vector<16xi32>
      %add3A_1140 = arith.addi %add3A_1123, %select_n3A_1139 : vector<16xi32>
      %get3A_1141 = arith.index_cast %add3A_1032 : i32 to index
      %get3A_1142 = arith.constant 84 : index
      %get3A_1143 = tpu.vector_load %arg6[%get3A_1141, %get3A_1142] {strides = array<i32>} : memref<65x100xi32, #tpu.memory_space<vmem>>, vector<1x16xi32>,
      %get3A_1144 = vector.shape_cast %get3A_1143 : vector<1x16xi32> to vector<16xi32>
      %ge3A_1145 = arith.constant 0 : i32
      %ge3A_1146 = vector.broadcast %ge3A_1145 : i32 to vector<16xi32>
      %ge3A_1147 = arith.cmpi sge, %get3A_1144, %ge3A_1146 : vector<16xi32>
      %lt3A_1148 = arith.constant 4 : i32
      %lt3A_1149 = vector.broadcast %lt3A_1148 : i32 to vector<16xi32>
      %lt3A_1150 = arith.cmpi slt, %get3A_1144, %lt3A_1149 : vector<16xi32>
      %and3A_1151 = arith.andi %ge3A_1147, %lt3A_1150 : vector<16xi1>
      %jit3A_1152 = arith.constant 1 : i32
      %jit3A_1153 = arith.constant 0 : i32
      %broadcast_in_dim3A_1154 = vector.broadcast %jit3A_1152 : i32 to vector<16xi32>
      %broadcast_in_dim3A_1155 = vector.broadcast %jit3A_1153 : i32 to vector<16xi32>
      %select_n3A_1156 = arith.select %and3A_1151, %broadcast_in_dim3A_1154, %broadcast_in_dim3A_1155 : vector<16xi1>, vector<16xi32>
      %add3A_1157 = arith.addi %add3A_1140, %select_n3A_1156 : vector<16xi32>
      %slice3A_1158 = vector.extract_strided_slice %add3A_1157 {offsets = [0], sizes = [1], strides = [1]} : vector<16xi32> to vector<1xi32>
      %squeeze3A_1159 = vector.extract %slice3A_1158[0] : i32 from vector<1xi32>
      %slice3A_1160 = vector.extract_strided_slice %add3A_1157 {offsets = [1], sizes = [1], strides = [1]} : vector<16xi32> to vector<1xi32>
      %squeeze3A_1161 = vector.extract %slice3A_1160[0] : i32 from vector<1xi32>
      %add3A_1162 = arith.addi %squeeze3A_1159, %squeeze3A_1161 : i32
      %slice3A_1163 = vector.extract_strided_slice %add3A_1157 {offsets = [2], sizes = [1], strides = [1]} : vector<16xi32> to vector<1xi32>
      %squeeze3A_1164 = vector.extract %slice3A_1163[0] : i32 from vector<1xi32>
      %add3A_1165 = arith.addi %add3A_1162, %squeeze3A_1164 : i32
      %slice3A_1166 = vector.extract_strided_slice %add3A_1157 {offsets = [3], sizes = [1], strides = [1]} : vector<16xi32> to vector<1xi32>
      %squeeze3A_1167 = vector.extract %slice3A_1166[0] : i32 from vector<1xi32>
      %add3A_1168 = arith.addi %add3A_1165, %squeeze3A_1167 : i32
      %slice3A_1169 = vector.extract_strided_slice %add3A_1157 {offsets = [4], sizes = [1], strides = [1]} : vector<16xi32> to vector<1xi32>
      %squeeze3A_1170 = vector.extract %slice3A_1169[0] : i32 from vector<1xi32>
      %add3A_1171 = arith.addi %add3A_1168, %squeeze3A_1170 : i32
      %slice3A_1172 = vector.extract_strided_slice %add3A_1157 {offsets = [5], sizes = [1], strides = [1]} : vector<16xi32> to vector<1xi32>
      %squeeze3A_1173 = vector.extract %slice3A_1172[0] : i32 from vector<1xi32>
      %add3A_1174 = arith.addi %add3A_1171, %squeeze3A_1173 : i32
      %slice3A_1175 = vector.extract_strided_slice %add3A_1157 {offsets = [6], sizes = [1], strides = [1]} : vector<16xi32> to vector<1xi32>
      %squeeze3A_1176 = vector.extract %slice3A_1175[0] : i32 from vector<1xi32>
      %add3A_1177 = arith.addi %add3A_1174, %squeeze3A_1176 : i32
      %slice3A_1178 = vector.extract_strided_slice %add3A_1157 {offsets = [7], sizes = [1], strides = [1]} : vector<16xi32> to vector<1xi32>
      %squeeze3A_1179 = vector.extract %slice3A_1178[0] : i32 from vector<1xi32>
      %add3A_1180 = arith.addi %add3A_1177, %squeeze3A_1179 : i32
      %slice3A_1181 = vector.extract_strided_slice %add3A_1157 {offsets = [8], sizes = [1], strides = [1]} : vector<16xi32> to vector<1xi32>
      %squeeze3A_1182 = vector.extract %slice3A_1181[0] : i32 from vector<1xi32>
      %add3A_1183 = arith.addi %add3A_1180, %squeeze3A_1182 : i32
      %slice3A_1184 = vector.extract_strided_slice %add3A_1157 {offsets = [9], sizes = [1], strides = [1]} : vector<16xi32> to vector<1xi32>
      %squeeze3A_1185 = vector.extract %slice3A_1184[0] : i32 from vector<1xi32>
      %add3A_1186 = arith.addi %add3A_1183, %squeeze3A_1185 : i32
      %slice3A_1187 = vector.extract_strided_slice %add3A_1157 {offsets = [10], sizes = [1], strides = [1]} : vector<16xi32> to vector<1xi32>
      %squeeze3A_1188 = vector.extract %slice3A_1187[0] : i32 from vector<1xi32>
      %add3A_1189 = arith.addi %add3A_1186, %squeeze3A_1188 : i32
      %slice3A_1190 = vector.extract_strided_slice %add3A_1157 {offsets = [11], sizes = [1], strides = [1]} : vector<16xi32> to vector<1xi32>
      %squeeze3A_1191 = vector.extract %slice3A_1190[0] : i32 from vector<1xi32>
      %add3A_1192 = arith.addi %add3A_1189, %squeeze3A_1191 : i32
      %slice3A_1193 = vector.extract_strided_slice %add3A_1157 {offsets = [12], sizes = [1], strides = [1]} : vector<16xi32> to vector<1xi32>
      %squeeze3A_1194 = vector.extract %slice3A_1193[0] : i32 from vector<1xi32>
      %add3A_1195 = arith.addi %add3A_1192, %squeeze3A_1194 : i32
      %slice3A_1196 = vector.extract_strided_slice %add3A_1157 {offsets = [13], sizes = [1], strides = [1]} : vector<16xi32> to vector<1xi32>
      %squeeze3A_1197 = vector.extract %slice3A_1196[0] : i32 from vector<1xi32>
      %add3A_1198 = arith.addi %add3A_1195, %squeeze3A_1197 : i32
      %slice3A_1199 = vector.extract_strided_slice %add3A_1157 {offsets = [14], sizes = [1], strides = [1]} : vector<16xi32> to vector<1xi32>
      %squeeze3A_1200 = vector.extract %slice3A_1199[0] : i32 from vector<1xi32>
      %add3A_1201 = arith.addi %add3A_1198, %squeeze3A_1200 : i32
      %slice3A_1202 = vector.extract_strided_slice %add3A_1157 {offsets = [15], sizes = [1], strides = [1]} : vector<16xi32> to vector<1xi32>
      %squeeze3A_1203 = vector.extract %slice3A_1202[0] : i32 from vector<1xi32>
      %add3A_1204 = arith.addi %add3A_1201, %squeeze3A_1203 : i32
      %gt3A_1205 = arith.constant 0 : i32
      %gt3A_1206 = arith.cmpi sgt, %add3A_1204, %gt3A_1205 : i32
      %convert_element_type3A_1207 = arith.extui %gt3A_1206 : i1 to i32
      %cond3A_1208 = arith.constant 0 : i32
      %cond3A_1209 = arith.cmpi ne, %convert_element_type3A_1207, %cond3A_1208 : i32
      scf.if %cond3A_1209 {
        %scan3A_2063 = arith.constant 0 : i32
        %scan3A_2064 = arith.constant 0 : i32
        %scan3A_2065 = arith.constant 100 : i32
        %scan3A_2066 = arith.addi %scan3A_2064, %scan3A_2065 : i32
        %scan3A_2067 = arith.constant 1 : i32
        scf.for %scan3A_2069 = %scan3A_2064 to %scan3A_2066 step %scan3A_2067  : i32 {
          %get3A_2070 = arith.index_cast %add3A_1032 : i32 to index
          %get3A_2071 = arith.index_cast %scan3A_2069 : i32 to index
          %get3A_2072 = tpu.vector_load %arg6[%get3A_2070, %get3A_2071] {strides = array<i32>} : memref<65x100xi32, #tpu.memory_space<vmem>>, vector<1x16xi32>,
          %get3A_2073 = vector.shape_cast %get3A_2072 : vector<1x16xi32> to vector<16xi32>
          %slice3A_2074 = vector.extract_strided_slice %get3A_2073 {offsets = [0], sizes = [1], strides = [1]} : vector<16xi32> to vector<1xi32>
          %squeeze3A_2075 = vector.extract %slice3A_2074[0] : i32 from vector<1xi32>
          %ge3A_2076 = arith.constant 0 : i32
          %ge3A_2077 = arith.cmpi sge, %squeeze3A_2075, %ge3A_2076 : i32
          %lt3A_2078 = arith.constant 4 : i32
          %lt3A_2079 = arith.cmpi slt, %squeeze3A_2075, %lt3A_2078 : i32
          %and3A_2080 = arith.andi %ge3A_2077, %lt3A_2079 : i1
          %convert_element_type3A_2081 = arith.extui %and3A_2080 : i1 to i32
          %cond3A_2082 = arith.constant 0 : i32
          %cond3A_2083 = arith.cmpi ne, %convert_element_type3A_2081, %cond3A_2082 : i32
          scf.if %cond3A_2083 {
            %sub3A = arith.constant 0 : i32
            %sub3A_2084 = arith.subi %squeeze3A_2075, %sub3A : i32
            "tpu.region"() ({
              %run_scoped3A = tpu.sem_alloc : memref<!tpu.dma_semaphore, #tpu.memory_space<semaphore_mem>>
              %dma_start3A_2085 = arith.constant 0 : i32
              %dma_start3A_2086 = tpu.memref_slice %arg10[%scan3A_2069, %dma_start3A_2085] : memref<100x128xf32, #tpu.memory_space<vmem>> -> memref<1x128xf32, #tpu.memory_space<vmem>>
              %dma_start3A_2087 = tpu.memref_squeeze %dma_start3A_2086 : memref<1x128xf32, #tpu.memory_space<vmem>> -> memref<128xf32, #tpu.memory_space<vmem>>
              %dma_start3A_2088 = arith.constant 0 : i32
              %dma_start3A_2089 = tpu.memref_slice %arg7[%sub3A_2084, %dma_start3A_2088] : memref<4x128xf32, #tpu.memory_space<vmem_shared>> -> memref<1x128xf32, #tpu.memory_space<vmem_shared>>
              %dma_start3A_2090 = tpu.memref_squeeze %dma_start3A_2089 : memref<1x128xf32, #tpu.memory_space<vmem_shared>> -> memref<128xf32, #tpu.memory_space<vmem_shared>>
              %dma_start3A_2091 = arith.constant 0 : i32
              %dma_start3A_2092 = tpu.memref_slice %arg10[%scan3A_2069, %dma_start3A_2091] : memref<100x128xf32, #tpu.memory_space<vmem>> -> memref<1x128xf32, #tpu.memory_space<vmem>>
              %dma_start3A_2093 = tpu.memref_squeeze %dma_start3A_2092 : memref<1x128xf32, #tpu.memory_space<vmem>> -> memref<128xf32, #tpu.memory_space<vmem>>
              %dma_start3A_2094 = arith.constant 0 : i32
              %dma_start3A_2095 = tpu.memref_slice %arg7[%sub3A_2084, %dma_start3A_2094] : memref<4x128xf32, #tpu.memory_space<vmem_shared>> -> memref<1x128xf32, #tpu.memory_space<vmem_shared>>
              %dma_start3A_2096 = tpu.memref_squeeze %dma_start3A_2095 : memref<1x128xf32, #tpu.memory_space<vmem_shared>> -> memref<128xf32, #tpu.memory_space<vmem_shared>>
              tpu.enqueue_dma source(%dma_start3A_2096 : memref<128xf32, #tpu.memory_space<vmem_shared>>) target(%dma_start3A_2093 : memref<128xf32, #tpu.memory_space<vmem>>) target_semaphore(%run_scoped3A : memref<!tpu.dma_semaphore, #tpu.memory_space<semaphore_mem>>)
              %dma_wait3A_2097 = arith.constant 0 : i32
              %dma_wait3A_2098 = tpu.memref_slice %arg10[%scan3A_2069, %dma_wait3A_2097] : memref<100x128xf32, #tpu.memory_space<vmem>> -> memref<1x128xf32, #tpu.memory_space<vmem>>
              %dma_wait3A_2099 = tpu.memref_squeeze %dma_wait3A_2098 : memref<1x128xf32, #tpu.memory_space<vmem>> -> memref<128xf32, #tpu.memory_space<vmem>>
              %dma_wait3A_2100 = arith.constant 0 : i32
              %dma_wait3A_2101 = tpu.memref_slice %arg7[%sub3A_2084, %dma_wait3A_2100] : memref<4x128xf32, #tpu.memory_space<vmem_shared>> -> memref<1x128xf32, #tpu.memory_space<vmem_shared>>
              %dma_wait3A_2102 = tpu.memref_squeeze %dma_wait3A_2101 : memref<1x128xf32, #tpu.memory_space<vmem_shared>> -> memref<128xf32, #tpu.memory_space<vmem_shared>>
              %dma_wait3A_2103 = arith.constant 0 : i32
              %dma_wait3A_2104 = tpu.memref_slice %arg10[%scan3A_2069, %dma_wait3A_2103] : memref<100x128xf32, #tpu.memory_space<vmem>> -> memref<1x128xf32, #tpu.memory_space<vmem>>
              %dma_wait3A_2105 = tpu.memref_squeeze %dma_wait3A_2104 : memref<1x128xf32, #tpu.memory_space<vmem>> -> memref<128xf32, #tpu.memory_space<vmem>>
              %dma_wait3A_2106 = arith.constant 0 : i32
              %dma_wait3A_2107 = tpu.memref_slice %arg7[%sub3A_2084, %dma_wait3A_2106] : memref<4x128xf32, #tpu.memory_space<vmem_shared>> -> memref<1x128xf32, #tpu.memory_space<vmem_shared>>
              %dma_wait3A_2108 = tpu.memref_squeeze %dma_wait3A_2107 : memref<1x128xf32, #tpu.memory_space<vmem_shared>> -> memref<128xf32, #tpu.memory_space<vmem_shared>>
              tpu.wait_dma2 semaphore(%run_scoped3A : memref<!tpu.dma_semaphore, #tpu.memory_space<semaphore_mem>>) src(%dma_wait3A_2108 : memref<128xf32, #tpu.memory_space<vmem_shared>>) dst(%dma_wait3A_2105 : memref<128xf32, #tpu.memory_space<vmem>>)
              tpu.yield
            }) : () -> ()
          } else {
          }
        }
        %scan3A_2068 = arith.constant 100 : i32
      } else {
      }
      %mul3A_1210 = arith.constant 2 : i32
      %mul3A_1211 = arith.muli %add3A_1032, %mul3A_1210 : i32
      %add3A_1212 = arith.addi %mul3A_2, %mul3A_1211 : i32
      %add3A_1213 = arith.constant 0 : i32
      %add3A_1214 = arith.addi %add3A_1212, %add3A_1213 : i32
      %dma_start3A_1215 = arith.constant 0 : i32
      %dma_start3A_1216 = arith.constant 0 : i32
      %dma_start3A_1217 = tpu.memref_slice %arg10[%dma_start3A_1215, %dma_start3A_1216] : memref<100x128xf32, #tpu.memory_space<vmem>> -> memref<50x128xf32, #tpu.memory_space<vmem>>
      %dma_start3A_1218 = arith.constant 0 : i32
      %dma_start3A_1219 = arith.constant 0 : i32
      %dma_start3A_1220 = tpu.memref_slice %arg5[%add3A_1214, %dma_start3A_1218, %dma_start3A_1219] : memref<4096x50x128xf32, #tpu.memory_space<hbm>> -> memref<1x50x128xf32, #tpu.memory_space<hbm>>
      %dma_start3A_1221 = tpu.memref_squeeze %dma_start3A_1220 : memref<1x50x128xf32, #tpu.memory_space<hbm>> -> memref<50x128xf32, #tpu.memory_space<hbm>>
      %dma_start3A_1222 = arith.constant 0 : i32
      %dma_start3A_1223 = arith.constant 0 : i32
      %dma_start3A_1224 = tpu.memref_slice %arg5[%add3A_1214, %dma_start3A_1222, %dma_start3A_1223] : memref<4096x50x128xf32, #tpu.memory_space<hbm>> -> memref<1x50x128xf32, #tpu.memory_space<hbm>>
      %dma_start3A_1225 = tpu.memref_squeeze %dma_start3A_1224 : memref<1x50x128xf32, #tpu.memory_space<hbm>> -> memref<50x128xf32, #tpu.memory_space<hbm>>
      %dma_start3A_1226 = arith.constant 0 : i32
      %dma_start3A_1227 = arith.constant 0 : i32
      %dma_start3A_1228 = tpu.memref_slice %arg10[%dma_start3A_1226, %dma_start3A_1227] : memref<100x128xf32, #tpu.memory_space<vmem>> -> memref<50x128xf32, #tpu.memory_space<vmem>>
      tpu.enqueue_dma source(%dma_start3A_1228 : memref<50x128xf32, #tpu.memory_space<vmem>>) target(%dma_start3A_1225 : memref<50x128xf32, #tpu.memory_space<hbm>>) target_semaphore(%arg18 : memref<!tpu.dma_semaphore, #tpu.memory_space<semaphore_mem>>)
      %mul3A_1229 = arith.constant 2 : i32
      %mul3A_1230 = arith.muli %add3A_1032, %mul3A_1229 : i32
      %add3A_1231 = arith.addi %mul3A_2, %mul3A_1230 : i32
      %add3A_1232 = arith.constant 1 : i32
      %add3A_1233 = arith.addi %add3A_1231, %add3A_1232 : i32
      %dma_start3A_1234 = arith.constant 50 : i32
      %dma_start3A_1235 = arith.constant 0 : i32
      %dma_start3A_1236 = tpu.memref_slice %arg10[%dma_start3A_1234, %dma_start3A_1235] : memref<100x128xf32, #tpu.memory_space<vmem>> -> memref<50x128xf32, #tpu.memory_space<vmem>>
      %dma_start3A_1237 = arith.constant 0 : i32
      %dma_start3A_1238 = arith.constant 0 : i32
      %dma_start3A_1239 = tpu.memref_slice %arg5[%add3A_1233, %dma_start3A_1237, %dma_start3A_1238] : memref<4096x50x128xf32, #tpu.memory_space<hbm>> -> memref<1x50x128xf32, #tpu.memory_space<hbm>>
      %dma_start3A_1240 = tpu.memref_squeeze %dma_start3A_1239 : memref<1x50x128xf32, #tpu.memory_space<hbm>> -> memref<50x128xf32, #tpu.memory_space<hbm>>
      %dma_start3A_1241 = arith.constant 0 : i32
      %dma_start3A_1242 = arith.constant 0 : i32
      %dma_start3A_1243 = tpu.memref_slice %arg5[%add3A_1233, %dma_start3A_1241, %dma_start3A_1242] : memref<4096x50x128xf32, #tpu.memory_space<hbm>> -> memref<1x50x128xf32, #tpu.memory_space<hbm>>
      %dma_start3A_1244 = tpu.memref_squeeze %dma_start3A_1243 : memref<1x50x128xf32, #tpu.memory_space<hbm>> -> memref<50x128xf32, #tpu.memory_space<hbm>>
      %dma_start3A_1245 = arith.constant 50 : i32
      %dma_start3A_1246 = arith.constant 0 : i32
      %dma_start3A_1247 = tpu.memref_slice %arg10[%dma_start3A_1245, %dma_start3A_1246] : memref<100x128xf32, #tpu.memory_space<vmem>> -> memref<50x128xf32, #tpu.memory_space<vmem>>
      tpu.enqueue_dma source(%dma_start3A_1247 : memref<50x128xf32, #tpu.memory_space<vmem>>) target(%dma_start3A_1244 : memref<50x128xf32, #tpu.memory_space<hbm>>) target_semaphore(%arg18 : memref<!tpu.dma_semaphore, #tpu.memory_space<semaphore_mem>>)
      %dma_wait3A_1248 = arith.constant 0 : i32
      %dma_wait3A_1249 = arith.constant 0 : i32
      %dma_wait3A_1250 = arith.constant 0 : i32
      %dma_wait3A_1251 = tpu.memref_slice %arg8[%dma_wait3A_1249, %dma_wait3A_1250] : memref<100x128xf32, #tpu.memory_space<vmem>> -> memref<50x128xf32, #tpu.memory_space<vmem>>
      %dma_wait3A_1252 = arith.constant 0 : i32
      %dma_wait3A_1253 = arith.constant 0 : i32
      %dma_wait3A_1254 = tpu.memref_slice %arg5[%dma_wait3A_1248, %dma_wait3A_1252, %dma_wait3A_1253] : memref<4096x50x128xf32, #tpu.memory_space<hbm>> -> memref<1x50x128xf32, #tpu.memory_space<hbm>>
      %dma_wait3A_1255 = tpu.memref_squeeze %dma_wait3A_1254 : memref<1x50x128xf32, #tpu.memory_space<hbm>> -> memref<50x128xf32, #tpu.memory_space<hbm>>
      %dma_wait3A_1256 = arith.constant 0 : i32
      %dma_wait3A_1257 = arith.constant 0 : i32
      %dma_wait3A_1258 = tpu.memref_slice %arg5[%dma_wait3A_1248, %dma_wait3A_1256, %dma_wait3A_1257] : memref<4096x50x128xf32, #tpu.memory_space<hbm>> -> memref<1x50x128xf32, #tpu.memory_space<hbm>>
      %dma_wait3A_1259 = tpu.memref_squeeze %dma_wait3A_1258 : memref<1x50x128xf32, #tpu.memory_space<hbm>> -> memref<50x128xf32, #tpu.memory_space<hbm>>
      %dma_wait3A_1260 = arith.constant 0 : i32
      %dma_wait3A_1261 = arith.constant 0 : i32
      %dma_wait3A_1262 = tpu.memref_slice %arg8[%dma_wait3A_1260, %dma_wait3A_1261] : memref<100x128xf32, #tpu.memory_space<vmem>> -> memref<50x128xf32, #tpu.memory_space<vmem>>
      tpu.wait_dma2 semaphore(%arg16 : memref<!tpu.dma_semaphore, #tpu.memory_space<semaphore_mem>>) src(%dma_wait3A_1262 : memref<50x128xf32, #tpu.memory_space<vmem>>) dst(%dma_wait3A_1259 : memref<50x128xf32, #tpu.memory_space<hbm>>)
      %dma_wait3A_1263 = arith.constant 0 : i32
      %dma_wait3A_1264 = arith.constant 0 : i32
      %dma_wait3A_1265 = arith.constant 0 : i32
      %dma_wait3A_1266 = tpu.memref_slice %arg8[%dma_wait3A_1264, %dma_wait3A_1265] : memref<100x128xf32, #tpu.memory_space<vmem>> -> memref<50x128xf32, #tpu.memory_space<vmem>>
      %dma_wait3A_1267 = arith.constant 0 : i32
      %dma_wait3A_1268 = arith.constant 0 : i32
      %dma_wait3A_1269 = tpu.memref_slice %arg5[%dma_wait3A_1263, %dma_wait3A_1267, %dma_wait3A_1268] : memref<4096x50x128xf32, #tpu.memory_space<hbm>> -> memref<1x50x128xf32, #tpu.memory_space<hbm>>
      %dma_wait3A_1270 = tpu.memref_squeeze %dma_wait3A_1269 : memref<1x50x128xf32, #tpu.memory_space<hbm>> -> memref<50x128xf32, #tpu.memory_space<hbm>>
      %dma_wait3A_1271 = arith.constant 0 : i32
      %dma_wait3A_1272 = arith.constant 0 : i32
      %dma_wait3A_1273 = tpu.memref_slice %arg5[%dma_wait3A_1263, %dma_wait3A_1271, %dma_wait3A_1272] : memref<4096x50x128xf32, #tpu.memory_space<hbm>> -> memref<1x50x128xf32, #tpu.memory_space<hbm>>
      %dma_wait3A_1274 = tpu.memref_squeeze %dma_wait3A_1273 : memref<1x50x128xf32, #tpu.memory_space<hbm>> -> memref<50x128xf32, #tpu.memory_space<hbm>>
      %dma_wait3A_1275 = arith.constant 0 : i32
      %dma_wait3A_1276 = arith.constant 0 : i32
      %dma_wait3A_1277 = tpu.memref_slice %arg8[%dma_wait3A_1275, %dma_wait3A_1276] : memref<100x128xf32, #tpu.memory_space<vmem>> -> memref<50x128xf32, #tpu.memory_space<vmem>>
      tpu.wait_dma2 semaphore(%arg16 : memref<!tpu.dma_semaphore, #tpu.memory_space<semaphore_mem>>) src(%dma_wait3A_1277 : memref<50x128xf32, #tpu.memory_space<vmem>>) dst(%dma_wait3A_1274 : memref<50x128xf32, #tpu.memory_space<hbm>>)
      %add3A_1278 = arith.constant 2 : i32
      %add3A_1279 = arith.addi %add3A_1032, %add3A_1278 : i32
      %dma_start3A_1280 = arith.constant 0 : i32
      %dma_start3A_1281 = tpu.memref_slice %arg6[%add3A_1279, %dma_start3A_1280] : memref<65x100xi32, #tpu.memory_space<vmem>> -> memref<1x100xi32, #tpu.memory_space<vmem>>
      %dma_start3A_1282 = tpu.memref_squeeze %dma_start3A_1281 : memref<1x100xi32, #tpu.memory_space<vmem>> -> memref<100xi32, #tpu.memory_space<vmem>>
      %dma_start3A_1283 = arith.constant 0 : i32
      %dma_start3A_1284 = arith.constant 0 : i32
      %dma_start3A_1285 = tpu.memref_slice %arg3[%dma_start3A_1283, %dma_start3A_1284] : memref<100000x128xf32, #tpu.memory_space<hbm>> -> memref<100000x128xf32, #tpu.memory_space<hbm>>
      tpu.enqueue_indirect_dma source(%dma_start3A_1285 : memref<100000x128xf32, #tpu.memory_space<hbm>>) target(%arg8 : memref<100x128xf32, #tpu.memory_space<vmem>>) offsets(%dma_start3A_1282 : memref<100xi32, #tpu.memory_space<vmem>>) semaphore(%arg12 : memref<!tpu.dma_semaphore, #tpu.memory_space<semaphore_mem>>)
      %mul3A_1286 = arith.constant 4 : i32
      %mul3A_1287 = arith.muli %scan3A_1026, %mul3A_1286 : i32
      %add3A_1288 = arith.constant 2 : i32
      %add3A_1289 = arith.addi %add3A_1288, %mul3A_1287 : i32
      %add3A_1290 = arith.constant 1 : i32
      %add3A_1291 = arith.addi %add3A_1289, %add3A_1290 : i32
      %dma_wait3A_1292 = arith.constant 0 : i32
      %dma_wait3A_1293 = arith.constant 0 : i32
      %dma_wait3A_1294 = tpu.memref_slice %arg6[%dma_wait3A_1292, %dma_wait3A_1293] : memref<65x100xi32, #tpu.memory_space<vmem>> -> memref<1x100xi32, #tpu.memory_space<vmem>>
      %dma_wait3A_1295 = tpu.memref_squeeze %dma_wait3A_1294 : memref<1x100xi32, #tpu.memory_space<vmem>> -> memref<100xi32, #tpu.memory_space<vmem>>
      %dma_wait3A_1296 = arith.constant 0 : i32
      %dma_wait3A_1297 = arith.constant 0 : i32
      %dma_wait3A_1298 = tpu.memref_slice %arg3[%dma_wait3A_1296, %dma_wait3A_1297] : memref<100000x128xf32, #tpu.memory_space<hbm>> -> memref<100000x128xf32, #tpu.memory_space<hbm>>
      tpu.wait_indirect_dma semaphore(%arg15 : memref<!tpu.dma_semaphore, #tpu.memory_space<semaphore_mem>>) src(%dma_wait3A_1298 : memref<100000x128xf32, #tpu.memory_space<hbm>>) dst(%arg11 : memref<100x128xf32, #tpu.memory_space<vmem>>)
      %get3A_1299 = arith.index_cast %add3A_1291 : i32 to index
      %get3A_1300 = arith.constant 0 : index
      %get3A_1301 = tpu.vector_load %arg6[%get3A_1299, %get3A_1300] {strides = array<i32>} : memref<65x100xi32, #tpu.memory_space<vmem>>, vector<1x16xi32>,
      %get3A_1302 = vector.shape_cast %get3A_1301 : vector<1x16xi32> to vector<16xi32>
      %ge3A_1303 = arith.constant 0 : i32
      %ge3A_1304 = vector.broadcast %ge3A_1303 : i32 to vector<16xi32>
      %ge3A_1305 = arith.cmpi sge, %get3A_1302, %ge3A_1304 : vector<16xi32>
      %lt3A_1306 = arith.constant 4 : i32
      %lt3A_1307 = vector.broadcast %lt3A_1306 : i32 to vector<16xi32>
      %lt3A_1308 = arith.cmpi slt, %get3A_1302, %lt3A_1307 : vector<16xi32>
      %and3A_1309 = arith.andi %ge3A_1305, %lt3A_1308 : vector<16xi1>
      %jit3A_1310 = arith.constant 1 : i32
      %jit3A_1311 = arith.constant 0 : i32
      %broadcast_in_dim3A_1312 = vector.broadcast %jit3A_1310 : i32 to vector<16xi32>
      %broadcast_in_dim3A_1313 = vector.broadcast %jit3A_1311 : i32 to vector<16xi32>
      %select_n3A_1314 = arith.select %and3A_1309, %broadcast_in_dim3A_1312, %broadcast_in_dim3A_1313 : vector<16xi1>, vector<16xi32>
      %get3A_1315 = arith.index_cast %add3A_1291 : i32 to index
      %get3A_1316 = arith.constant 16 : index
      %get3A_1317 = tpu.vector_load %arg6[%get3A_1315, %get3A_1316] {strides = array<i32>} : memref<65x100xi32, #tpu.memory_space<vmem>>, vector<1x16xi32>,
      %get3A_1318 = vector.shape_cast %get3A_1317 : vector<1x16xi32> to vector<16xi32>
      %ge3A_1319 = arith.constant 0 : i32
      %ge3A_1320 = vector.broadcast %ge3A_1319 : i32 to vector<16xi32>
      %ge3A_1321 = arith.cmpi sge, %get3A_1318, %ge3A_1320 : vector<16xi32>
      %lt3A_1322 = arith.constant 4 : i32
      %lt3A_1323 = vector.broadcast %lt3A_1322 : i32 to vector<16xi32>
      %lt3A_1324 = arith.cmpi slt, %get3A_1318, %lt3A_1323 : vector<16xi32>
      %and3A_1325 = arith.andi %ge3A_1321, %lt3A_1324 : vector<16xi1>
      %jit3A_1326 = arith.constant 1 : i32
      %jit3A_1327 = arith.constant 0 : i32
      %broadcast_in_dim3A_1328 = vector.broadcast %jit3A_1326 : i32 to vector<16xi32>
      %broadcast_in_dim3A_1329 = vector.broadcast %jit3A_1327 : i32 to vector<16xi32>
      %select_n3A_1330 = arith.select %and3A_1325, %broadcast_in_dim3A_1328, %broadcast_in_dim3A_1329 : vector<16xi1>, vector<16xi32>
      %add3A_1331 = arith.addi %select_n3A_1314, %select_n3A_1330 : vector<16xi32>
      %get3A_1332 = arith.index_cast %add3A_1291 : i32 to index
      %get3A_1333 = arith.constant 32 : index
      %get3A_1334 = tpu.vector_load %arg6[%get3A_1332, %get3A_1333] {strides = array<i32>} : memref<65x100xi32, #tpu.memory_space<vmem>>, vector<1x16xi32>,
      %get3A_1335 = vector.shape_cast %get3A_1334 : vector<1x16xi32> to vector<16xi32>
      %ge3A_1336 = arith.constant 0 : i32
      %ge3A_1337 = vector.broadcast %ge3A_1336 : i32 to vector<16xi32>
      %ge3A_1338 = arith.cmpi sge, %get3A_1335, %ge3A_1337 : vector<16xi32>
      %lt3A_1339 = arith.constant 4 : i32
      %lt3A_1340 = vector.broadcast %lt3A_1339 : i32 to vector<16xi32>
      %lt3A_1341 = arith.cmpi slt, %get3A_1335, %lt3A_1340 : vector<16xi32>
      %and3A_1342 = arith.andi %ge3A_1338, %lt3A_1341 : vector<16xi1>
      %jit3A_1343 = arith.constant 1 : i32
      %jit3A_1344 = arith.constant 0 : i32
      %broadcast_in_dim3A_1345 = vector.broadcast %jit3A_1343 : i32 to vector<16xi32>
      %broadcast_in_dim3A_1346 = vector.broadcast %jit3A_1344 : i32 to vector<16xi32>
      %select_n3A_1347 = arith.select %and3A_1342, %broadcast_in_dim3A_1345, %broadcast_in_dim3A_1346 : vector<16xi1>, vector<16xi32>
      %add3A_1348 = arith.addi %add3A_1331, %select_n3A_1347 : vector<16xi32>
      %get3A_1349 = arith.index_cast %add3A_1291 : i32 to index
      %get3A_1350 = arith.constant 48 : index
      %get3A_1351 = tpu.vector_load %arg6[%get3A_1349, %get3A_1350] {strides = array<i32>} : memref<65x100xi32, #tpu.memory_space<vmem>>, vector<1x16xi32>,
      %get3A_1352 = vector.shape_cast %get3A_1351 : vector<1x16xi32> to vector<16xi32>
      %ge3A_1353 = arith.constant 0 : i32
      %ge3A_1354 = vector.broadcast %ge3A_1353 : i32 to vector<16xi32>
      %ge3A_1355 = arith.cmpi sge, %get3A_1352, %ge3A_1354 : vector<16xi32>
      %lt3A_1356 = arith.constant 4 : i32
      %lt3A_1357 = vector.broadcast %lt3A_1356 : i32 to vector<16xi32>
      %lt3A_1358 = arith.cmpi slt, %get3A_1352, %lt3A_1357 : vector<16xi32>
      %and3A_1359 = arith.andi %ge3A_1355, %lt3A_1358 : vector<16xi1>
      %jit3A_1360 = arith.constant 1 : i32
      %jit3A_1361 = arith.constant 0 : i32
      %broadcast_in_dim3A_1362 = vector.broadcast %jit3A_1360 : i32 to vector<16xi32>
      %broadcast_in_dim3A_1363 = vector.broadcast %jit3A_1361 : i32 to vector<16xi32>
      %select_n3A_1364 = arith.select %and3A_1359, %broadcast_in_dim3A_1362, %broadcast_in_dim3A_1363 : vector<16xi1>, vector<16xi32>
      %add3A_1365 = arith.addi %add3A_1348, %select_n3A_1364 : vector<16xi32>
      %get3A_1366 = arith.index_cast %add3A_1291 : i32 to index
      %get3A_1367 = arith.constant 64 : index
      %get3A_1368 = tpu.vector_load %arg6[%get3A_1366, %get3A_1367] {strides = array<i32>} : memref<65x100xi32, #tpu.memory_space<vmem>>, vector<1x16xi32>,
      %get3A_1369 = vector.shape_cast %get3A_1368 : vector<1x16xi32> to vector<16xi32>
      %ge3A_1370 = arith.constant 0 : i32
      %ge3A_1371 = vector.broadcast %ge3A_1370 : i32 to vector<16xi32>
      %ge3A_1372 = arith.cmpi sge, %get3A_1369, %ge3A_1371 : vector<16xi32>
      %lt3A_1373 = arith.constant 4 : i32
      %lt3A_1374 = vector.broadcast %lt3A_1373 : i32 to vector<16xi32>
      %lt3A_1375 = arith.cmpi slt, %get3A_1369, %lt3A_1374 : vector<16xi32>
      %and3A_1376 = arith.andi %ge3A_1372, %lt3A_1375 : vector<16xi1>
      %jit3A_1377 = arith.constant 1 : i32
      %jit3A_1378 = arith.constant 0 : i32
      %broadcast_in_dim3A_1379 = vector.broadcast %jit3A_1377 : i32 to vector<16xi32>
      %broadcast_in_dim3A_1380 = vector.broadcast %jit3A_1378 : i32 to vector<16xi32>
      %select_n3A_1381 = arith.select %and3A_1376, %broadcast_in_dim3A_1379, %broadcast_in_dim3A_1380 : vector<16xi1>, vector<16xi32>
      %add3A_1382 = arith.addi %add3A_1365, %select_n3A_1381 : vector<16xi32>
      %get3A_1383 = arith.index_cast %add3A_1291 : i32 to index
      %get3A_1384 = arith.constant 80 : index
      %get3A_1385 = tpu.vector_load %arg6[%get3A_1383, %get3A_1384] {strides = array<i32>} : memref<65x100xi32, #tpu.memory_space<vmem>>, vector<1x16xi32>,
      %get3A_1386 = vector.shape_cast %get3A_1385 : vector<1x16xi32> to vector<16xi32>
      %ge3A_1387 = arith.constant 0 : i32
      %ge3A_1388 = vector.broadcast %ge3A_1387 : i32 to vector<16xi32>
      %ge3A_1389 = arith.cmpi sge, %get3A_1386, %ge3A_1388 : vector<16xi32>
      %lt3A_1390 = arith.constant 4 : i32
      %lt3A_1391 = vector.broadcast %lt3A_1390 : i32 to vector<16xi32>
      %lt3A_1392 = arith.cmpi slt, %get3A_1386, %lt3A_1391 : vector<16xi32>
      %and3A_1393 = arith.andi %ge3A_1389, %lt3A_1392 : vector<16xi1>
      %jit3A_1394 = arith.constant 1 : i32
      %jit3A_1395 = arith.constant 0 : i32
      %broadcast_in_dim3A_1396 = vector.broadcast %jit3A_1394 : i32 to vector<16xi32>
      %broadcast_in_dim3A_1397 = vector.broadcast %jit3A_1395 : i32 to vector<16xi32>
      %select_n3A_1398 = arith.select %and3A_1393, %broadcast_in_dim3A_1396, %broadcast_in_dim3A_1397 : vector<16xi1>, vector<16xi32>
      %add3A_1399 = arith.addi %add3A_1382, %select_n3A_1398 : vector<16xi32>
      %get3A_1400 = arith.index_cast %add3A_1291 : i32 to index
      %get3A_1401 = arith.constant 84 : index
      %get3A_1402 = tpu.vector_load %arg6[%get3A_1400, %get3A_1401] {strides = array<i32>} : memref<65x100xi32, #tpu.memory_space<vmem>>, vector<1x16xi32>,
      %get3A_1403 = vector.shape_cast %get3A_1402 : vector<1x16xi32> to vector<16xi32>
      %ge3A_1404 = arith.constant 0 : i32
      %ge3A_1405 = vector.broadcast %ge3A_1404 : i32 to vector<16xi32>
      %ge3A_1406 = arith.cmpi sge, %get3A_1403, %ge3A_1405 : vector<16xi32>
      %lt3A_1407 = arith.constant 4 : i32
      %lt3A_1408 = vector.broadcast %lt3A_1407 : i32 to vector<16xi32>
      %lt3A_1409 = arith.cmpi slt, %get3A_1403, %lt3A_1408 : vector<16xi32>
      %and3A_1410 = arith.andi %ge3A_1406, %lt3A_1409 : vector<16xi1>
      %jit3A_1411 = arith.constant 1 : i32
      %jit3A_1412 = arith.constant 0 : i32
      %broadcast_in_dim3A_1413 = vector.broadcast %jit3A_1411 : i32 to vector<16xi32>
      %broadcast_in_dim3A_1414 = vector.broadcast %jit3A_1412 : i32 to vector<16xi32>
      %select_n3A_1415 = arith.select %and3A_1410, %broadcast_in_dim3A_1413, %broadcast_in_dim3A_1414 : vector<16xi1>, vector<16xi32>
      %add3A_1416 = arith.addi %add3A_1399, %select_n3A_1415 : vector<16xi32>
      %slice3A_1417 = vector.extract_strided_slice %add3A_1416 {offsets = [0], sizes = [1], strides = [1]} : vector<16xi32> to vector<1xi32>
      %squeeze3A_1418 = vector.extract %slice3A_1417[0] : i32 from vector<1xi32>
      %slice3A_1419 = vector.extract_strided_slice %add3A_1416 {offsets = [1], sizes = [1], strides = [1]} : vector<16xi32> to vector<1xi32>
      %squeeze3A_1420 = vector.extract %slice3A_1419[0] : i32 from vector<1xi32>
      %add3A_1421 = arith.addi %squeeze3A_1418, %squeeze3A_1420 : i32
      %slice3A_1422 = vector.extract_strided_slice %add3A_1416 {offsets = [2], sizes = [1], strides = [1]} : vector<16xi32> to vector<1xi32>
      %squeeze3A_1423 = vector.extract %slice3A_1422[0] : i32 from vector<1xi32>
      %add3A_1424 = arith.addi %add3A_1421, %squeeze3A_1423 : i32
      %slice3A_1425 = vector.extract_strided_slice %add3A_1416 {offsets = [3], sizes = [1], strides = [1]} : vector<16xi32> to vector<1xi32>
      %squeeze3A_1426 = vector.extract %slice3A_1425[0] : i32 from vector<1xi32>
      %add3A_1427 = arith.addi %add3A_1424, %squeeze3A_1426 : i32
      %slice3A_1428 = vector.extract_strided_slice %add3A_1416 {offsets = [4], sizes = [1], strides = [1]} : vector<16xi32> to vector<1xi32>
      %squeeze3A_1429 = vector.extract %slice3A_1428[0] : i32 from vector<1xi32>
      %add3A_1430 = arith.addi %add3A_1427, %squeeze3A_1429 : i32
      %slice3A_1431 = vector.extract_strided_slice %add3A_1416 {offsets = [5], sizes = [1], strides = [1]} : vector<16xi32> to vector<1xi32>
      %squeeze3A_1432 = vector.extract %slice3A_1431[0] : i32 from vector<1xi32>
      %add3A_1433 = arith.addi %add3A_1430, %squeeze3A_1432 : i32
      %slice3A_1434 = vector.extract_strided_slice %add3A_1416 {offsets = [6], sizes = [1], strides = [1]} : vector<16xi32> to vector<1xi32>
      %squeeze3A_1435 = vector.extract %slice3A_1434[0] : i32 from vector<1xi32>
      %add3A_1436 = arith.addi %add3A_1433, %squeeze3A_1435 : i32
      %slice3A_1437 = vector.extract_strided_slice %add3A_1416 {offsets = [7], sizes = [1], strides = [1]} : vector<16xi32> to vector<1xi32>
      %squeeze3A_1438 = vector.extract %slice3A_1437[0] : i32 from vector<1xi32>
      %add3A_1439 = arith.addi %add3A_1436, %squeeze3A_1438 : i32
      %slice3A_1440 = vector.extract_strided_slice %add3A_1416 {offsets = [8], sizes = [1], strides = [1]} : vector<16xi32> to vector<1xi32>
      %squeeze3A_1441 = vector.extract %slice3A_1440[0] : i32 from vector<1xi32>
      %add3A_1442 = arith.addi %add3A_1439, %squeeze3A_1441 : i32
      %slice3A_1443 = vector.extract_strided_slice %add3A_1416 {offsets = [9], sizes = [1], strides = [1]} : vector<16xi32> to vector<1xi32>
      %squeeze3A_1444 = vector.extract %slice3A_1443[0] : i32 from vector<1xi32>
      %add3A_1445 = arith.addi %add3A_1442, %squeeze3A_1444 : i32
      %slice3A_1446 = vector.extract_strided_slice %add3A_1416 {offsets = [10], sizes = [1], strides = [1]} : vector<16xi32> to vector<1xi32>
      %squeeze3A_1447 = vector.extract %slice3A_1446[0] : i32 from vector<1xi32>
      %add3A_1448 = arith.addi %add3A_1445, %squeeze3A_1447 : i32
      %slice3A_1449 = vector.extract_strided_slice %add3A_1416 {offsets = [11], sizes = [1], strides = [1]} : vector<16xi32> to vector<1xi32>
      %squeeze3A_1450 = vector.extract %slice3A_1449[0] : i32 from vector<1xi32>
      %add3A_1451 = arith.addi %add3A_1448, %squeeze3A_1450 : i32
      %slice3A_1452 = vector.extract_strided_slice %add3A_1416 {offsets = [12], sizes = [1], strides = [1]} : vector<16xi32> to vector<1xi32>
      %squeeze3A_1453 = vector.extract %slice3A_1452[0] : i32 from vector<1xi32>
      %add3A_1454 = arith.addi %add3A_1451, %squeeze3A_1453 : i32
      %slice3A_1455 = vector.extract_strided_slice %add3A_1416 {offsets = [13], sizes = [1], strides = [1]} : vector<16xi32> to vector<1xi32>
      %squeeze3A_1456 = vector.extract %slice3A_1455[0] : i32 from vector<1xi32>
      %add3A_1457 = arith.addi %add3A_1454, %squeeze3A_1456 : i32
      %slice3A_1458 = vector.extract_strided_slice %add3A_1416 {offsets = [14], sizes = [1], strides = [1]} : vector<16xi32> to vector<1xi32>
      %squeeze3A_1459 = vector.extract %slice3A_1458[0] : i32 from vector<1xi32>
      %add3A_1460 = arith.addi %add3A_1457, %squeeze3A_1459 : i32
      %slice3A_1461 = vector.extract_strided_slice %add3A_1416 {offsets = [15], sizes = [1], strides = [1]} : vector<16xi32> to vector<1xi32>
      %squeeze3A_1462 = vector.extract %slice3A_1461[0] : i32 from vector<1xi32>
      %add3A_1463 = arith.addi %add3A_1460, %squeeze3A_1462 : i32
      %gt3A_1464 = arith.constant 0 : i32
      %gt3A_1465 = arith.cmpi sgt, %add3A_1463, %gt3A_1464 : i32
      %convert_element_type3A_1466 = arith.extui %gt3A_1465 : i1 to i32
      %cond3A_1467 = arith.constant 0 : i32
      %cond3A_1468 = arith.cmpi ne, %convert_element_type3A_1466, %cond3A_1467 : i32
      scf.if %cond3A_1468 {
        %scan3A_2063 = arith.constant 0 : i32
        %scan3A_2064 = arith.constant 0 : i32
        %scan3A_2065 = arith.constant 100 : i32
        %scan3A_2066 = arith.addi %scan3A_2064, %scan3A_2065 : i32
        %scan3A_2067 = arith.constant 1 : i32
        scf.for %scan3A_2069 = %scan3A_2064 to %scan3A_2066 step %scan3A_2067  : i32 {
          %get3A_2070 = arith.index_cast %add3A_1291 : i32 to index
          %get3A_2071 = arith.index_cast %scan3A_2069 : i32 to index
          %get3A_2072 = tpu.vector_load %arg6[%get3A_2070, %get3A_2071] {strides = array<i32>} : memref<65x100xi32, #tpu.memory_space<vmem>>, vector<1x16xi32>,
          %get3A_2073 = vector.shape_cast %get3A_2072 : vector<1x16xi32> to vector<16xi32>
          %slice3A_2074 = vector.extract_strided_slice %get3A_2073 {offsets = [0], sizes = [1], strides = [1]} : vector<16xi32> to vector<1xi32>
          %squeeze3A_2075 = vector.extract %slice3A_2074[0] : i32 from vector<1xi32>
          %ge3A_2076 = arith.constant 0 : i32
          %ge3A_2077 = arith.cmpi sge, %squeeze3A_2075, %ge3A_2076 : i32
          %lt3A_2078 = arith.constant 4 : i32
          %lt3A_2079 = arith.cmpi slt, %squeeze3A_2075, %lt3A_2078 : i32
          %and3A_2080 = arith.andi %ge3A_2077, %lt3A_2079 : i1
          %convert_element_type3A_2081 = arith.extui %and3A_2080 : i1 to i32
          %cond3A_2082 = arith.constant 0 : i32
          %cond3A_2083 = arith.cmpi ne, %convert_element_type3A_2081, %cond3A_2082 : i32
          scf.if %cond3A_2083 {
            %sub3A = arith.constant 0 : i32
            %sub3A_2084 = arith.subi %squeeze3A_2075, %sub3A : i32
            "tpu.region"() ({
              %run_scoped3A = tpu.sem_alloc : memref<!tpu.dma_semaphore, #tpu.memory_space<semaphore_mem>>
              %dma_start3A_2085 = arith.constant 0 : i32
              %dma_start3A_2086 = tpu.memref_slice %arg11[%scan3A_2069, %dma_start3A_2085] : memref<100x128xf32, #tpu.memory_space<vmem>> -> memref<1x128xf32, #tpu.memory_space<vmem>>
              %dma_start3A_2087 = tpu.memref_squeeze %dma_start3A_2086 : memref<1x128xf32, #tpu.memory_space<vmem>> -> memref<128xf32, #tpu.memory_space<vmem>>
              %dma_start3A_2088 = arith.constant 0 : i32
              %dma_start3A_2089 = tpu.memref_slice %arg7[%sub3A_2084, %dma_start3A_2088] : memref<4x128xf32, #tpu.memory_space<vmem_shared>> -> memref<1x128xf32, #tpu.memory_space<vmem_shared>>
              %dma_start3A_2090 = tpu.memref_squeeze %dma_start3A_2089 : memref<1x128xf32, #tpu.memory_space<vmem_shared>> -> memref<128xf32, #tpu.memory_space<vmem_shared>>
              %dma_start3A_2091 = arith.constant 0 : i32
              %dma_start3A_2092 = tpu.memref_slice %arg11[%scan3A_2069, %dma_start3A_2091] : memref<100x128xf32, #tpu.memory_space<vmem>> -> memref<1x128xf32, #tpu.memory_space<vmem>>
              %dma_start3A_2093 = tpu.memref_squeeze %dma_start3A_2092 : memref<1x128xf32, #tpu.memory_space<vmem>> -> memref<128xf32, #tpu.memory_space<vmem>>
              %dma_start3A_2094 = arith.constant 0 : i32
              %dma_start3A_2095 = tpu.memref_slice %arg7[%sub3A_2084, %dma_start3A_2094] : memref<4x128xf32, #tpu.memory_space<vmem_shared>> -> memref<1x128xf32, #tpu.memory_space<vmem_shared>>
              %dma_start3A_2096 = tpu.memref_squeeze %dma_start3A_2095 : memref<1x128xf32, #tpu.memory_space<vmem_shared>> -> memref<128xf32, #tpu.memory_space<vmem_shared>>
              tpu.enqueue_dma source(%dma_start3A_2096 : memref<128xf32, #tpu.memory_space<vmem_shared>>) target(%dma_start3A_2093 : memref<128xf32, #tpu.memory_space<vmem>>) target_semaphore(%run_scoped3A : memref<!tpu.dma_semaphore, #tpu.memory_space<semaphore_mem>>)
              %dma_wait3A_2097 = arith.constant 0 : i32
              %dma_wait3A_2098 = tpu.memref_slice %arg11[%scan3A_2069, %dma_wait3A_2097] : memref<100x128xf32, #tpu.memory_space<vmem>> -> memref<1x128xf32, #tpu.memory_space<vmem>>
              %dma_wait3A_2099 = tpu.memref_squeeze %dma_wait3A_2098 : memref<1x128xf32, #tpu.memory_space<vmem>> -> memref<128xf32, #tpu.memory_space<vmem>>
              %dma_wait3A_2100 = arith.constant 0 : i32
              %dma_wait3A_2101 = tpu.memref_slice %arg7[%sub3A_2084, %dma_wait3A_2100] : memref<4x128xf32, #tpu.memory_space<vmem_shared>> -> memref<1x128xf32, #tpu.memory_space<vmem_shared>>
              %dma_wait3A_2102 = tpu.memref_squeeze %dma_wait3A_2101 : memref<1x128xf32, #tpu.memory_space<vmem_shared>> -> memref<128xf32, #tpu.memory_space<vmem_shared>>
              %dma_wait3A_2103 = arith.constant 0 : i32
              %dma_wait3A_2104 = tpu.memref_slice %arg11[%scan3A_2069, %dma_wait3A_2103] : memref<100x128xf32, #tpu.memory_space<vmem>> -> memref<1x128xf32, #tpu.memory_space<vmem>>
              %dma_wait3A_2105 = tpu.memref_squeeze %dma_wait3A_2104 : memref<1x128xf32, #tpu.memory_space<vmem>> -> memref<128xf32, #tpu.memory_space<vmem>>
              %dma_wait3A_2106 = arith.constant 0 : i32
              %dma_wait3A_2107 = tpu.memref_slice %arg7[%sub3A_2084, %dma_wait3A_2106] : memref<4x128xf32, #tpu.memory_space<vmem_shared>> -> memref<1x128xf32, #tpu.memory_space<vmem_shared>>
              %dma_wait3A_2108 = tpu.memref_squeeze %dma_wait3A_2107 : memref<1x128xf32, #tpu.memory_space<vmem_shared>> -> memref<128xf32, #tpu.memory_space<vmem_shared>>
              tpu.wait_dma2 semaphore(%run_scoped3A : memref<!tpu.dma_semaphore, #tpu.memory_space<semaphore_mem>>) src(%dma_wait3A_2108 : memref<128xf32, #tpu.memory_space<vmem_shared>>) dst(%dma_wait3A_2105 : memref<128xf32, #tpu.memory_space<vmem>>)
              tpu.yield
            }) : () -> ()
          } else {
          }
        }
        %scan3A_2068 = arith.constant 100 : i32
      } else {
      }
      %mul3A_1469 = arith.constant 2 : i32
      %mul3A_1470 = arith.muli %add3A_1291, %mul3A_1469 : i32
      %add3A_1471 = arith.addi %mul3A_2, %mul3A_1470 : i32
      %add3A_1472 = arith.constant 0 : i32
      %add3A_1473 = arith.addi %add3A_1471, %add3A_1472 : i32
      %dma_start3A_1474 = arith.constant 0 : i32
      %dma_start3A_1475 = arith.constant 0 : i32
      %dma_start3A_1476 = tpu.memref_slice %arg11[%dma_start3A_1474, %dma_start3A_1475] : memref<100x128xf32, #tpu.memory_space<vmem>> -> memref<50x128xf32, #tpu.memory_space<vmem>>
      %dma_start3A_1477 = arith.constant 0 : i32
      %dma_start3A_1478 = arith.constant 0 : i32
      %dma_start3A_1479 = tpu.memref_slice %arg5[%add3A_1473, %dma_start3A_1477, %dma_start3A_1478] : memref<4096x50x128xf32, #tpu.memory_space<hbm>> -> memref<1x50x128xf32, #tpu.memory_space<hbm>>
      %dma_start3A_1480 = tpu.memref_squeeze %dma_start3A_1479 : memref<1x50x128xf32, #tpu.memory_space<hbm>> -> memref<50x128xf32, #tpu.memory_space<hbm>>
      %dma_start3A_1481 = arith.constant 0 : i32
      %dma_start3A_1482 = arith.constant 0 : i32
      %dma_start3A_1483 = tpu.memref_slice %arg5[%add3A_1473, %dma_start3A_1481, %dma_start3A_1482] : memref<4096x50x128xf32, #tpu.memory_space<hbm>> -> memref<1x50x128xf32, #tpu.memory_space<hbm>>
      %dma_start3A_1484 = tpu.memref_squeeze %dma_start3A_1483 : memref<1x50x128xf32, #tpu.memory_space<hbm>> -> memref<50x128xf32, #tpu.memory_space<hbm>>
      %dma_start3A_1485 = arith.constant 0 : i32
      %dma_start3A_1486 = arith.constant 0 : i32
      %dma_start3A_1487 = tpu.memref_slice %arg11[%dma_start3A_1485, %dma_start3A_1486] : memref<100x128xf32, #tpu.memory_space<vmem>> -> memref<50x128xf32, #tpu.memory_space<vmem>>
      tpu.enqueue_dma source(%dma_start3A_1487 : memref<50x128xf32, #tpu.memory_space<vmem>>) target(%dma_start3A_1484 : memref<50x128xf32, #tpu.memory_space<hbm>>) target_semaphore(%arg19 : memref<!tpu.dma_semaphore, #tpu.memory_space<semaphore_mem>>)
      %mul3A_1488 = arith.constant 2 : i32
      %mul3A_1489 = arith.muli %add3A_1291, %mul3A_1488 : i32
      %add3A_1490 = arith.addi %mul3A_2, %mul3A_1489 : i32
      %add3A_1491 = arith.constant 1 : i32
      %add3A_1492 = arith.addi %add3A_1490, %add3A_1491 : i32
      %dma_start3A_1493 = arith.constant 50 : i32
      %dma_start3A_1494 = arith.constant 0 : i32
      %dma_start3A_1495 = tpu.memref_slice %arg11[%dma_start3A_1493, %dma_start3A_1494] : memref<100x128xf32, #tpu.memory_space<vmem>> -> memref<50x128xf32, #tpu.memory_space<vmem>>
      %dma_start3A_1496 = arith.constant 0 : i32
      %dma_start3A_1497 = arith.constant 0 : i32
      %dma_start3A_1498 = tpu.memref_slice %arg5[%add3A_1492, %dma_start3A_1496, %dma_start3A_1497] : memref<4096x50x128xf32, #tpu.memory_space<hbm>> -> memref<1x50x128xf32, #tpu.memory_space<hbm>>
      %dma_start3A_1499 = tpu.memref_squeeze %dma_start3A_1498 : memref<1x50x128xf32, #tpu.memory_space<hbm>> -> memref<50x128xf32, #tpu.memory_space<hbm>>
      %dma_start3A_1500 = arith.constant 0 : i32
      %dma_start3A_1501 = arith.constant 0 : i32
      %dma_start3A_1502 = tpu.memref_slice %arg5[%add3A_1492, %dma_start3A_1500, %dma_start3A_1501] : memref<4096x50x128xf32, #tpu.memory_space<hbm>> -> memref<1x50x128xf32, #tpu.memory_space<hbm>>
      %dma_start3A_1503 = tpu.memref_squeeze %dma_start3A_1502 : memref<1x50x128xf32, #tpu.memory_space<hbm>> -> memref<50x128xf32, #tpu.memory_space<hbm>>
      %dma_start3A_1504 = arith.constant 50 : i32
      %dma_start3A_1505 = arith.constant 0 : i32
      %dma_start3A_1506 = tpu.memref_slice %arg11[%dma_start3A_1504, %dma_start3A_1505] : memref<100x128xf32, #tpu.memory_space<vmem>> -> memref<50x128xf32, #tpu.memory_space<vmem>>
      tpu.enqueue_dma source(%dma_start3A_1506 : memref<50x128xf32, #tpu.memory_space<vmem>>) target(%dma_start3A_1503 : memref<50x128xf32, #tpu.memory_space<hbm>>) target_semaphore(%arg19 : memref<!tpu.dma_semaphore, #tpu.memory_space<semaphore_mem>>)
      %dma_wait3A_1507 = arith.constant 0 : i32
      %dma_wait3A_1508 = arith.constant 0 : i32
      %dma_wait3A_1509 = arith.constant 0 : i32
      %dma_wait3A_1510 = tpu.memref_slice %arg9[%dma_wait3A_1508, %dma_wait3A_1509] : memref<100x128xf32, #tpu.memory_space<vmem>> -> memref<50x128xf32, #tpu.memory_space<vmem>>
      %dma_wait3A_1511 = arith.constant 0 : i32
      %dma_wait3A_1512 = arith.constant 0 : i32
      %dma_wait3A_1513 = tpu.memref_slice %arg5[%dma_wait3A_1507, %dma_wait3A_1511, %dma_wait3A_1512] : memref<4096x50x128xf32, #tpu.memory_space<hbm>> -> memref<1x50x128xf32, #tpu.memory_space<hbm>>
      %dma_wait3A_1514 = tpu.memref_squeeze %dma_wait3A_1513 : memref<1x50x128xf32, #tpu.memory_space<hbm>> -> memref<50x128xf32, #tpu.memory_space<hbm>>
      %dma_wait3A_1515 = arith.constant 0 : i32
      %dma_wait3A_1516 = arith.constant 0 : i32
      %dma_wait3A_1517 = tpu.memref_slice %arg5[%dma_wait3A_1507, %dma_wait3A_1515, %dma_wait3A_1516] : memref<4096x50x128xf32, #tpu.memory_space<hbm>> -> memref<1x50x128xf32, #tpu.memory_space<hbm>>
      %dma_wait3A_1518 = tpu.memref_squeeze %dma_wait3A_1517 : memref<1x50x128xf32, #tpu.memory_space<hbm>> -> memref<50x128xf32, #tpu.memory_space<hbm>>
      %dma_wait3A_1519 = arith.constant 0 : i32
      %dma_wait3A_1520 = arith.constant 0 : i32
      %dma_wait3A_1521 = tpu.memref_slice %arg9[%dma_wait3A_1519, %dma_wait3A_1520] : memref<100x128xf32, #tpu.memory_space<vmem>> -> memref<50x128xf32, #tpu.memory_space<vmem>>
      tpu.wait_dma2 semaphore(%arg17 : memref<!tpu.dma_semaphore, #tpu.memory_space<semaphore_mem>>) src(%dma_wait3A_1521 : memref<50x128xf32, #tpu.memory_space<vmem>>) dst(%dma_wait3A_1518 : memref<50x128xf32, #tpu.memory_space<hbm>>)
      %dma_wait3A_1522 = arith.constant 0 : i32
      %dma_wait3A_1523 = arith.constant 0 : i32
      %dma_wait3A_1524 = arith.constant 0 : i32
      %dma_wait3A_1525 = tpu.memref_slice %arg9[%dma_wait3A_1523, %dma_wait3A_1524] : memref<100x128xf32, #tpu.memory_space<vmem>> -> memref<50x128xf32, #tpu.memory_space<vmem>>
      %dma_wait3A_1526 = arith.constant 0 : i32
      %dma_wait3A_1527 = arith.constant 0 : i32
      %dma_wait3A_1528 = tpu.memref_slice %arg5[%dma_wait3A_1522, %dma_wait3A_1526, %dma_wait3A_1527] : memref<4096x50x128xf32, #tpu.memory_space<hbm>> -> memref<1x50x128xf32, #tpu.memory_space<hbm>>
      %dma_wait3A_1529 = tpu.memref_squeeze %dma_wait3A_1528 : memref<1x50x128xf32, #tpu.memory_space<hbm>> -> memref<50x128xf32, #tpu.memory_space<hbm>>
      %dma_wait3A_1530 = arith.constant 0 : i32
      %dma_wait3A_1531 = arith.constant 0 : i32
      %dma_wait3A_1532 = tpu.memref_slice %arg5[%dma_wait3A_1522, %dma_wait3A_1530, %dma_wait3A_1531] : memref<4096x50x128xf32, #tpu.memory_space<hbm>> -> memref<1x50x128xf32, #tpu.memory_space<hbm>>
      %dma_wait3A_1533 = tpu.memref_squeeze %dma_wait3A_1532 : memref<1x50x128xf32, #tpu.memory_space<hbm>> -> memref<50x128xf32, #tpu.memory_space<hbm>>
      %dma_wait3A_1534 = arith.constant 0 : i32
      %dma_wait3A_1535 = arith.constant 0 : i32
      %dma_wait3A_1536 = tpu.memref_slice %arg9[%dma_wait3A_1534, %dma_wait3A_1535] : memref<100x128xf32, #tpu.memory_space<vmem>> -> memref<50x128xf32, #tpu.memory_space<vmem>>
      tpu.wait_dma2 semaphore(%arg17 : memref<!tpu.dma_semaphore, #tpu.memory_space<semaphore_mem>>) src(%dma_wait3A_1536 : memref<50x128xf32, #tpu.memory_space<vmem>>) dst(%dma_wait3A_1533 : memref<50x128xf32, #tpu.memory_space<hbm>>)
      %add3A_1537 = arith.constant 2 : i32
      %add3A_1538 = arith.addi %add3A_1291, %add3A_1537 : i32
      %dma_start3A_1539 = arith.constant 0 : i32
      %dma_start3A_1540 = tpu.memref_slice %arg6[%add3A_1538, %dma_start3A_1539] : memref<65x100xi32, #tpu.memory_space<vmem>> -> memref<1x100xi32, #tpu.memory_space<vmem>>
      %dma_start3A_1541 = tpu.memref_squeeze %dma_start3A_1540 : memref<1x100xi32, #tpu.memory_space<vmem>> -> memref<100xi32, #tpu.memory_space<vmem>>
      %dma_start3A_1542 = arith.constant 0 : i32
      %dma_start3A_1543 = arith.constant 0 : i32
      %dma_start3A_1544 = tpu.memref_slice %arg3[%dma_start3A_1542, %dma_start3A_1543] : memref<100000x128xf32, #tpu.memory_space<hbm>> -> memref<100000x128xf32, #tpu.memory_space<hbm>>
      tpu.enqueue_indirect_dma source(%dma_start3A_1544 : memref<100000x128xf32, #tpu.memory_space<hbm>>) target(%arg9 : memref<100x128xf32, #tpu.memory_space<vmem>>) offsets(%dma_start3A_1541 : memref<100xi32, #tpu.memory_space<vmem>>) semaphore(%arg13 : memref<!tpu.dma_semaphore, #tpu.memory_space<semaphore_mem>>)
      %mul3A_1545 = arith.constant 4 : i32
      %mul3A_1546 = arith.muli %scan3A_1026, %mul3A_1545 : i32
      %add3A_1547 = arith.constant 2 : i32
      %add3A_1548 = arith.addi %add3A_1547, %mul3A_1546 : i32
      %add3A_1549 = arith.constant 2 : i32
      %add3A_1550 = arith.addi %add3A_1548, %add3A_1549 : i32
      %dma_wait3A_1551 = arith.constant 0 : i32
      %dma_wait3A_1552 = arith.constant 0 : i32
      %dma_wait3A_1553 = tpu.memref_slice %arg6[%dma_wait3A_1551, %dma_wait3A_1552] : memref<65x100xi32, #tpu.memory_space<vmem>> -> memref<1x100xi32, #tpu.memory_space<vmem>>
      %dma_wait3A_1554 = tpu.memref_squeeze %dma_wait3A_1553 : memref<1x100xi32, #tpu.memory_space<vmem>> -> memref<100xi32, #tpu.memory_space<vmem>>
      %dma_wait3A_1555 = arith.constant 0 : i32
      %dma_wait3A_1556 = arith.constant 0 : i32
      %dma_wait3A_1557 = tpu.memref_slice %arg3[%dma_wait3A_1555, %dma_wait3A_1556] : memref<100000x128xf32, #tpu.memory_space<hbm>> -> memref<100000x128xf32, #tpu.memory_space<hbm>>
      tpu.wait_indirect_dma semaphore(%arg12 : memref<!tpu.dma_semaphore, #tpu.memory_space<semaphore_mem>>) src(%dma_wait3A_1557 : memref<100000x128xf32, #tpu.memory_space<hbm>>) dst(%arg8 : memref<100x128xf32, #tpu.memory_space<vmem>>)
      %get3A_1558 = arith.index_cast %add3A_1550 : i32 to index
      %get3A_1559 = arith.constant 0 : index
      %get3A_1560 = tpu.vector_load %arg6[%get3A_1558, %get3A_1559] {strides = array<i32>} : memref<65x100xi32, #tpu.memory_space<vmem>>, vector<1x16xi32>,
      %get3A_1561 = vector.shape_cast %get3A_1560 : vector<1x16xi32> to vector<16xi32>
      %ge3A_1562 = arith.constant 0 : i32
      %ge3A_1563 = vector.broadcast %ge3A_1562 : i32 to vector<16xi32>
      %ge3A_1564 = arith.cmpi sge, %get3A_1561, %ge3A_1563 : vector<16xi32>
      %lt3A_1565 = arith.constant 4 : i32
      %lt3A_1566 = vector.broadcast %lt3A_1565 : i32 to vector<16xi32>
      %lt3A_1567 = arith.cmpi slt, %get3A_1561, %lt3A_1566 : vector<16xi32>
      %and3A_1568 = arith.andi %ge3A_1564, %lt3A_1567 : vector<16xi1>
      %jit3A_1569 = arith.constant 1 : i32
      %jit3A_1570 = arith.constant 0 : i32
      %broadcast_in_dim3A_1571 = vector.broadcast %jit3A_1569 : i32 to vector<16xi32>
      %broadcast_in_dim3A_1572 = vector.broadcast %jit3A_1570 : i32 to vector<16xi32>
      %select_n3A_1573 = arith.select %and3A_1568, %broadcast_in_dim3A_1571, %broadcast_in_dim3A_1572 : vector<16xi1>, vector<16xi32>
      %get3A_1574 = arith.index_cast %add3A_1550 : i32 to index
      %get3A_1575 = arith.constant 16 : index
      %get3A_1576 = tpu.vector_load %arg6[%get3A_1574, %get3A_1575] {strides = array<i32>} : memref<65x100xi32, #tpu.memory_space<vmem>>, vector<1x16xi32>,
      %get3A_1577 = vector.shape_cast %get3A_1576 : vector<1x16xi32> to vector<16xi32>
      %ge3A_1578 = arith.constant 0 : i32
      %ge3A_1579 = vector.broadcast %ge3A_1578 : i32 to vector<16xi32>
      %ge3A_1580 = arith.cmpi sge, %get3A_1577, %ge3A_1579 : vector<16xi32>
      %lt3A_1581 = arith.constant 4 : i32
      %lt3A_1582 = vector.broadcast %lt3A_1581 : i32 to vector<16xi32>
      %lt3A_1583 = arith.cmpi slt, %get3A_1577, %lt3A_1582 : vector<16xi32>
      %and3A_1584 = arith.andi %ge3A_1580, %lt3A_1583 : vector<16xi1>
      %jit3A_1585 = arith.constant 1 : i32
      %jit3A_1586 = arith.constant 0 : i32
      %broadcast_in_dim3A_1587 = vector.broadcast %jit3A_1585 : i32 to vector<16xi32>
      %broadcast_in_dim3A_1588 = vector.broadcast %jit3A_1586 : i32 to vector<16xi32>
      %select_n3A_1589 = arith.select %and3A_1584, %broadcast_in_dim3A_1587, %broadcast_in_dim3A_1588 : vector<16xi1>, vector<16xi32>
      %add3A_1590 = arith.addi %select_n3A_1573, %select_n3A_1589 : vector<16xi32>
      %get3A_1591 = arith.index_cast %add3A_1550 : i32 to index
      %get3A_1592 = arith.constant 32 : index
      %get3A_1593 = tpu.vector_load %arg6[%get3A_1591, %get3A_1592] {strides = array<i32>} : memref<65x100xi32, #tpu.memory_space<vmem>>, vector<1x16xi32>,
      %get3A_1594 = vector.shape_cast %get3A_1593 : vector<1x16xi32> to vector<16xi32>
      %ge3A_1595 = arith.constant 0 : i32
      %ge3A_1596 = vector.broadcast %ge3A_1595 : i32 to vector<16xi32>
      %ge3A_1597 = arith.cmpi sge, %get3A_1594, %ge3A_1596 : vector<16xi32>
      %lt3A_1598 = arith.constant 4 : i32
      %lt3A_1599 = vector.broadcast %lt3A_1598 : i32 to vector<16xi32>
      %lt3A_1600 = arith.cmpi slt, %get3A_1594, %lt3A_1599 : vector<16xi32>
      %and3A_1601 = arith.andi %ge3A_1597, %lt3A_1600 : vector<16xi1>
      %jit3A_1602 = arith.constant 1 : i32
      %jit3A_1603 = arith.constant 0 : i32
      %broadcast_in_dim3A_1604 = vector.broadcast %jit3A_1602 : i32 to vector<16xi32>
      %broadcast_in_dim3A_1605 = vector.broadcast %jit3A_1603 : i32 to vector<16xi32>
      %select_n3A_1606 = arith.select %and3A_1601, %broadcast_in_dim3A_1604, %broadcast_in_dim3A_1605 : vector<16xi1>, vector<16xi32>
      %add3A_1607 = arith.addi %add3A_1590, %select_n3A_1606 : vector<16xi32>
      %get3A_1608 = arith.index_cast %add3A_1550 : i32 to index
      %get3A_1609 = arith.constant 48 : index
      %get3A_1610 = tpu.vector_load %arg6[%get3A_1608, %get3A_1609] {strides = array<i32>} : memref<65x100xi32, #tpu.memory_space<vmem>>, vector<1x16xi32>,
      %get3A_1611 = vector.shape_cast %get3A_1610 : vector<1x16xi32> to vector<16xi32>
      %ge3A_1612 = arith.constant 0 : i32
      %ge3A_1613 = vector.broadcast %ge3A_1612 : i32 to vector<16xi32>
      %ge3A_1614 = arith.cmpi sge, %get3A_1611, %ge3A_1613 : vector<16xi32>
      %lt3A_1615 = arith.constant 4 : i32
      %lt3A_1616 = vector.broadcast %lt3A_1615 : i32 to vector<16xi32>
      %lt3A_1617 = arith.cmpi slt, %get3A_1611, %lt3A_1616 : vector<16xi32>
      %and3A_1618 = arith.andi %ge3A_1614, %lt3A_1617 : vector<16xi1>
      %jit3A_1619 = arith.constant 1 : i32
      %jit3A_1620 = arith.constant 0 : i32
      %broadcast_in_dim3A_1621 = vector.broadcast %jit3A_1619 : i32 to vector<16xi32>
      %broadcast_in_dim3A_1622 = vector.broadcast %jit3A_1620 : i32 to vector<16xi32>
      %select_n3A_1623 = arith.select %and3A_1618, %broadcast_in_dim3A_1621, %broadcast_in_dim3A_1622 : vector<16xi1>, vector<16xi32>
      %add3A_1624 = arith.addi %add3A_1607, %select_n3A_1623 : vector<16xi32>
      %get3A_1625 = arith.index_cast %add3A_1550 : i32 to index
      %get3A_1626 = arith.constant 64 : index
      %get3A_1627 = tpu.vector_load %arg6[%get3A_1625, %get3A_1626] {strides = array<i32>} : memref<65x100xi32, #tpu.memory_space<vmem>>, vector<1x16xi32>,
      %get3A_1628 = vector.shape_cast %get3A_1627 : vector<1x16xi32> to vector<16xi32>
      %ge3A_1629 = arith.constant 0 : i32
      %ge3A_1630 = vector.broadcast %ge3A_1629 : i32 to vector<16xi32>
      %ge3A_1631 = arith.cmpi sge, %get3A_1628, %ge3A_1630 : vector<16xi32>
      %lt3A_1632 = arith.constant 4 : i32
      %lt3A_1633 = vector.broadcast %lt3A_1632 : i32 to vector<16xi32>
      %lt3A_1634 = arith.cmpi slt, %get3A_1628, %lt3A_1633 : vector<16xi32>
      %and3A_1635 = arith.andi %ge3A_1631, %lt3A_1634 : vector<16xi1>
      %jit3A_1636 = arith.constant 1 : i32
      %jit3A_1637 = arith.constant 0 : i32
      %broadcast_in_dim3A_1638 = vector.broadcast %jit3A_1636 : i32 to vector<16xi32>
      %broadcast_in_dim3A_1639 = vector.broadcast %jit3A_1637 : i32 to vector<16xi32>
      %select_n3A_1640 = arith.select %and3A_1635, %broadcast_in_dim3A_1638, %broadcast_in_dim3A_1639 : vector<16xi1>, vector<16xi32>
      %add3A_1641 = arith.addi %add3A_1624, %select_n3A_1640 : vector<16xi32>
      %get3A_1642 = arith.index_cast %add3A_1550 : i32 to index
      %get3A_1643 = arith.constant 80 : index
      %get3A_1644 = tpu.vector_load %arg6[%get3A_1642, %get3A_1643] {strides = array<i32>} : memref<65x100xi32, #tpu.memory_space<vmem>>, vector<1x16xi32>,
      %get3A_1645 = vector.shape_cast %get3A_1644 : vector<1x16xi32> to vector<16xi32>
      %ge3A_1646 = arith.constant 0 : i32
      %ge3A_1647 = vector.broadcast %ge3A_1646 : i32 to vector<16xi32>
      %ge3A_1648 = arith.cmpi sge, %get3A_1645, %ge3A_1647 : vector<16xi32>
      %lt3A_1649 = arith.constant 4 : i32
      %lt3A_1650 = vector.broadcast %lt3A_1649 : i32 to vector<16xi32>
      %lt3A_1651 = arith.cmpi slt, %get3A_1645, %lt3A_1650 : vector<16xi32>
      %and3A_1652 = arith.andi %ge3A_1648, %lt3A_1651 : vector<16xi1>
      %jit3A_1653 = arith.constant 1 : i32
      %jit3A_1654 = arith.constant 0 : i32
      %broadcast_in_dim3A_1655 = vector.broadcast %jit3A_1653 : i32 to vector<16xi32>
      %broadcast_in_dim3A_1656 = vector.broadcast %jit3A_1654 : i32 to vector<16xi32>
      %select_n3A_1657 = arith.select %and3A_1652, %broadcast_in_dim3A_1655, %broadcast_in_dim3A_1656 : vector<16xi1>, vector<16xi32>
      %add3A_1658 = arith.addi %add3A_1641, %select_n3A_1657 : vector<16xi32>
      %get3A_1659 = arith.index_cast %add3A_1550 : i32 to index
      %get3A_1660 = arith.constant 84 : index
      %get3A_1661 = tpu.vector_load %arg6[%get3A_1659, %get3A_1660] {strides = array<i32>} : memref<65x100xi32, #tpu.memory_space<vmem>>, vector<1x16xi32>,
      %get3A_1662 = vector.shape_cast %get3A_1661 : vector<1x16xi32> to vector<16xi32>
      %ge3A_1663 = arith.constant 0 : i32
      %ge3A_1664 = vector.broadcast %ge3A_1663 : i32 to vector<16xi32>
      %ge3A_1665 = arith.cmpi sge, %get3A_1662, %ge3A_1664 : vector<16xi32>
      %lt3A_1666 = arith.constant 4 : i32
      %lt3A_1667 = vector.broadcast %lt3A_1666 : i32 to vector<16xi32>
      %lt3A_1668 = arith.cmpi slt, %get3A_1662, %lt3A_1667 : vector<16xi32>
      %and3A_1669 = arith.andi %ge3A_1665, %lt3A_1668 : vector<16xi1>
      %jit3A_1670 = arith.constant 1 : i32
      %jit3A_1671 = arith.constant 0 : i32
      %broadcast_in_dim3A_1672 = vector.broadcast %jit3A_1670 : i32 to vector<16xi32>
      %broadcast_in_dim3A_1673 = vector.broadcast %jit3A_1671 : i32 to vector<16xi32>
      %select_n3A_1674 = arith.select %and3A_1669, %broadcast_in_dim3A_1672, %broadcast_in_dim3A_1673 : vector<16xi1>, vector<16xi32>
      %add3A_1675 = arith.addi %add3A_1658, %select_n3A_1674 : vector<16xi32>
      %slice3A_1676 = vector.extract_strided_slice %add3A_1675 {offsets = [0], sizes = [1], strides = [1]} : vector<16xi32> to vector<1xi32>
      %squeeze3A_1677 = vector.extract %slice3A_1676[0] : i32 from vector<1xi32>
      %slice3A_1678 = vector.extract_strided_slice %add3A_1675 {offsets = [1], sizes = [1], strides = [1]} : vector<16xi32> to vector<1xi32>
      %squeeze3A_1679 = vector.extract %slice3A_1678[0] : i32 from vector<1xi32>
      %add3A_1680 = arith.addi %squeeze3A_1677, %squeeze3A_1679 : i32
      %slice3A_1681 = vector.extract_strided_slice %add3A_1675 {offsets = [2], sizes = [1], strides = [1]} : vector<16xi32> to vector<1xi32>
      %squeeze3A_1682 = vector.extract %slice3A_1681[0] : i32 from vector<1xi32>
      %add3A_1683 = arith.addi %add3A_1680, %squeeze3A_1682 : i32
      %slice3A_1684 = vector.extract_strided_slice %add3A_1675 {offsets = [3], sizes = [1], strides = [1]} : vector<16xi32> to vector<1xi32>
      %squeeze3A_1685 = vector.extract %slice3A_1684[0] : i32 from vector<1xi32>
      %add3A_1686 = arith.addi %add3A_1683, %squeeze3A_1685 : i32
      %slice3A_1687 = vector.extract_strided_slice %add3A_1675 {offsets = [4], sizes = [1], strides = [1]} : vector<16xi32> to vector<1xi32>
      %squeeze3A_1688 = vector.extract %slice3A_1687[0] : i32 from vector<1xi32>
      %add3A_1689 = arith.addi %add3A_1686, %squeeze3A_1688 : i32
      %slice3A_1690 = vector.extract_strided_slice %add3A_1675 {offsets = [5], sizes = [1], strides = [1]} : vector<16xi32> to vector<1xi32>
      %squeeze3A_1691 = vector.extract %slice3A_1690[0] : i32 from vector<1xi32>
      %add3A_1692 = arith.addi %add3A_1689, %squeeze3A_1691 : i32
      %slice3A_1693 = vector.extract_strided_slice %add3A_1675 {offsets = [6], sizes = [1], strides = [1]} : vector<16xi32> to vector<1xi32>
      %squeeze3A_1694 = vector.extract %slice3A_1693[0] : i32 from vector<1xi32>
      %add3A_1695 = arith.addi %add3A_1692, %squeeze3A_1694 : i32
      %slice3A_1696 = vector.extract_strided_slice %add3A_1675 {offsets = [7], sizes = [1], strides = [1]} : vector<16xi32> to vector<1xi32>
      %squeeze3A_1697 = vector.extract %slice3A_1696[0] : i32 from vector<1xi32>
      %add3A_1698 = arith.addi %add3A_1695, %squeeze3A_1697 : i32
      %slice3A_1699 = vector.extract_strided_slice %add3A_1675 {offsets = [8], sizes = [1], strides = [1]} : vector<16xi32> to vector<1xi32>
      %squeeze3A_1700 = vector.extract %slice3A_1699[0] : i32 from vector<1xi32>
      %add3A_1701 = arith.addi %add3A_1698, %squeeze3A_1700 : i32
      %slice3A_1702 = vector.extract_strided_slice %add3A_1675 {offsets = [9], sizes = [1], strides = [1]} : vector<16xi32> to vector<1xi32>
      %squeeze3A_1703 = vector.extract %slice3A_1702[0] : i32 from vector<1xi32>
      %add3A_1704 = arith.addi %add3A_1701, %squeeze3A_1703 : i32
      %slice3A_1705 = vector.extract_strided_slice %add3A_1675 {offsets = [10], sizes = [1], strides = [1]} : vector<16xi32> to vector<1xi32>
      %squeeze3A_1706 = vector.extract %slice3A_1705[0] : i32 from vector<1xi32>
      %add3A_1707 = arith.addi %add3A_1704, %squeeze3A_1706 : i32
      %slice3A_1708 = vector.extract_strided_slice %add3A_1675 {offsets = [11], sizes = [1], strides = [1]} : vector<16xi32> to vector<1xi32>
      %squeeze3A_1709 = vector.extract %slice3A_1708[0] : i32 from vector<1xi32>
      %add3A_1710 = arith.addi %add3A_1707, %squeeze3A_1709 : i32
      %slice3A_1711 = vector.extract_strided_slice %add3A_1675 {offsets = [12], sizes = [1], strides = [1]} : vector<16xi32> to vector<1xi32>
      %squeeze3A_1712 = vector.extract %slice3A_1711[0] : i32 from vector<1xi32>
      %add3A_1713 = arith.addi %add3A_1710, %squeeze3A_1712 : i32
      %slice3A_1714 = vector.extract_strided_slice %add3A_1675 {offsets = [13], sizes = [1], strides = [1]} : vector<16xi32> to vector<1xi32>
      %squeeze3A_1715 = vector.extract %slice3A_1714[0] : i32 from vector<1xi32>
      %add3A_1716 = arith.addi %add3A_1713, %squeeze3A_1715 : i32
      %slice3A_1717 = vector.extract_strided_slice %add3A_1675 {offsets = [14], sizes = [1], strides = [1]} : vector<16xi32> to vector<1xi32>
      %squeeze3A_1718 = vector.extract %slice3A_1717[0] : i32 from vector<1xi32>
      %add3A_1719 = arith.addi %add3A_1716, %squeeze3A_1718 : i32
      %slice3A_1720 = vector.extract_strided_slice %add3A_1675 {offsets = [15], sizes = [1], strides = [1]} : vector<16xi32> to vector<1xi32>
      %squeeze3A_1721 = vector.extract %slice3A_1720[0] : i32 from vector<1xi32>
      %add3A_1722 = arith.addi %add3A_1719, %squeeze3A_1721 : i32
      %gt3A_1723 = arith.constant 0 : i32
      %gt3A_1724 = arith.cmpi sgt, %add3A_1722, %gt3A_1723 : i32
      %convert_element_type3A_1725 = arith.extui %gt3A_1724 : i1 to i32
      %cond3A_1726 = arith.constant 0 : i32
      %cond3A_1727 = arith.cmpi ne, %convert_element_type3A_1725, %cond3A_1726 : i32
      scf.if %cond3A_1727 {
        %scan3A_2063 = arith.constant 0 : i32
        %scan3A_2064 = arith.constant 0 : i32
        %scan3A_2065 = arith.constant 100 : i32
        %scan3A_2066 = arith.addi %scan3A_2064, %scan3A_2065 : i32
        %scan3A_2067 = arith.constant 1 : i32
        scf.for %scan3A_2069 = %scan3A_2064 to %scan3A_2066 step %scan3A_2067  : i32 {
          %get3A_2070 = arith.index_cast %add3A_1550 : i32 to index
          %get3A_2071 = arith.index_cast %scan3A_2069 : i32 to index
          %get3A_2072 = tpu.vector_load %arg6[%get3A_2070, %get3A_2071] {strides = array<i32>} : memref<65x100xi32, #tpu.memory_space<vmem>>, vector<1x16xi32>,
          %get3A_2073 = vector.shape_cast %get3A_2072 : vector<1x16xi32> to vector<16xi32>
          %slice3A_2074 = vector.extract_strided_slice %get3A_2073 {offsets = [0], sizes = [1], strides = [1]} : vector<16xi32> to vector<1xi32>
          %squeeze3A_2075 = vector.extract %slice3A_2074[0] : i32 from vector<1xi32>
          %ge3A_2076 = arith.constant 0 : i32
          %ge3A_2077 = arith.cmpi sge, %squeeze3A_2075, %ge3A_2076 : i32
          %lt3A_2078 = arith.constant 4 : i32
          %lt3A_2079 = arith.cmpi slt, %squeeze3A_2075, %lt3A_2078 : i32
          %and3A_2080 = arith.andi %ge3A_2077, %lt3A_2079 : i1
          %convert_element_type3A_2081 = arith.extui %and3A_2080 : i1 to i32
          %cond3A_2082 = arith.constant 0 : i32
          %cond3A_2083 = arith.cmpi ne, %convert_element_type3A_2081, %cond3A_2082 : i32
          scf.if %cond3A_2083 {
            %sub3A = arith.constant 0 : i32
            %sub3A_2084 = arith.subi %squeeze3A_2075, %sub3A : i32
            "tpu.region"() ({
              %run_scoped3A = tpu.sem_alloc : memref<!tpu.dma_semaphore, #tpu.memory_space<semaphore_mem>>
              %dma_start3A_2085 = arith.constant 0 : i32
              %dma_start3A_2086 = tpu.memref_slice %arg8[%scan3A_2069, %dma_start3A_2085] : memref<100x128xf32, #tpu.memory_space<vmem>> -> memref<1x128xf32, #tpu.memory_space<vmem>>
              %dma_start3A_2087 = tpu.memref_squeeze %dma_start3A_2086 : memref<1x128xf32, #tpu.memory_space<vmem>> -> memref<128xf32, #tpu.memory_space<vmem>>
              %dma_start3A_2088 = arith.constant 0 : i32
              %dma_start3A_2089 = tpu.memref_slice %arg7[%sub3A_2084, %dma_start3A_2088] : memref<4x128xf32, #tpu.memory_space<vmem_shared>> -> memref<1x128xf32, #tpu.memory_space<vmem_shared>>
              %dma_start3A_2090 = tpu.memref_squeeze %dma_start3A_2089 : memref<1x128xf32, #tpu.memory_space<vmem_shared>> -> memref<128xf32, #tpu.memory_space<vmem_shared>>
              %dma_start3A_2091 = arith.constant 0 : i32
              %dma_start3A_2092 = tpu.memref_slice %arg8[%scan3A_2069, %dma_start3A_2091] : memref<100x128xf32, #tpu.memory_space<vmem>> -> memref<1x128xf32, #tpu.memory_space<vmem>>
              %dma_start3A_2093 = tpu.memref_squeeze %dma_start3A_2092 : memref<1x128xf32, #tpu.memory_space<vmem>> -> memref<128xf32, #tpu.memory_space<vmem>>
              %dma_start3A_2094 = arith.constant 0 : i32
              %dma_start3A_2095 = tpu.memref_slice %arg7[%sub3A_2084, %dma_start3A_2094] : memref<4x128xf32, #tpu.memory_space<vmem_shared>> -> memref<1x128xf32, #tpu.memory_space<vmem_shared>>
              %dma_start3A_2096 = tpu.memref_squeeze %dma_start3A_2095 : memref<1x128xf32, #tpu.memory_space<vmem_shared>> -> memref<128xf32, #tpu.memory_space<vmem_shared>>
              tpu.enqueue_dma source(%dma_start3A_2096 : memref<128xf32, #tpu.memory_space<vmem_shared>>) target(%dma_start3A_2093 : memref<128xf32, #tpu.memory_space<vmem>>) target_semaphore(%run_scoped3A : memref<!tpu.dma_semaphore, #tpu.memory_space<semaphore_mem>>)
              %dma_wait3A_2097 = arith.constant 0 : i32
              %dma_wait3A_2098 = tpu.memref_slice %arg8[%scan3A_2069, %dma_wait3A_2097] : memref<100x128xf32, #tpu.memory_space<vmem>> -> memref<1x128xf32, #tpu.memory_space<vmem>>
              %dma_wait3A_2099 = tpu.memref_squeeze %dma_wait3A_2098 : memref<1x128xf32, #tpu.memory_space<vmem>> -> memref<128xf32, #tpu.memory_space<vmem>>
              %dma_wait3A_2100 = arith.constant 0 : i32
              %dma_wait3A_2101 = tpu.memref_slice %arg7[%sub3A_2084, %dma_wait3A_2100] : memref<4x128xf32, #tpu.memory_space<vmem_shared>> -> memref<1x128xf32, #tpu.memory_space<vmem_shared>>
              %dma_wait3A_2102 = tpu.memref_squeeze %dma_wait3A_2101 : memref<1x128xf32, #tpu.memory_space<vmem_shared>> -> memref<128xf32, #tpu.memory_space<vmem_shared>>
              %dma_wait3A_2103 = arith.constant 0 : i32
              %dma_wait3A_2104 = tpu.memref_slice %arg8[%scan3A_2069, %dma_wait3A_2103] : memref<100x128xf32, #tpu.memory_space<vmem>> -> memref<1x128xf32, #tpu.memory_space<vmem>>
              %dma_wait3A_2105 = tpu.memref_squeeze %dma_wait3A_2104 : memref<1x128xf32, #tpu.memory_space<vmem>> -> memref<128xf32, #tpu.memory_space<vmem>>
              %dma_wait3A_2106 = arith.constant 0 : i32
              %dma_wait3A_2107 = tpu.memref_slice %arg7[%sub3A_2084, %dma_wait3A_2106] : memref<4x128xf32, #tpu.memory_space<vmem_shared>> -> memref<1x128xf32, #tpu.memory_space<vmem_shared>>
              %dma_wait3A_2108 = tpu.memref_squeeze %dma_wait3A_2107 : memref<1x128xf32, #tpu.memory_space<vmem_shared>> -> memref<128xf32, #tpu.memory_space<vmem_shared>>
              tpu.wait_dma2 semaphore(%run_scoped3A : memref<!tpu.dma_semaphore, #tpu.memory_space<semaphore_mem>>) src(%dma_wait3A_2108 : memref<128xf32, #tpu.memory_space<vmem_shared>>) dst(%dma_wait3A_2105 : memref<128xf32, #tpu.memory_space<vmem>>)
              tpu.yield
            }) : () -> ()
          } else {
          }
        }
        %scan3A_2068 = arith.constant 100 : i32
      } else {
      }
      %mul3A_1728 = arith.constant 2 : i32
      %mul3A_1729 = arith.muli %add3A_1550, %mul3A_1728 : i32
      %add3A_1730 = arith.addi %mul3A_2, %mul3A_1729 : i32
      %add3A_1731 = arith.constant 0 : i32
      %add3A_1732 = arith.addi %add3A_1730, %add3A_1731 : i32
      %dma_start3A_1733 = arith.constant 0 : i32
      %dma_start3A_1734 = arith.constant 0 : i32
      %dma_start3A_1735 = tpu.memref_slice %arg8[%dma_start3A_1733, %dma_start3A_1734] : memref<100x128xf32, #tpu.memory_space<vmem>> -> memref<50x128xf32, #tpu.memory_space<vmem>>
      %dma_start3A_1736 = arith.constant 0 : i32
      %dma_start3A_1737 = arith.constant 0 : i32
      %dma_start3A_1738 = tpu.memref_slice %arg5[%add3A_1732, %dma_start3A_1736, %dma_start3A_1737] : memref<4096x50x128xf32, #tpu.memory_space<hbm>> -> memref<1x50x128xf32, #tpu.memory_space<hbm>>
      %dma_start3A_1739 = tpu.memref_squeeze %dma_start3A_1738 : memref<1x50x128xf32, #tpu.memory_space<hbm>> -> memref<50x128xf32, #tpu.memory_space<hbm>>
      %dma_start3A_1740 = arith.constant 0 : i32
      %dma_start3A_1741 = arith.constant 0 : i32
      %dma_start3A_1742 = tpu.memref_slice %arg5[%add3A_1732, %dma_start3A_1740, %dma_start3A_1741] : memref<4096x50x128xf32, #tpu.memory_space<hbm>> -> memref<1x50x128xf32, #tpu.memory_space<hbm>>
      %dma_start3A_1743 = tpu.memref_squeeze %dma_start3A_1742 : memref<1x50x128xf32, #tpu.memory_space<hbm>> -> memref<50x128xf32, #tpu.memory_space<hbm>>
      %dma_start3A_1744 = arith.constant 0 : i32
      %dma_start3A_1745 = arith.constant 0 : i32
      %dma_start3A_1746 = tpu.memref_slice %arg8[%dma_start3A_1744, %dma_start3A_1745] : memref<100x128xf32, #tpu.memory_space<vmem>> -> memref<50x128xf32, #tpu.memory_space<vmem>>
      tpu.enqueue_dma source(%dma_start3A_1746 : memref<50x128xf32, #tpu.memory_space<vmem>>) target(%dma_start3A_1743 : memref<50x128xf32, #tpu.memory_space<hbm>>) target_semaphore(%arg16 : memref<!tpu.dma_semaphore, #tpu.memory_space<semaphore_mem>>)
      %mul3A_1747 = arith.constant 2 : i32
      %mul3A_1748 = arith.muli %add3A_1550, %mul3A_1747 : i32
      %add3A_1749 = arith.addi %mul3A_2, %mul3A_1748 : i32
      %add3A_1750 = arith.constant 1 : i32
      %add3A_1751 = arith.addi %add3A_1749, %add3A_1750 : i32
      %dma_start3A_1752 = arith.constant 50 : i32
      %dma_start3A_1753 = arith.constant 0 : i32
      %dma_start3A_1754 = tpu.memref_slice %arg8[%dma_start3A_1752, %dma_start3A_1753] : memref<100x128xf32, #tpu.memory_space<vmem>> -> memref<50x128xf32, #tpu.memory_space<vmem>>
      %dma_start3A_1755 = arith.constant 0 : i32
      %dma_start3A_1756 = arith.constant 0 : i32
      %dma_start3A_1757 = tpu.memref_slice %arg5[%add3A_1751, %dma_start3A_1755, %dma_start3A_1756] : memref<4096x50x128xf32, #tpu.memory_space<hbm>> -> memref<1x50x128xf32, #tpu.memory_space<hbm>>
      %dma_start3A_1758 = tpu.memref_squeeze %dma_start3A_1757 : memref<1x50x128xf32, #tpu.memory_space<hbm>> -> memref<50x128xf32, #tpu.memory_space<hbm>>
      %dma_start3A_1759 = arith.constant 0 : i32
      %dma_start3A_1760 = arith.constant 0 : i32
      %dma_start3A_1761 = tpu.memref_slice %arg5[%add3A_1751, %dma_start3A_1759, %dma_start3A_1760] : memref<4096x50x128xf32, #tpu.memory_space<hbm>> -> memref<1x50x128xf32, #tpu.memory_space<hbm>>
      %dma_start3A_1762 = tpu.memref_squeeze %dma_start3A_1761 : memref<1x50x128xf32, #tpu.memory_space<hbm>> -> memref<50x128xf32, #tpu.memory_space<hbm>>
      %dma_start3A_1763 = arith.constant 50 : i32
      %dma_start3A_1764 = arith.constant 0 : i32
      %dma_start3A_1765 = tpu.memref_slice %arg8[%dma_start3A_1763, %dma_start3A_1764] : memref<100x128xf32, #tpu.memory_space<vmem>> -> memref<50x128xf32, #tpu.memory_space<vmem>>
      tpu.enqueue_dma source(%dma_start3A_1765 : memref<50x128xf32, #tpu.memory_space<vmem>>) target(%dma_start3A_1762 : memref<50x128xf32, #tpu.memory_space<hbm>>) target_semaphore(%arg16 : memref<!tpu.dma_semaphore, #tpu.memory_space<semaphore_mem>>)
      %dma_wait3A_1766 = arith.constant 0 : i32
      %dma_wait3A_1767 = arith.constant 0 : i32
      %dma_wait3A_1768 = arith.constant 0 : i32
      %dma_wait3A_1769 = tpu.memref_slice %arg10[%dma_wait3A_1767, %dma_wait3A_1768] : memref<100x128xf32, #tpu.memory_space<vmem>> -> memref<50x128xf32, #tpu.memory_space<vmem>>
      %dma_wait3A_1770 = arith.constant 0 : i32
      %dma_wait3A_1771 = arith.constant 0 : i32
      %dma_wait3A_1772 = tpu.memref_slice %arg5[%dma_wait3A_1766, %dma_wait3A_1770, %dma_wait3A_1771] : memref<4096x50x128xf32, #tpu.memory_space<hbm>> -> memref<1x50x128xf32, #tpu.memory_space<hbm>>
      %dma_wait3A_1773 = tpu.memref_squeeze %dma_wait3A_1772 : memref<1x50x128xf32, #tpu.memory_space<hbm>> -> memref<50x128xf32, #tpu.memory_space<hbm>>
      %dma_wait3A_1774 = arith.constant 0 : i32
      %dma_wait3A_1775 = arith.constant 0 : i32
      %dma_wait3A_1776 = tpu.memref_slice %arg5[%dma_wait3A_1766, %dma_wait3A_1774, %dma_wait3A_1775] : memref<4096x50x128xf32, #tpu.memory_space<hbm>> -> memref<1x50x128xf32, #tpu.memory_space<hbm>>
      %dma_wait3A_1777 = tpu.memref_squeeze %dma_wait3A_1776 : memref<1x50x128xf32, #tpu.memory_space<hbm>> -> memref<50x128xf32, #tpu.memory_space<hbm>>
      %dma_wait3A_1778 = arith.constant 0 : i32
      %dma_wait3A_1779 = arith.constant 0 : i32
      %dma_wait3A_1780 = tpu.memref_slice %arg10[%dma_wait3A_1778, %dma_wait3A_1779] : memref<100x128xf32, #tpu.memory_space<vmem>> -> memref<50x128xf32, #tpu.memory_space<vmem>>
      tpu.wait_dma2 semaphore(%arg18 : memref<!tpu.dma_semaphore, #tpu.memory_space<semaphore_mem>>) src(%dma_wait3A_1780 : memref<50x128xf32, #tpu.memory_space<vmem>>) dst(%dma_wait3A_1777 : memref<50x128xf32, #tpu.memory_space<hbm>>)
      %dma_wait3A_1781 = arith.constant 0 : i32
      %dma_wait3A_1782 = arith.constant 0 : i32
      %dma_wait3A_1783 = arith.constant 0 : i32
      %dma_wait3A_1784 = tpu.memref_slice %arg10[%dma_wait3A_1782, %dma_wait3A_1783] : memref<100x128xf32, #tpu.memory_space<vmem>> -> memref<50x128xf32, #tpu.memory_space<vmem>>
      %dma_wait3A_1785 = arith.constant 0 : i32
      %dma_wait3A_1786 = arith.constant 0 : i32
      %dma_wait3A_1787 = tpu.memref_slice %arg5[%dma_wait3A_1781, %dma_wait3A_1785, %dma_wait3A_1786] : memref<4096x50x128xf32, #tpu.memory_space<hbm>> -> memref<1x50x128xf32, #tpu.memory_space<hbm>>
      %dma_wait3A_1788 = tpu.memref_squeeze %dma_wait3A_1787 : memref<1x50x128xf32, #tpu.memory_space<hbm>> -> memref<50x128xf32, #tpu.memory_space<hbm>>
      %dma_wait3A_1789 = arith.constant 0 : i32
      %dma_wait3A_1790 = arith.constant 0 : i32
      %dma_wait3A_1791 = tpu.memref_slice %arg5[%dma_wait3A_1781, %dma_wait3A_1789, %dma_wait3A_1790] : memref<4096x50x128xf32, #tpu.memory_space<hbm>> -> memref<1x50x128xf32, #tpu.memory_space<hbm>>
      %dma_wait3A_1792 = tpu.memref_squeeze %dma_wait3A_1791 : memref<1x50x128xf32, #tpu.memory_space<hbm>> -> memref<50x128xf32, #tpu.memory_space<hbm>>
      %dma_wait3A_1793 = arith.constant 0 : i32
      %dma_wait3A_1794 = arith.constant 0 : i32
      %dma_wait3A_1795 = tpu.memref_slice %arg10[%dma_wait3A_1793, %dma_wait3A_1794] : memref<100x128xf32, #tpu.memory_space<vmem>> -> memref<50x128xf32, #tpu.memory_space<vmem>>
      tpu.wait_dma2 semaphore(%arg18 : memref<!tpu.dma_semaphore, #tpu.memory_space<semaphore_mem>>) src(%dma_wait3A_1795 : memref<50x128xf32, #tpu.memory_space<vmem>>) dst(%dma_wait3A_1792 : memref<50x128xf32, #tpu.memory_space<hbm>>)
      %add3A_1796 = arith.constant 2 : i32
      %add3A_1797 = arith.addi %add3A_1550, %add3A_1796 : i32
      %dma_start3A_1798 = arith.constant 0 : i32
      %dma_start3A_1799 = tpu.memref_slice %arg6[%add3A_1797, %dma_start3A_1798] : memref<65x100xi32, #tpu.memory_space<vmem>> -> memref<1x100xi32, #tpu.memory_space<vmem>>
      %dma_start3A_1800 = tpu.memref_squeeze %dma_start3A_1799 : memref<1x100xi32, #tpu.memory_space<vmem>> -> memref<100xi32, #tpu.memory_space<vmem>>
      %dma_start3A_1801 = arith.constant 0 : i32
      %dma_start3A_1802 = arith.constant 0 : i32
      %dma_start3A_1803 = tpu.memref_slice %arg3[%dma_start3A_1801, %dma_start3A_1802] : memref<100000x128xf32, #tpu.memory_space<hbm>> -> memref<100000x128xf32, #tpu.memory_space<hbm>>
      tpu.enqueue_indirect_dma source(%dma_start3A_1803 : memref<100000x128xf32, #tpu.memory_space<hbm>>) target(%arg10 : memref<100x128xf32, #tpu.memory_space<vmem>>) offsets(%dma_start3A_1800 : memref<100xi32, #tpu.memory_space<vmem>>) semaphore(%arg14 : memref<!tpu.dma_semaphore, #tpu.memory_space<semaphore_mem>>)
      %mul3A_1804 = arith.constant 4 : i32
      %mul3A_1805 = arith.muli %scan3A_1026, %mul3A_1804 : i32
      %add3A_1806 = arith.constant 2 : i32
      %add3A_1807 = arith.addi %add3A_1806, %mul3A_1805 : i32
      %add3A_1808 = arith.constant 3 : i32
      %add3A_1809 = arith.addi %add3A_1807, %add3A_1808 : i32
      %dma_wait3A_1810 = arith.constant 0 : i32
      %dma_wait3A_1811 = arith.constant 0 : i32
      %dma_wait3A_1812 = tpu.memref_slice %arg6[%dma_wait3A_1810, %dma_wait3A_1811] : memref<65x100xi32, #tpu.memory_space<vmem>> -> memref<1x100xi32, #tpu.memory_space<vmem>>
      %dma_wait3A_1813 = tpu.memref_squeeze %dma_wait3A_1812 : memref<1x100xi32, #tpu.memory_space<vmem>> -> memref<100xi32, #tpu.memory_space<vmem>>
      %dma_wait3A_1814 = arith.constant 0 : i32
      %dma_wait3A_1815 = arith.constant 0 : i32
      %dma_wait3A_1816 = tpu.memref_slice %arg3[%dma_wait3A_1814, %dma_wait3A_1815] : memref<100000x128xf32, #tpu.memory_space<hbm>> -> memref<100000x128xf32, #tpu.memory_space<hbm>>
      tpu.wait_indirect_dma semaphore(%arg13 : memref<!tpu.dma_semaphore, #tpu.memory_space<semaphore_mem>>) src(%dma_wait3A_1816 : memref<100000x128xf32, #tpu.memory_space<hbm>>) dst(%arg9 : memref<100x128xf32, #tpu.memory_space<vmem>>)
      %get3A_1817 = arith.index_cast %add3A_1809 : i32 to index
      %get3A_1818 = arith.constant 0 : index
      %get3A_1819 = tpu.vector_load %arg6[%get3A_1817, %get3A_1818] {strides = array<i32>} : memref<65x100xi32, #tpu.memory_space<vmem>>, vector<1x16xi32>,
      %get3A_1820 = vector.shape_cast %get3A_1819 : vector<1x16xi32> to vector<16xi32>
      %ge3A_1821 = arith.constant 0 : i32
      %ge3A_1822 = vector.broadcast %ge3A_1821 : i32 to vector<16xi32>
      %ge3A_1823 = arith.cmpi sge, %get3A_1820, %ge3A_1822 : vector<16xi32>
      %lt3A_1824 = arith.constant 4 : i32
      %lt3A_1825 = vector.broadcast %lt3A_1824 : i32 to vector<16xi32>
      %lt3A_1826 = arith.cmpi slt, %get3A_1820, %lt3A_1825 : vector<16xi32>
      %and3A_1827 = arith.andi %ge3A_1823, %lt3A_1826 : vector<16xi1>
      %jit3A_1828 = arith.constant 1 : i32
      %jit3A_1829 = arith.constant 0 : i32
      %broadcast_in_dim3A_1830 = vector.broadcast %jit3A_1828 : i32 to vector<16xi32>
      %broadcast_in_dim3A_1831 = vector.broadcast %jit3A_1829 : i32 to vector<16xi32>
      %select_n3A_1832 = arith.select %and3A_1827, %broadcast_in_dim3A_1830, %broadcast_in_dim3A_1831 : vector<16xi1>, vector<16xi32>
      %get3A_1833 = arith.index_cast %add3A_1809 : i32 to index
      %get3A_1834 = arith.constant 16 : index
      %get3A_1835 = tpu.vector_load %arg6[%get3A_1833, %get3A_1834] {strides = array<i32>} : memref<65x100xi32, #tpu.memory_space<vmem>>, vector<1x16xi32>,
      %get3A_1836 = vector.shape_cast %get3A_1835 : vector<1x16xi32> to vector<16xi32>
      %ge3A_1837 = arith.constant 0 : i32
      %ge3A_1838 = vector.broadcast %ge3A_1837 : i32 to vector<16xi32>
      %ge3A_1839 = arith.cmpi sge, %get3A_1836, %ge3A_1838 : vector<16xi32>
      %lt3A_1840 = arith.constant 4 : i32
      %lt3A_1841 = vector.broadcast %lt3A_1840 : i32 to vector<16xi32>
      %lt3A_1842 = arith.cmpi slt, %get3A_1836, %lt3A_1841 : vector<16xi32>
      %and3A_1843 = arith.andi %ge3A_1839, %lt3A_1842 : vector<16xi1>
      %jit3A_1844 = arith.constant 1 : i32
      %jit3A_1845 = arith.constant 0 : i32
      %broadcast_in_dim3A_1846 = vector.broadcast %jit3A_1844 : i32 to vector<16xi32>
      %broadcast_in_dim3A_1847 = vector.broadcast %jit3A_1845 : i32 to vector<16xi32>
      %select_n3A_1848 = arith.select %and3A_1843, %broadcast_in_dim3A_1846, %broadcast_in_dim3A_1847 : vector<16xi1>, vector<16xi32>
      %add3A_1849 = arith.addi %select_n3A_1832, %select_n3A_1848 : vector<16xi32>
      %get3A_1850 = arith.index_cast %add3A_1809 : i32 to index
      %get3A_1851 = arith.constant 32 : index
      %get3A_1852 = tpu.vector_load %arg6[%get3A_1850, %get3A_1851] {strides = array<i32>} : memref<65x100xi32, #tpu.memory_space<vmem>>, vector<1x16xi32>,
      %get3A_1853 = vector.shape_cast %get3A_1852 : vector<1x16xi32> to vector<16xi32>
      %ge3A_1854 = arith.constant 0 : i32
      %ge3A_1855 = vector.broadcast %ge3A_1854 : i32 to vector<16xi32>
      %ge3A_1856 = arith.cmpi sge, %get3A_1853, %ge3A_1855 : vector<16xi32>
      %lt3A_1857 = arith.constant 4 : i32
      %lt3A_1858 = vector.broadcast %lt3A_1857 : i32 to vector<16xi32>
      %lt3A_1859 = arith.cmpi slt, %get3A_1853, %lt3A_1858 : vector<16xi32>
      %and3A_1860 = arith.andi %ge3A_1856, %lt3A_1859 : vector<16xi1>
      %jit3A_1861 = arith.constant 1 : i32
      %jit3A_1862 = arith.constant 0 : i32
      %broadcast_in_dim3A_1863 = vector.broadcast %jit3A_1861 : i32 to vector<16xi32>
      %broadcast_in_dim3A_1864 = vector.broadcast %jit3A_1862 : i32 to vector<16xi32>
      %select_n3A_1865 = arith.select %and3A_1860, %broadcast_in_dim3A_1863, %broadcast_in_dim3A_1864 : vector<16xi1>, vector<16xi32>
      %add3A_1866 = arith.addi %add3A_1849, %select_n3A_1865 : vector<16xi32>
      %get3A_1867 = arith.index_cast %add3A_1809 : i32 to index
      %get3A_1868 = arith.constant 48 : index
      %get3A_1869 = tpu.vector_load %arg6[%get3A_1867, %get3A_1868] {strides = array<i32>} : memref<65x100xi32, #tpu.memory_space<vmem>>, vector<1x16xi32>,
      %get3A_1870 = vector.shape_cast %get3A_1869 : vector<1x16xi32> to vector<16xi32>
      %ge3A_1871 = arith.constant 0 : i32
      %ge3A_1872 = vector.broadcast %ge3A_1871 : i32 to vector<16xi32>
      %ge3A_1873 = arith.cmpi sge, %get3A_1870, %ge3A_1872 : vector<16xi32>
      %lt3A_1874 = arith.constant 4 : i32
      %lt3A_1875 = vector.broadcast %lt3A_1874 : i32 to vector<16xi32>
      %lt3A_1876 = arith.cmpi slt, %get3A_1870, %lt3A_1875 : vector<16xi32>
      %and3A_1877 = arith.andi %ge3A_1873, %lt3A_1876 : vector<16xi1>
      %jit3A_1878 = arith.constant 1 : i32
      %jit3A_1879 = arith.constant 0 : i32
      %broadcast_in_dim3A_1880 = vector.broadcast %jit3A_1878 : i32 to vector<16xi32>
      %broadcast_in_dim3A_1881 = vector.broadcast %jit3A_1879 : i32 to vector<16xi32>
      %select_n3A_1882 = arith.select %and3A_1877, %broadcast_in_dim3A_1880, %broadcast_in_dim3A_1881 : vector<16xi1>, vector<16xi32>
      %add3A_1883 = arith.addi %add3A_1866, %select_n3A_1882 : vector<16xi32>
      %get3A_1884 = arith.index_cast %add3A_1809 : i32 to index
      %get3A_1885 = arith.constant 64 : index
      %get3A_1886 = tpu.vector_load %arg6[%get3A_1884, %get3A_1885] {strides = array<i32>} : memref<65x100xi32, #tpu.memory_space<vmem>>, vector<1x16xi32>,
      %get3A_1887 = vector.shape_cast %get3A_1886 : vector<1x16xi32> to vector<16xi32>
      %ge3A_1888 = arith.constant 0 : i32
      %ge3A_1889 = vector.broadcast %ge3A_1888 : i32 to vector<16xi32>
      %ge3A_1890 = arith.cmpi sge, %get3A_1887, %ge3A_1889 : vector<16xi32>
      %lt3A_1891 = arith.constant 4 : i32
      %lt3A_1892 = vector.broadcast %lt3A_1891 : i32 to vector<16xi32>
      %lt3A_1893 = arith.cmpi slt, %get3A_1887, %lt3A_1892 : vector<16xi32>
      %and3A_1894 = arith.andi %ge3A_1890, %lt3A_1893 : vector<16xi1>
      %jit3A_1895 = arith.constant 1 : i32
      %jit3A_1896 = arith.constant 0 : i32
      %broadcast_in_dim3A_1897 = vector.broadcast %jit3A_1895 : i32 to vector<16xi32>
      %broadcast_in_dim3A_1898 = vector.broadcast %jit3A_1896 : i32 to vector<16xi32>
      %select_n3A_1899 = arith.select %and3A_1894, %broadcast_in_dim3A_1897, %broadcast_in_dim3A_1898 : vector<16xi1>, vector<16xi32>
      %add3A_1900 = arith.addi %add3A_1883, %select_n3A_1899 : vector<16xi32>
      %get3A_1901 = arith.index_cast %add3A_1809 : i32 to index
      %get3A_1902 = arith.constant 80 : index
      %get3A_1903 = tpu.vector_load %arg6[%get3A_1901, %get3A_1902] {strides = array<i32>} : memref<65x100xi32, #tpu.memory_space<vmem>>, vector<1x16xi32>,
      %get3A_1904 = vector.shape_cast %get3A_1903 : vector<1x16xi32> to vector<16xi32>
      %ge3A_1905 = arith.constant 0 : i32
      %ge3A_1906 = vector.broadcast %ge3A_1905 : i32 to vector<16xi32>
      %ge3A_1907 = arith.cmpi sge, %get3A_1904, %ge3A_1906 : vector<16xi32>
      %lt3A_1908 = arith.constant 4 : i32
      %lt3A_1909 = vector.broadcast %lt3A_1908 : i32 to vector<16xi32>
      %lt3A_1910 = arith.cmpi slt, %get3A_1904, %lt3A_1909 : vector<16xi32>
      %and3A_1911 = arith.andi %ge3A_1907, %lt3A_1910 : vector<16xi1>
      %jit3A_1912 = arith.constant 1 : i32
      %jit3A_1913 = arith.constant 0 : i32
      %broadcast_in_dim3A_1914 = vector.broadcast %jit3A_1912 : i32 to vector<16xi32>
      %broadcast_in_dim3A_1915 = vector.broadcast %jit3A_1913 : i32 to vector<16xi32>
      %select_n3A_1916 = arith.select %and3A_1911, %broadcast_in_dim3A_1914, %broadcast_in_dim3A_1915 : vector<16xi1>, vector<16xi32>
      %add3A_1917 = arith.addi %add3A_1900, %select_n3A_1916 : vector<16xi32>
      %get3A_1918 = arith.index_cast %add3A_1809 : i32 to index
      %get3A_1919 = arith.constant 84 : index
      %get3A_1920 = tpu.vector_load %arg6[%get3A_1918, %get3A_1919] {strides = array<i32>} : memref<65x100xi32, #tpu.memory_space<vmem>>, vector<1x16xi32>,
      %get3A_1921 = vector.shape_cast %get3A_1920 : vector<1x16xi32> to vector<16xi32>
      %ge3A_1922 = arith.constant 0 : i32
      %ge3A_1923 = vector.broadcast %ge3A_1922 : i32 to vector<16xi32>
      %ge3A_1924 = arith.cmpi sge, %get3A_1921, %ge3A_1923 : vector<16xi32>
      %lt3A_1925 = arith.constant 4 : i32
      %lt3A_1926 = vector.broadcast %lt3A_1925 : i32 to vector<16xi32>
      %lt3A_1927 = arith.cmpi slt, %get3A_1921, %lt3A_1926 : vector<16xi32>
      %and3A_1928 = arith.andi %ge3A_1924, %lt3A_1927 : vector<16xi1>
      %jit3A_1929 = arith.constant 1 : i32
      %jit3A_1930 = arith.constant 0 : i32
      %broadcast_in_dim3A_1931 = vector.broadcast %jit3A_1929 : i32 to vector<16xi32>
      %broadcast_in_dim3A_1932 = vector.broadcast %jit3A_1930 : i32 to vector<16xi32>
      %select_n3A_1933 = arith.select %and3A_1928, %broadcast_in_dim3A_1931, %broadcast_in_dim3A_1932 : vector<16xi1>, vector<16xi32>
      %add3A_1934 = arith.addi %add3A_1917, %select_n3A_1933 : vector<16xi32>
      %slice3A_1935 = vector.extract_strided_slice %add3A_1934 {offsets = [0], sizes = [1], strides = [1]} : vector<16xi32> to vector<1xi32>
      %squeeze3A_1936 = vector.extract %slice3A_1935[0] : i32 from vector<1xi32>
      %slice3A_1937 = vector.extract_strided_slice %add3A_1934 {offsets = [1], sizes = [1], strides = [1]} : vector<16xi32> to vector<1xi32>
      %squeeze3A_1938 = vector.extract %slice3A_1937[0] : i32 from vector<1xi32>
      %add3A_1939 = arith.addi %squeeze3A_1936, %squeeze3A_1938 : i32
      %slice3A_1940 = vector.extract_strided_slice %add3A_1934 {offsets = [2], sizes = [1], strides = [1]} : vector<16xi32> to vector<1xi32>
      %squeeze3A_1941 = vector.extract %slice3A_1940[0] : i32 from vector<1xi32>
      %add3A_1942 = arith.addi %add3A_1939, %squeeze3A_1941 : i32
      %slice3A_1943 = vector.extract_strided_slice %add3A_1934 {offsets = [3], sizes = [1], strides = [1]} : vector<16xi32> to vector<1xi32>
      %squeeze3A_1944 = vector.extract %slice3A_1943[0] : i32 from vector<1xi32>
      %add3A_1945 = arith.addi %add3A_1942, %squeeze3A_1944 : i32
      %slice3A_1946 = vector.extract_strided_slice %add3A_1934 {offsets = [4], sizes = [1], strides = [1]} : vector<16xi32> to vector<1xi32>
      %squeeze3A_1947 = vector.extract %slice3A_1946[0] : i32 from vector<1xi32>
      %add3A_1948 = arith.addi %add3A_1945, %squeeze3A_1947 : i32
      %slice3A_1949 = vector.extract_strided_slice %add3A_1934 {offsets = [5], sizes = [1], strides = [1]} : vector<16xi32> to vector<1xi32>
      %squeeze3A_1950 = vector.extract %slice3A_1949[0] : i32 from vector<1xi32>
      %add3A_1951 = arith.addi %add3A_1948, %squeeze3A_1950 : i32
      %slice3A_1952 = vector.extract_strided_slice %add3A_1934 {offsets = [6], sizes = [1], strides = [1]} : vector<16xi32> to vector<1xi32>
      %squeeze3A_1953 = vector.extract %slice3A_1952[0] : i32 from vector<1xi32>
      %add3A_1954 = arith.addi %add3A_1951, %squeeze3A_1953 : i32
      %slice3A_1955 = vector.extract_strided_slice %add3A_1934 {offsets = [7], sizes = [1], strides = [1]} : vector<16xi32> to vector<1xi32>
      %squeeze3A_1956 = vector.extract %slice3A_1955[0] : i32 from vector<1xi32>
      %add3A_1957 = arith.addi %add3A_1954, %squeeze3A_1956 : i32
      %slice3A_1958 = vector.extract_strided_slice %add3A_1934 {offsets = [8], sizes = [1], strides = [1]} : vector<16xi32> to vector<1xi32>
      %squeeze3A_1959 = vector.extract %slice3A_1958[0] : i32 from vector<1xi32>
      %add3A_1960 = arith.addi %add3A_1957, %squeeze3A_1959 : i32
      %slice3A_1961 = vector.extract_strided_slice %add3A_1934 {offsets = [9], sizes = [1], strides = [1]} : vector<16xi32> to vector<1xi32>
      %squeeze3A_1962 = vector.extract %slice3A_1961[0] : i32 from vector<1xi32>
      %add3A_1963 = arith.addi %add3A_1960, %squeeze3A_1962 : i32
      %slice3A_1964 = vector.extract_strided_slice %add3A_1934 {offsets = [10], sizes = [1], strides = [1]} : vector<16xi32> to vector<1xi32>
      %squeeze3A_1965 = vector.extract %slice3A_1964[0] : i32 from vector<1xi32>
      %add3A_1966 = arith.addi %add3A_1963, %squeeze3A_1965 : i32
      %slice3A_1967 = vector.extract_strided_slice %add3A_1934 {offsets = [11], sizes = [1], strides = [1]} : vector<16xi32> to vector<1xi32>
      %squeeze3A_1968 = vector.extract %slice3A_1967[0] : i32 from vector<1xi32>
      %add3A_1969 = arith.addi %add3A_1966, %squeeze3A_1968 : i32
      %slice3A_1970 = vector.extract_strided_slice %add3A_1934 {offsets = [12], sizes = [1], strides = [1]} : vector<16xi32> to vector<1xi32>
      %squeeze3A_1971 = vector.extract %slice3A_1970[0] : i32 from vector<1xi32>
      %add3A_1972 = arith.addi %add3A_1969, %squeeze3A_1971 : i32
      %slice3A_1973 = vector.extract_strided_slice %add3A_1934 {offsets = [13], sizes = [1], strides = [1]} : vector<16xi32> to vector<1xi32>
      %squeeze3A_1974 = vector.extract %slice3A_1973[0] : i32 from vector<1xi32>
      %add3A_1975 = arith.addi %add3A_1972, %squeeze3A_1974 : i32
      %slice3A_1976 = vector.extract_strided_slice %add3A_1934 {offsets = [14], sizes = [1], strides = [1]} : vector<16xi32> to vector<1xi32>
      %squeeze3A_1977 = vector.extract %slice3A_1976[0] : i32 from vector<1xi32>
      %add3A_1978 = arith.addi %add3A_1975, %squeeze3A_1977 : i32
      %slice3A_1979 = vector.extract_strided_slice %add3A_1934 {offsets = [15], sizes = [1], strides = [1]} : vector<16xi32> to vector<1xi32>
      %squeeze3A_1980 = vector.extract %slice3A_1979[0] : i32 from vector<1xi32>
      %add3A_1981 = arith.addi %add3A_1978, %squeeze3A_1980 : i32
      %gt3A_1982 = arith.constant 0 : i32
      %gt3A_1983 = arith.cmpi sgt, %add3A_1981, %gt3A_1982 : i32
      %convert_element_type3A_1984 = arith.extui %gt3A_1983 : i1 to i32
      %cond3A_1985 = arith.constant 0 : i32
      %cond3A_1986 = arith.cmpi ne, %convert_element_type3A_1984, %cond3A_1985 : i32
      scf.if %cond3A_1986 {
        %scan3A_2063 = arith.constant 0 : i32
        %scan3A_2064 = arith.constant 0 : i32
        %scan3A_2065 = arith.constant 100 : i32
        %scan3A_2066 = arith.addi %scan3A_2064, %scan3A_2065 : i32
        %scan3A_2067 = arith.constant 1 : i32
        scf.for %scan3A_2069 = %scan3A_2064 to %scan3A_2066 step %scan3A_2067  : i32 {
          %get3A_2070 = arith.index_cast %add3A_1809 : i32 to index
          %get3A_2071 = arith.index_cast %scan3A_2069 : i32 to index
          %get3A_2072 = tpu.vector_load %arg6[%get3A_2070, %get3A_2071] {strides = array<i32>} : memref<65x100xi32, #tpu.memory_space<vmem>>, vector<1x16xi32>,
          %get3A_2073 = vector.shape_cast %get3A_2072 : vector<1x16xi32> to vector<16xi32>
          %slice3A_2074 = vector.extract_strided_slice %get3A_2073 {offsets = [0], sizes = [1], strides = [1]} : vector<16xi32> to vector<1xi32>
          %squeeze3A_2075 = vector.extract %slice3A_2074[0] : i32 from vector<1xi32>
          %ge3A_2076 = arith.constant 0 : i32
          %ge3A_2077 = arith.cmpi sge, %squeeze3A_2075, %ge3A_2076 : i32
          %lt3A_2078 = arith.constant 4 : i32
          %lt3A_2079 = arith.cmpi slt, %squeeze3A_2075, %lt3A_2078 : i32
          %and3A_2080 = arith.andi %ge3A_2077, %lt3A_2079 : i1
          %convert_element_type3A_2081 = arith.extui %and3A_2080 : i1 to i32
          %cond3A_2082 = arith.constant 0 : i32
          %cond3A_2083 = arith.cmpi ne, %convert_element_type3A_2081, %cond3A_2082 : i32
          scf.if %cond3A_2083 {
            %sub3A = arith.constant 0 : i32
            %sub3A_2084 = arith.subi %squeeze3A_2075, %sub3A : i32
            "tpu.region"() ({
              %run_scoped3A = tpu.sem_alloc : memref<!tpu.dma_semaphore, #tpu.memory_space<semaphore_mem>>
              %dma_start3A_2085 = arith.constant 0 : i32
              %dma_start3A_2086 = tpu.memref_slice %arg9[%scan3A_2069, %dma_start3A_2085] : memref<100x128xf32, #tpu.memory_space<vmem>> -> memref<1x128xf32, #tpu.memory_space<vmem>>
              %dma_start3A_2087 = tpu.memref_squeeze %dma_start3A_2086 : memref<1x128xf32, #tpu.memory_space<vmem>> -> memref<128xf32, #tpu.memory_space<vmem>>
              %dma_start3A_2088 = arith.constant 0 : i32
              %dma_start3A_2089 = tpu.memref_slice %arg7[%sub3A_2084, %dma_start3A_2088] : memref<4x128xf32, #tpu.memory_space<vmem_shared>> -> memref<1x128xf32, #tpu.memory_space<vmem_shared>>
              %dma_start3A_2090 = tpu.memref_squeeze %dma_start3A_2089 : memref<1x128xf32, #tpu.memory_space<vmem_shared>> -> memref<128xf32, #tpu.memory_space<vmem_shared>>
              %dma_start3A_2091 = arith.constant 0 : i32
              %dma_start3A_2092 = tpu.memref_slice %arg9[%scan3A_2069, %dma_start3A_2091] : memref<100x128xf32, #tpu.memory_space<vmem>> -> memref<1x128xf32, #tpu.memory_space<vmem>>
              %dma_start3A_2093 = tpu.memref_squeeze %dma_start3A_2092 : memref<1x128xf32, #tpu.memory_space<vmem>> -> memref<128xf32, #tpu.memory_space<vmem>>
              %dma_start3A_2094 = arith.constant 0 : i32
              %dma_start3A_2095 = tpu.memref_slice %arg7[%sub3A_2084, %dma_start3A_2094] : memref<4x128xf32, #tpu.memory_space<vmem_shared>> -> memref<1x128xf32, #tpu.memory_space<vmem_shared>>
              %dma_start3A_2096 = tpu.memref_squeeze %dma_start3A_2095 : memref<1x128xf32, #tpu.memory_space<vmem_shared>> -> memref<128xf32, #tpu.memory_space<vmem_shared>>
              tpu.enqueue_dma source(%dma_start3A_2096 : memref<128xf32, #tpu.memory_space<vmem_shared>>) target(%dma_start3A_2093 : memref<128xf32, #tpu.memory_space<vmem>>) target_semaphore(%run_scoped3A : memref<!tpu.dma_semaphore, #tpu.memory_space<semaphore_mem>>)
              %dma_wait3A_2097 = arith.constant 0 : i32
              %dma_wait3A_2098 = tpu.memref_slice %arg9[%scan3A_2069, %dma_wait3A_2097] : memref<100x128xf32, #tpu.memory_space<vmem>> -> memref<1x128xf32, #tpu.memory_space<vmem>>
              %dma_wait3A_2099 = tpu.memref_squeeze %dma_wait3A_2098 : memref<1x128xf32, #tpu.memory_space<vmem>> -> memref<128xf32, #tpu.memory_space<vmem>>
              %dma_wait3A_2100 = arith.constant 0 : i32
              %dma_wait3A_2101 = tpu.memref_slice %arg7[%sub3A_2084, %dma_wait3A_2100] : memref<4x128xf32, #tpu.memory_space<vmem_shared>> -> memref<1x128xf32, #tpu.memory_space<vmem_shared>>
              %dma_wait3A_2102 = tpu.memref_squeeze %dma_wait3A_2101 : memref<1x128xf32, #tpu.memory_space<vmem_shared>> -> memref<128xf32, #tpu.memory_space<vmem_shared>>
              %dma_wait3A_2103 = arith.constant 0 : i32
              %dma_wait3A_2104 = tpu.memref_slice %arg9[%scan3A_2069, %dma_wait3A_2103] : memref<100x128xf32, #tpu.memory_space<vmem>> -> memref<1x128xf32, #tpu.memory_space<vmem>>
              %dma_wait3A_2105 = tpu.memref_squeeze %dma_wait3A_2104 : memref<1x128xf32, #tpu.memory_space<vmem>> -> memref<128xf32, #tpu.memory_space<vmem>>
              %dma_wait3A_2106 = arith.constant 0 : i32
              %dma_wait3A_2107 = tpu.memref_slice %arg7[%sub3A_2084, %dma_wait3A_2106] : memref<4x128xf32, #tpu.memory_space<vmem_shared>> -> memref<1x128xf32, #tpu.memory_space<vmem_shared>>
              %dma_wait3A_2108 = tpu.memref_squeeze %dma_wait3A_2107 : memref<1x128xf32, #tpu.memory_space<vmem_shared>> -> memref<128xf32, #tpu.memory_space<vmem_shared>>
              tpu.wait_dma2 semaphore(%run_scoped3A : memref<!tpu.dma_semaphore, #tpu.memory_space<semaphore_mem>>) src(%dma_wait3A_2108 : memref<128xf32, #tpu.memory_space<vmem_shared>>) dst(%dma_wait3A_2105 : memref<128xf32, #tpu.memory_space<vmem>>)
              tpu.yield
            }) : () -> ()
          } else {
          }
        }
        %scan3A_2068 = arith.constant 100 : i32
      } else {
      }
      %mul3A_1987 = arith.constant 2 : i32
      %mul3A_1988 = arith.muli %add3A_1809, %mul3A_1987 : i32
      %add3A_1989 = arith.addi %mul3A_2, %mul3A_1988 : i32
      %add3A_1990 = arith.constant 0 : i32
      %add3A_1991 = arith.addi %add3A_1989, %add3A_1990 : i32
      %dma_start3A_1992 = arith.constant 0 : i32
      %dma_start3A_1993 = arith.constant 0 : i32
      %dma_start3A_1994 = tpu.memref_slice %arg9[%dma_start3A_1992, %dma_start3A_1993] : memref<100x128xf32, #tpu.memory_space<vmem>> -> memref<50x128xf32, #tpu.memory_space<vmem>>
      %dma_start3A_1995 = arith.constant 0 : i32
      %dma_start3A_1996 = arith.constant 0 : i32
      %dma_start3A_1997 = tpu.memref_slice %arg5[%add3A_1991, %dma_start3A_1995, %dma_start3A_1996] : memref<4096x50x128xf32, #tpu.memory_space<hbm>> -> memref<1x50x128xf32, #tpu.memory_space<hbm>>
      %dma_start3A_1998 = tpu.memref_squeeze %dma_start3A_1997 : memref<1x50x128xf32, #tpu.memory_space<hbm>> -> memref<50x128xf32, #tpu.memory_space<hbm>>
      %dma_start3A_1999 = arith.constant 0 : i32
      %dma_start3A_2000 = arith.constant 0 : i32
      %dma_start3A_2001 = tpu.memref_slice %arg5[%add3A_1991, %dma_start3A_1999, %dma_start3A_2000] : memref<4096x50x128xf32, #tpu.memory_space<hbm>> -> memref<1x50x128xf32, #tpu.memory_space<hbm>>
      %dma_start3A_2002 = tpu.memref_squeeze %dma_start3A_2001 : memref<1x50x128xf32, #tpu.memory_space<hbm>> -> memref<50x128xf32, #tpu.memory_space<hbm>>
      %dma_start3A_2003 = arith.constant 0 : i32
      %dma_start3A_2004 = arith.constant 0 : i32
      %dma_start3A_2005 = tpu.memref_slice %arg9[%dma_start3A_2003, %dma_start3A_2004] : memref<100x128xf32, #tpu.memory_space<vmem>> -> memref<50x128xf32, #tpu.memory_space<vmem>>
      tpu.enqueue_dma source(%dma_start3A_2005 : memref<50x128xf32, #tpu.memory_space<vmem>>) target(%dma_start3A_2002 : memref<50x128xf32, #tpu.memory_space<hbm>>) target_semaphore(%arg17 : memref<!tpu.dma_semaphore, #tpu.memory_space<semaphore_mem>>)
      %mul3A_2006 = arith.constant 2 : i32
      %mul3A_2007 = arith.muli %add3A_1809, %mul3A_2006 : i32
      %add3A_2008 = arith.addi %mul3A_2, %mul3A_2007 : i32
      %add3A_2009 = arith.constant 1 : i32
      %add3A_2010 = arith.addi %add3A_2008, %add3A_2009 : i32
      %dma_start3A_2011 = arith.constant 50 : i32
      %dma_start3A_2012 = arith.constant 0 : i32
      %dma_start3A_2013 = tpu.memref_slice %arg9[%dma_start3A_2011, %dma_start3A_2012] : memref<100x128xf32, #tpu.memory_space<vmem>> -> memref<50x128xf32, #tpu.memory_space<vmem>>
      %dma_start3A_2014 = arith.constant 0 : i32
      %dma_start3A_2015 = arith.constant 0 : i32
      %dma_start3A_2016 = tpu.memref_slice %arg5[%add3A_2010, %dma_start3A_2014, %dma_start3A_2015] : memref<4096x50x128xf32, #tpu.memory_space<hbm>> -> memref<1x50x128xf32, #tpu.memory_space<hbm>>
      %dma_start3A_2017 = tpu.memref_squeeze %dma_start3A_2016 : memref<1x50x128xf32, #tpu.memory_space<hbm>> -> memref<50x128xf32, #tpu.memory_space<hbm>>
      %dma_start3A_2018 = arith.constant 0 : i32
      %dma_start3A_2019 = arith.constant 0 : i32
      %dma_start3A_2020 = tpu.memref_slice %arg5[%add3A_2010, %dma_start3A_2018, %dma_start3A_2019] : memref<4096x50x128xf32, #tpu.memory_space<hbm>> -> memref<1x50x128xf32, #tpu.memory_space<hbm>>
      %dma_start3A_2021 = tpu.memref_squeeze %dma_start3A_2020 : memref<1x50x128xf32, #tpu.memory_space<hbm>> -> memref<50x128xf32, #tpu.memory_space<hbm>>
      %dma_start3A_2022 = arith.constant 50 : i32
      %dma_start3A_2023 = arith.constant 0 : i32
      %dma_start3A_2024 = tpu.memref_slice %arg9[%dma_start3A_2022, %dma_start3A_2023] : memref<100x128xf32, #tpu.memory_space<vmem>> -> memref<50x128xf32, #tpu.memory_space<vmem>>
      tpu.enqueue_dma source(%dma_start3A_2024 : memref<50x128xf32, #tpu.memory_space<vmem>>) target(%dma_start3A_2021 : memref<50x128xf32, #tpu.memory_space<hbm>>) target_semaphore(%arg17 : memref<!tpu.dma_semaphore, #tpu.memory_space<semaphore_mem>>)
      %dma_wait3A_2025 = arith.constant 0 : i32
      %dma_wait3A_2026 = arith.constant 0 : i32
      %dma_wait3A_2027 = arith.constant 0 : i32
      %dma_wait3A_2028 = tpu.memref_slice %arg11[%dma_wait3A_2026, %dma_wait3A_2027] : memref<100x128xf32, #tpu.memory_space<vmem>> -> memref<50x128xf32, #tpu.memory_space<vmem>>
      %dma_wait3A_2029 = arith.constant 0 : i32
      %dma_wait3A_2030 = arith.constant 0 : i32
      %dma_wait3A_2031 = tpu.memref_slice %arg5[%dma_wait3A_2025, %dma_wait3A_2029, %dma_wait3A_2030] : memref<4096x50x128xf32, #tpu.memory_space<hbm>> -> memref<1x50x128xf32, #tpu.memory_space<hbm>>
      %dma_wait3A_2032 = tpu.memref_squeeze %dma_wait3A_2031 : memref<1x50x128xf32, #tpu.memory_space<hbm>> -> memref<50x128xf32, #tpu.memory_space<hbm>>
      %dma_wait3A_2033 = arith.constant 0 : i32
      %dma_wait3A_2034 = arith.constant 0 : i32
      %dma_wait3A_2035 = tpu.memref_slice %arg5[%dma_wait3A_2025, %dma_wait3A_2033, %dma_wait3A_2034] : memref<4096x50x128xf32, #tpu.memory_space<hbm>> -> memref<1x50x128xf32, #tpu.memory_space<hbm>>
      %dma_wait3A_2036 = tpu.memref_squeeze %dma_wait3A_2035 : memref<1x50x128xf32, #tpu.memory_space<hbm>> -> memref<50x128xf32, #tpu.memory_space<hbm>>
      %dma_wait3A_2037 = arith.constant 0 : i32
      %dma_wait3A_2038 = arith.constant 0 : i32
      %dma_wait3A_2039 = tpu.memref_slice %arg11[%dma_wait3A_2037, %dma_wait3A_2038] : memref<100x128xf32, #tpu.memory_space<vmem>> -> memref<50x128xf32, #tpu.memory_space<vmem>>
      tpu.wait_dma2 semaphore(%arg19 : memref<!tpu.dma_semaphore, #tpu.memory_space<semaphore_mem>>) src(%dma_wait3A_2039 : memref<50x128xf32, #tpu.memory_space<vmem>>) dst(%dma_wait3A_2036 : memref<50x128xf32, #tpu.memory_space<hbm>>)
      %dma_wait3A_2040 = arith.constant 0 : i32
      %dma_wait3A_2041 = arith.constant 0 : i32
      %dma_wait3A_2042 = arith.constant 0 : i32
      %dma_wait3A_2043 = tpu.memref_slice %arg11[%dma_wait3A_2041, %dma_wait3A_2042] : memref<100x128xf32, #tpu.memory_space<vmem>> -> memref<50x128xf32, #tpu.memory_space<vmem>>
      %dma_wait3A_2044 = arith.constant 0 : i32
      %dma_wait3A_2045 = arith.constant 0 : i32
      %dma_wait3A_2046 = tpu.memref_slice %arg5[%dma_wait3A_2040, %dma_wait3A_2044, %dma_wait3A_2045] : memref<4096x50x128xf32, #tpu.memory_space<hbm>> -> memref<1x50x128xf32, #tpu.memory_space<hbm>>
      %dma_wait3A_2047 = tpu.memref_squeeze %dma_wait3A_2046 : memref<1x50x128xf32, #tpu.memory_space<hbm>> -> memref<50x128xf32, #tpu.memory_space<hbm>>
      %dma_wait3A_2048 = arith.constant 0 : i32
      %dma_wait3A_2049 = arith.constant 0 : i32
      %dma_wait3A_2050 = tpu.memref_slice %arg5[%dma_wait3A_2040, %dma_wait3A_2048, %dma_wait3A_2049] : memref<4096x50x128xf32, #tpu.memory_space<hbm>> -> memref<1x50x128xf32, #tpu.memory_space<hbm>>
      %dma_wait3A_2051 = tpu.memref_squeeze %dma_wait3A_2050 : memref<1x50x128xf32, #tpu.memory_space<hbm>> -> memref<50x128xf32, #tpu.memory_space<hbm>>
      %dma_wait3A_2052 = arith.constant 0 : i32
      %dma_wait3A_2053 = arith.constant 0 : i32
      %dma_wait3A_2054 = tpu.memref_slice %arg11[%dma_wait3A_2052, %dma_wait3A_2053] : memref<100x128xf32, #tpu.memory_space<vmem>> -> memref<50x128xf32, #tpu.memory_space<vmem>>
      tpu.wait_dma2 semaphore(%arg19 : memref<!tpu.dma_semaphore, #tpu.memory_space<semaphore_mem>>) src(%dma_wait3A_2054 : memref<50x128xf32, #tpu.memory_space<vmem>>) dst(%dma_wait3A_2051 : memref<50x128xf32, #tpu.memory_space<hbm>>)
      %add3A_2055 = arith.constant 2 : i32
      %add3A_2056 = arith.addi %add3A_1809, %add3A_2055 : i32
      %dma_start3A_2057 = arith.constant 0 : i32
      %dma_start3A_2058 = tpu.memref_slice %arg6[%add3A_2056, %dma_start3A_2057] : memref<65x100xi32, #tpu.memory_space<vmem>> -> memref<1x100xi32, #tpu.memory_space<vmem>>
      %dma_start3A_2059 = tpu.memref_squeeze %dma_start3A_2058 : memref<1x100xi32, #tpu.memory_space<vmem>> -> memref<100xi32, #tpu.memory_space<vmem>>
      %dma_start3A_2060 = arith.constant 0 : i32
      %dma_start3A_2061 = arith.constant 0 : i32
      %dma_start3A_2062 = tpu.memref_slice %arg3[%dma_start3A_2060, %dma_start3A_2061] : memref<100000x128xf32, #tpu.memory_space<hbm>> -> memref<100000x128xf32, #tpu.memory_space<hbm>>
      tpu.enqueue_indirect_dma source(%dma_start3A_2062 : memref<100000x128xf32, #tpu.memory_space<hbm>>) target(%arg11 : memref<100x128xf32, #tpu.memory_space<vmem>>) offsets(%dma_start3A_2059 : memref<100xi32, #tpu.memory_space<vmem>>) semaphore(%arg15 : memref<!tpu.dma_semaphore, #tpu.memory_space<semaphore_mem>>)
    }
    %scan3A_465 = arith.constant 15 : i32
    %dma_wait3A_466 = arith.constant 0 : i32
    %dma_wait3A_467 = arith.constant 0 : i32
    %dma_wait3A_468 = tpu.memref_slice %arg6[%dma_wait3A_466, %dma_wait3A_467] : memref<65x100xi32, #tpu.memory_space<vmem>> -> memref<1x100xi32, #tpu.memory_space<vmem>>
    %dma_wait3A_469 = tpu.memref_squeeze %dma_wait3A_468 : memref<1x100xi32, #tpu.memory_space<vmem>> -> memref<100xi32, #tpu.memory_space<vmem>>
    %dma_wait3A_470 = arith.constant 0 : i32
    %dma_wait3A_471 = arith.constant 0 : i32
    %dma_wait3A_472 = tpu.memref_slice %arg3[%dma_wait3A_470, %dma_wait3A_471] : memref<100000x128xf32, #tpu.memory_space<hbm>> -> memref<100000x128xf32, #tpu.memory_space<hbm>>
    tpu.wait_indirect_dma semaphore(%arg14 : memref<!tpu.dma_semaphore, #tpu.memory_space<semaphore_mem>>) src(%dma_wait3A_472 : memref<100000x128xf32, #tpu.memory_space<hbm>>) dst(%arg10 : memref<100x128xf32, #tpu.memory_space<vmem>>)
    %get3A_473 = arith.constant 62 : i32
    %get3A_474 = arith.index_cast %get3A_473 : i32 to index
    %get3A_475 = arith.constant 0 : index
    %get3A_476 = tpu.vector_load %arg6[%get3A_474, %get3A_475] {strides = array<i32>} : memref<65x100xi32, #tpu.memory_space<vmem>>, vector<1x16xi32>,
    %get3A_477 = vector.shape_cast %get3A_476 : vector<1x16xi32> to vector<16xi32>
    %ge3A_478 = arith.constant 0 : i32
    %ge3A_479 = vector.broadcast %ge3A_478 : i32 to vector<16xi32>
    %ge3A_480 = arith.cmpi sge, %get3A_477, %ge3A_479 : vector<16xi32>
    %lt3A_481 = arith.constant 4 : i32
    %lt3A_482 = vector.broadcast %lt3A_481 : i32 to vector<16xi32>
    %lt3A_483 = arith.cmpi slt, %get3A_477, %lt3A_482 : vector<16xi32>
    %and3A_484 = arith.andi %ge3A_480, %lt3A_483 : vector<16xi1>
    %jit3A_485 = arith.constant 1 : i32
    %jit3A_486 = arith.constant 0 : i32
    %broadcast_in_dim3A_487 = vector.broadcast %jit3A_485 : i32 to vector<16xi32>
    %broadcast_in_dim3A_488 = vector.broadcast %jit3A_486 : i32 to vector<16xi32>
    %select_n3A_489 = arith.select %and3A_484, %broadcast_in_dim3A_487, %broadcast_in_dim3A_488 : vector<16xi1>, vector<16xi32>
    %get3A_490 = arith.constant 62 : i32
    %get3A_491 = arith.index_cast %get3A_490 : i32 to index
    %get3A_492 = arith.constant 16 : index
    %get3A_493 = tpu.vector_load %arg6[%get3A_491, %get3A_492] {strides = array<i32>} : memref<65x100xi32, #tpu.memory_space<vmem>>, vector<1x16xi32>,
    %get3A_494 = vector.shape_cast %get3A_493 : vector<1x16xi32> to vector<16xi32>
    %ge3A_495 = arith.constant 0 : i32
    %ge3A_496 = vector.broadcast %ge3A_495 : i32 to vector<16xi32>
    %ge3A_497 = arith.cmpi sge, %get3A_494, %ge3A_496 : vector<16xi32>
    %lt3A_498 = arith.constant 4 : i32
    %lt3A_499 = vector.broadcast %lt3A_498 : i32 to vector<16xi32>
    %lt3A_500 = arith.cmpi slt, %get3A_494, %lt3A_499 : vector<16xi32>
    %and3A_501 = arith.andi %ge3A_497, %lt3A_500 : vector<16xi1>
    %jit3A_502 = arith.constant 1 : i32
    %jit3A_503 = arith.constant 0 : i32
    %broadcast_in_dim3A_504 = vector.broadcast %jit3A_502 : i32 to vector<16xi32>
    %broadcast_in_dim3A_505 = vector.broadcast %jit3A_503 : i32 to vector<16xi32>
    %select_n3A_506 = arith.select %and3A_501, %broadcast_in_dim3A_504, %broadcast_in_dim3A_505 : vector<16xi1>, vector<16xi32>
    %add3A_507 = arith.addi %select_n3A_489, %select_n3A_506 : vector<16xi32>
    %get3A_508 = arith.constant 62 : i32
    %get3A_509 = arith.index_cast %get3A_508 : i32 to index
    %get3A_510 = arith.constant 32 : index
    %get3A_511 = tpu.vector_load %arg6[%get3A_509, %get3A_510] {strides = array<i32>} : memref<65x100xi32, #tpu.memory_space<vmem>>, vector<1x16xi32>,
    %get3A_512 = vector.shape_cast %get3A_511 : vector<1x16xi32> to vector<16xi32>
    %ge3A_513 = arith.constant 0 : i32
    %ge3A_514 = vector.broadcast %ge3A_513 : i32 to vector<16xi32>
    %ge3A_515 = arith.cmpi sge, %get3A_512, %ge3A_514 : vector<16xi32>
    %lt3A_516 = arith.constant 4 : i32
    %lt3A_517 = vector.broadcast %lt3A_516 : i32 to vector<16xi32>
    %lt3A_518 = arith.cmpi slt, %get3A_512, %lt3A_517 : vector<16xi32>
    %and3A_519 = arith.andi %ge3A_515, %lt3A_518 : vector<16xi1>
    %jit3A_520 = arith.constant 1 : i32
    %jit3A_521 = arith.constant 0 : i32
    %broadcast_in_dim3A_522 = vector.broadcast %jit3A_520 : i32 to vector<16xi32>
    %broadcast_in_dim3A_523 = vector.broadcast %jit3A_521 : i32 to vector<16xi32>
    %select_n3A_524 = arith.select %and3A_519, %broadcast_in_dim3A_522, %broadcast_in_dim3A_523 : vector<16xi1>, vector<16xi32>
    %add3A_525 = arith.addi %add3A_507, %select_n3A_524 : vector<16xi32>
    %get3A_526 = arith.constant 62 : i32
    %get3A_527 = arith.index_cast %get3A_526 : i32 to index
    %get3A_528 = arith.constant 48 : index
    %get3A_529 = tpu.vector_load %arg6[%get3A_527, %get3A_528] {strides = array<i32>} : memref<65x100xi32, #tpu.memory_space<vmem>>, vector<1x16xi32>,
    %get3A_530 = vector.shape_cast %get3A_529 : vector<1x16xi32> to vector<16xi32>
    %ge3A_531 = arith.constant 0 : i32
    %ge3A_532 = vector.broadcast %ge3A_531 : i32 to vector<16xi32>
    %ge3A_533 = arith.cmpi sge, %get3A_530, %ge3A_532 : vector<16xi32>
    %lt3A_534 = arith.constant 4 : i32
    %lt3A_535 = vector.broadcast %lt3A_534 : i32 to vector<16xi32>
    %lt3A_536 = arith.cmpi slt, %get3A_530, %lt3A_535 : vector<16xi32>
    %and3A_537 = arith.andi %ge3A_533, %lt3A_536 : vector<16xi1>
    %jit3A_538 = arith.constant 1 : i32
    %jit3A_539 = arith.constant 0 : i32
    %broadcast_in_dim3A_540 = vector.broadcast %jit3A_538 : i32 to vector<16xi32>
    %broadcast_in_dim3A_541 = vector.broadcast %jit3A_539 : i32 to vector<16xi32>
    %select_n3A_542 = arith.select %and3A_537, %broadcast_in_dim3A_540, %broadcast_in_dim3A_541 : vector<16xi1>, vector<16xi32>
    %add3A_543 = arith.addi %add3A_525, %select_n3A_542 : vector<16xi32>
    %get3A_544 = arith.constant 62 : i32
    %get3A_545 = arith.index_cast %get3A_544 : i32 to index
    %get3A_546 = arith.constant 64 : index
    %get3A_547 = tpu.vector_load %arg6[%get3A_545, %get3A_546] {strides = array<i32>} : memref<65x100xi32, #tpu.memory_space<vmem>>, vector<1x16xi32>,
    %get3A_548 = vector.shape_cast %get3A_547 : vector<1x16xi32> to vector<16xi32>
    %ge3A_549 = arith.constant 0 : i32
    %ge3A_550 = vector.broadcast %ge3A_549 : i32 to vector<16xi32>
    %ge3A_551 = arith.cmpi sge, %get3A_548, %ge3A_550 : vector<16xi32>
    %lt3A_552 = arith.constant 4 : i32
    %lt3A_553 = vector.broadcast %lt3A_552 : i32 to vector<16xi32>
    %lt3A_554 = arith.cmpi slt, %get3A_548, %lt3A_553 : vector<16xi32>
    %and3A_555 = arith.andi %ge3A_551, %lt3A_554 : vector<16xi1>
    %jit3A_556 = arith.constant 1 : i32
    %jit3A_557 = arith.constant 0 : i32
    %broadcast_in_dim3A_558 = vector.broadcast %jit3A_556 : i32 to vector<16xi32>
    %broadcast_in_dim3A_559 = vector.broadcast %jit3A_557 : i32 to vector<16xi32>
    %select_n3A_560 = arith.select %and3A_555, %broadcast_in_dim3A_558, %broadcast_in_dim3A_559 : vector<16xi1>, vector<16xi32>
    %add3A_561 = arith.addi %add3A_543, %select_n3A_560 : vector<16xi32>
    %get3A_562 = arith.constant 62 : i32
    %get3A_563 = arith.index_cast %get3A_562 : i32 to index
    %get3A_564 = arith.constant 80 : index
    %get3A_565 = tpu.vector_load %arg6[%get3A_563, %get3A_564] {strides = array<i32>} : memref<65x100xi32, #tpu.memory_space<vmem>>, vector<1x16xi32>,
    %get3A_566 = vector.shape_cast %get3A_565 : vector<1x16xi32> to vector<16xi32>
    %ge3A_567 = arith.constant 0 : i32
    %ge3A_568 = vector.broadcast %ge3A_567 : i32 to vector<16xi32>
    %ge3A_569 = arith.cmpi sge, %get3A_566, %ge3A_568 : vector<16xi32>
    %lt3A_570 = arith.constant 4 : i32
    %lt3A_571 = vector.broadcast %lt3A_570 : i32 to vector<16xi32>
    %lt3A_572 = arith.cmpi slt, %get3A_566, %lt3A_571 : vector<16xi32>
    %and3A_573 = arith.andi %ge3A_569, %lt3A_572 : vector<16xi1>
    %jit3A_574 = arith.constant 1 : i32
    %jit3A_575 = arith.constant 0 : i32
    %broadcast_in_dim3A_576 = vector.broadcast %jit3A_574 : i32 to vector<16xi32>
    %broadcast_in_dim3A_577 = vector.broadcast %jit3A_575 : i32 to vector<16xi32>
    %select_n3A_578 = arith.select %and3A_573, %broadcast_in_dim3A_576, %broadcast_in_dim3A_577 : vector<16xi1>, vector<16xi32>
    %add3A_579 = arith.addi %add3A_561, %select_n3A_578 : vector<16xi32>
    %get3A_580 = arith.constant 62 : i32
    %get3A_581 = arith.index_cast %get3A_580 : i32 to index
    %get3A_582 = arith.constant 84 : index
    %get3A_583 = tpu.vector_load %arg6[%get3A_581, %get3A_582] {strides = array<i32>} : memref<65x100xi32, #tpu.memory_space<vmem>>, vector<1x16xi32>,
    %get3A_584 = vector.shape_cast %get3A_583 : vector<1x16xi32> to vector<16xi32>
    %ge3A_585 = arith.constant 0 : i32
    %ge3A_586 = vector.broadcast %ge3A_585 : i32 to vector<16xi32>
    %ge3A_587 = arith.cmpi sge, %get3A_584, %ge3A_586 : vector<16xi32>
    %lt3A_588 = arith.constant 4 : i32
    %lt3A_589 = vector.broadcast %lt3A_588 : i32 to vector<16xi32>
    %lt3A_590 = arith.cmpi slt, %get3A_584, %lt3A_589 : vector<16xi32>
    %and3A_591 = arith.andi %ge3A_587, %lt3A_590 : vector<16xi1>
    %jit3A_592 = arith.constant 1 : i32
    %jit3A_593 = arith.constant 0 : i32
    %broadcast_in_dim3A_594 = vector.broadcast %jit3A_592 : i32 to vector<16xi32>
    %broadcast_in_dim3A_595 = vector.broadcast %jit3A_593 : i32 to vector<16xi32>
    %select_n3A_596 = arith.select %and3A_591, %broadcast_in_dim3A_594, %broadcast_in_dim3A_595 : vector<16xi1>, vector<16xi32>
    %add3A_597 = arith.addi %add3A_579, %select_n3A_596 : vector<16xi32>
    %slice3A_598 = vector.extract_strided_slice %add3A_597 {offsets = [0], sizes = [1], strides = [1]} : vector<16xi32> to vector<1xi32>
    %squeeze3A_599 = vector.extract %slice3A_598[0] : i32 from vector<1xi32>
    %slice3A_600 = vector.extract_strided_slice %add3A_597 {offsets = [1], sizes = [1], strides = [1]} : vector<16xi32> to vector<1xi32>
    %squeeze3A_601 = vector.extract %slice3A_600[0] : i32 from vector<1xi32>
    %add3A_602 = arith.addi %squeeze3A_599, %squeeze3A_601 : i32
    %slice3A_603 = vector.extract_strided_slice %add3A_597 {offsets = [2], sizes = [1], strides = [1]} : vector<16xi32> to vector<1xi32>
    %squeeze3A_604 = vector.extract %slice3A_603[0] : i32 from vector<1xi32>
    %add3A_605 = arith.addi %add3A_602, %squeeze3A_604 : i32
    %slice3A_606 = vector.extract_strided_slice %add3A_597 {offsets = [3], sizes = [1], strides = [1]} : vector<16xi32> to vector<1xi32>
    %squeeze3A_607 = vector.extract %slice3A_606[0] : i32 from vector<1xi32>
    %add3A_608 = arith.addi %add3A_605, %squeeze3A_607 : i32
    %slice3A_609 = vector.extract_strided_slice %add3A_597 {offsets = [4], sizes = [1], strides = [1]} : vector<16xi32> to vector<1xi32>
    %squeeze3A_610 = vector.extract %slice3A_609[0] : i32 from vector<1xi32>
    %add3A_611 = arith.addi %add3A_608, %squeeze3A_610 : i32
    %slice3A_612 = vector.extract_strided_slice %add3A_597 {offsets = [5], sizes = [1], strides = [1]} : vector<16xi32> to vector<1xi32>
    %squeeze3A_613 = vector.extract %slice3A_612[0] : i32 from vector<1xi32>
    %add3A_614 = arith.addi %add3A_611, %squeeze3A_613 : i32
    %slice3A_615 = vector.extract_strided_slice %add3A_597 {offsets = [6], sizes = [1], strides = [1]} : vector<16xi32> to vector<1xi32>
    %squeeze3A_616 = vector.extract %slice3A_615[0] : i32 from vector<1xi32>
    %add3A_617 = arith.addi %add3A_614, %squeeze3A_616 : i32
    %slice3A_618 = vector.extract_strided_slice %add3A_597 {offsets = [7], sizes = [1], strides = [1]} : vector<16xi32> to vector<1xi32>
    %squeeze3A_619 = vector.extract %slice3A_618[0] : i32 from vector<1xi32>
    %add3A_620 = arith.addi %add3A_617, %squeeze3A_619 : i32
    %slice3A_621 = vector.extract_strided_slice %add3A_597 {offsets = [8], sizes = [1], strides = [1]} : vector<16xi32> to vector<1xi32>
    %squeeze3A_622 = vector.extract %slice3A_621[0] : i32 from vector<1xi32>
    %add3A_623 = arith.addi %add3A_620, %squeeze3A_622 : i32
    %slice3A_624 = vector.extract_strided_slice %add3A_597 {offsets = [9], sizes = [1], strides = [1]} : vector<16xi32> to vector<1xi32>
    %squeeze3A_625 = vector.extract %slice3A_624[0] : i32 from vector<1xi32>
    %add3A_626 = arith.addi %add3A_623, %squeeze3A_625 : i32
    %slice3A_627 = vector.extract_strided_slice %add3A_597 {offsets = [10], sizes = [1], strides = [1]} : vector<16xi32> to vector<1xi32>
    %squeeze3A_628 = vector.extract %slice3A_627[0] : i32 from vector<1xi32>
    %add3A_629 = arith.addi %add3A_626, %squeeze3A_628 : i32
    %slice3A_630 = vector.extract_strided_slice %add3A_597 {offsets = [11], sizes = [1], strides = [1]} : vector<16xi32> to vector<1xi32>
    %squeeze3A_631 = vector.extract %slice3A_630[0] : i32 from vector<1xi32>
    %add3A_632 = arith.addi %add3A_629, %squeeze3A_631 : i32
    %slice3A_633 = vector.extract_strided_slice %add3A_597 {offsets = [12], sizes = [1], strides = [1]} : vector<16xi32> to vector<1xi32>
    %squeeze3A_634 = vector.extract %slice3A_633[0] : i32 from vector<1xi32>
    %add3A_635 = arith.addi %add3A_632, %squeeze3A_634 : i32
    %slice3A_636 = vector.extract_strided_slice %add3A_597 {offsets = [13], sizes = [1], strides = [1]} : vector<16xi32> to vector<1xi32>
    %squeeze3A_637 = vector.extract %slice3A_636[0] : i32 from vector<1xi32>
    %add3A_638 = arith.addi %add3A_635, %squeeze3A_637 : i32
    %slice3A_639 = vector.extract_strided_slice %add3A_597 {offsets = [14], sizes = [1], strides = [1]} : vector<16xi32> to vector<1xi32>
    %squeeze3A_640 = vector.extract %slice3A_639[0] : i32 from vector<1xi32>
    %add3A_641 = arith.addi %add3A_638, %squeeze3A_640 : i32
    %slice3A_642 = vector.extract_strided_slice %add3A_597 {offsets = [15], sizes = [1], strides = [1]} : vector<16xi32> to vector<1xi32>
    %squeeze3A_643 = vector.extract %slice3A_642[0] : i32 from vector<1xi32>
    %add3A_644 = arith.addi %add3A_641, %squeeze3A_643 : i32
    %gt3A_645 = arith.constant 0 : i32
    %gt3A_646 = arith.cmpi sgt, %add3A_644, %gt3A_645 : i32
    %convert_element_type3A_647 = arith.extui %gt3A_646 : i1 to i32
    %cond3A_648 = arith.constant 0 : i32
    %cond3A_649 = arith.cmpi ne, %convert_element_type3A_647, %cond3A_648 : i32
    scf.if %cond3A_649 {
      %scan3A_1026 = arith.constant 0 : i32
      %scan3A_1027 = arith.constant 0 : i32
      %scan3A_1028 = arith.constant 100 : i32
      %scan3A_1029 = arith.addi %scan3A_1027, %scan3A_1028 : i32
      %scan3A_1030 = arith.constant 1 : i32
      scf.for %scan3A_1032 = %scan3A_1027 to %scan3A_1029 step %scan3A_1030  : i32 {
        %get3A_1033 = arith.constant 62 : i32
        %get3A_1034 = arith.index_cast %get3A_1033 : i32 to index
        %get3A_1035 = arith.index_cast %scan3A_1032 : i32 to index
        %get3A_1036 = tpu.vector_load %arg6[%get3A_1034, %get3A_1035] {strides = array<i32>} : memref<65x100xi32, #tpu.memory_space<vmem>>, vector<1x16xi32>,
        %get3A_1037 = vector.shape_cast %get3A_1036 : vector<1x16xi32> to vector<16xi32>
        %slice3A_1038 = vector.extract_strided_slice %get3A_1037 {offsets = [0], sizes = [1], strides = [1]} : vector<16xi32> to vector<1xi32>
        %squeeze3A_1039 = vector.extract %slice3A_1038[0] : i32 from vector<1xi32>
        %ge3A_1040 = arith.constant 0 : i32
        %ge3A_1041 = arith.cmpi sge, %squeeze3A_1039, %ge3A_1040 : i32
        %lt3A_1042 = arith.constant 4 : i32
        %lt3A_1043 = arith.cmpi slt, %squeeze3A_1039, %lt3A_1042 : i32
        %and3A_1044 = arith.andi %ge3A_1041, %lt3A_1043 : i1
        %convert_element_type3A_1045 = arith.extui %and3A_1044 : i1 to i32
        %cond3A_1046 = arith.constant 0 : i32
        %cond3A_1047 = arith.cmpi ne, %convert_element_type3A_1045, %cond3A_1046 : i32
        scf.if %cond3A_1047 {
          %sub3A = arith.constant 0 : i32
          %sub3A_1048 = arith.subi %squeeze3A_1039, %sub3A : i32
          "tpu.region"() ({
            %run_scoped3A = tpu.sem_alloc : memref<!tpu.dma_semaphore, #tpu.memory_space<semaphore_mem>>
            %dma_start3A_1049 = arith.constant 0 : i32
            %dma_start3A_1050 = tpu.memref_slice %arg10[%scan3A_1032, %dma_start3A_1049] : memref<100x128xf32, #tpu.memory_space<vmem>> -> memref<1x128xf32, #tpu.memory_space<vmem>>
            %dma_start3A_1051 = tpu.memref_squeeze %dma_start3A_1050 : memref<1x128xf32, #tpu.memory_space<vmem>> -> memref<128xf32, #tpu.memory_space<vmem>>
            %dma_start3A_1052 = arith.constant 0 : i32
            %dma_start3A_1053 = tpu.memref_slice %arg7[%sub3A_1048, %dma_start3A_1052] : memref<4x128xf32, #tpu.memory_space<vmem_shared>> -> memref<1x128xf32, #tpu.memory_space<vmem_shared>>
            %dma_start3A_1054 = tpu.memref_squeeze %dma_start3A_1053 : memref<1x128xf32, #tpu.memory_space<vmem_shared>> -> memref<128xf32, #tpu.memory_space<vmem_shared>>
            %dma_start3A_1055 = arith.constant 0 : i32
            %dma_start3A_1056 = tpu.memref_slice %arg10[%scan3A_1032, %dma_start3A_1055] : memref<100x128xf32, #tpu.memory_space<vmem>> -> memref<1x128xf32, #tpu.memory_space<vmem>>
            %dma_start3A_1057 = tpu.memref_squeeze %dma_start3A_1056 : memref<1x128xf32, #tpu.memory_space<vmem>> -> memref<128xf32, #tpu.memory_space<vmem>>
            %dma_start3A_1058 = arith.constant 0 : i32
            %dma_start3A_1059 = tpu.memref_slice %arg7[%sub3A_1048, %dma_start3A_1058] : memref<4x128xf32, #tpu.memory_space<vmem_shared>> -> memref<1x128xf32, #tpu.memory_space<vmem_shared>>
            %dma_start3A_1060 = tpu.memref_squeeze %dma_start3A_1059 : memref<1x128xf32, #tpu.memory_space<vmem_shared>> -> memref<128xf32, #tpu.memory_space<vmem_shared>>
            tpu.enqueue_dma source(%dma_start3A_1060 : memref<128xf32, #tpu.memory_space<vmem_shared>>) target(%dma_start3A_1057 : memref<128xf32, #tpu.memory_space<vmem>>) target_semaphore(%run_scoped3A : memref<!tpu.dma_semaphore, #tpu.memory_space<semaphore_mem>>)
            %dma_wait3A_1061 = arith.constant 0 : i32
            %dma_wait3A_1062 = tpu.memref_slice %arg10[%scan3A_1032, %dma_wait3A_1061] : memref<100x128xf32, #tpu.memory_space<vmem>> -> memref<1x128xf32, #tpu.memory_space<vmem>>
            %dma_wait3A_1063 = tpu.memref_squeeze %dma_wait3A_1062 : memref<1x128xf32, #tpu.memory_space<vmem>> -> memref<128xf32, #tpu.memory_space<vmem>>
            %dma_wait3A_1064 = arith.constant 0 : i32
            %dma_wait3A_1065 = tpu.memref_slice %arg7[%sub3A_1048, %dma_wait3A_1064] : memref<4x128xf32, #tpu.memory_space<vmem_shared>> -> memref<1x128xf32, #tpu.memory_space<vmem_shared>>
            %dma_wait3A_1066 = tpu.memref_squeeze %dma_wait3A_1065 : memref<1x128xf32, #tpu.memory_space<vmem_shared>> -> memref<128xf32, #tpu.memory_space<vmem_shared>>
            %dma_wait3A_1067 = arith.constant 0 : i32
            %dma_wait3A_1068 = tpu.memref_slice %arg10[%scan3A_1032, %dma_wait3A_1067] : memref<100x128xf32, #tpu.memory_space<vmem>> -> memref<1x128xf32, #tpu.memory_space<vmem>>
            %dma_wait3A_1069 = tpu.memref_squeeze %dma_wait3A_1068 : memref<1x128xf32, #tpu.memory_space<vmem>> -> memref<128xf32, #tpu.memory_space<vmem>>
            %dma_wait3A_1070 = arith.constant 0 : i32
            %dma_wait3A_1071 = tpu.memref_slice %arg7[%sub3A_1048, %dma_wait3A_1070] : memref<4x128xf32, #tpu.memory_space<vmem_shared>> -> memref<1x128xf32, #tpu.memory_space<vmem_shared>>
            %dma_wait3A_1072 = tpu.memref_squeeze %dma_wait3A_1071 : memref<1x128xf32, #tpu.memory_space<vmem_shared>> -> memref<128xf32, #tpu.memory_space<vmem_shared>>
            tpu.wait_dma2 semaphore(%run_scoped3A : memref<!tpu.dma_semaphore, #tpu.memory_space<semaphore_mem>>) src(%dma_wait3A_1072 : memref<128xf32, #tpu.memory_space<vmem_shared>>) dst(%dma_wait3A_1069 : memref<128xf32, #tpu.memory_space<vmem>>)
            tpu.yield
          }) : () -> ()
        } else {
        }
      }
      %scan3A_1031 = arith.constant 100 : i32
    } else {
    }
    %add3A_650 = arith.constant 124 : i32
    %add3A_651 = arith.addi %mul3A_2, %add3A_650 : i32
    %add3A_652 = arith.constant 0 : i32
    %add3A_653 = arith.addi %add3A_651, %add3A_652 : i32
    %dma_start3A_654 = arith.constant 0 : i32
    %dma_start3A_655 = arith.constant 0 : i32
    %dma_start3A_656 = tpu.memref_slice %arg10[%dma_start3A_654, %dma_start3A_655] : memref<100x128xf32, #tpu.memory_space<vmem>> -> memref<50x128xf32, #tpu.memory_space<vmem>>
    %dma_start3A_657 = arith.constant 0 : i32
    %dma_start3A_658 = arith.constant 0 : i32
    %dma_start3A_659 = tpu.memref_slice %arg5[%add3A_653, %dma_start3A_657, %dma_start3A_658] : memref<4096x50x128xf32, #tpu.memory_space<hbm>> -> memref<1x50x128xf32, #tpu.memory_space<hbm>>
    %dma_start3A_660 = tpu.memref_squeeze %dma_start3A_659 : memref<1x50x128xf32, #tpu.memory_space<hbm>> -> memref<50x128xf32, #tpu.memory_space<hbm>>
    %dma_start3A_661 = arith.constant 0 : i32
    %dma_start3A_662 = arith.constant 0 : i32
    %dma_start3A_663 = tpu.memref_slice %arg5[%add3A_653, %dma_start3A_661, %dma_start3A_662] : memref<4096x50x128xf32, #tpu.memory_space<hbm>> -> memref<1x50x128xf32, #tpu.memory_space<hbm>>
    %dma_start3A_664 = tpu.memref_squeeze %dma_start3A_663 : memref<1x50x128xf32, #tpu.memory_space<hbm>> -> memref<50x128xf32, #tpu.memory_space<hbm>>
    %dma_start3A_665 = arith.constant 0 : i32
    %dma_start3A_666 = arith.constant 0 : i32
    %dma_start3A_667 = tpu.memref_slice %arg10[%dma_start3A_665, %dma_start3A_666] : memref<100x128xf32, #tpu.memory_space<vmem>> -> memref<50x128xf32, #tpu.memory_space<vmem>>
    tpu.enqueue_dma source(%dma_start3A_667 : memref<50x128xf32, #tpu.memory_space<vmem>>) target(%dma_start3A_664 : memref<50x128xf32, #tpu.memory_space<hbm>>) target_semaphore(%arg18 : memref<!tpu.dma_semaphore, #tpu.memory_space<semaphore_mem>>)
    %add3A_668 = arith.constant 124 : i32
    %add3A_669 = arith.addi %mul3A_2, %add3A_668 : i32
    %add3A_670 = arith.constant 1 : i32
    %add3A_671 = arith.addi %add3A_669, %add3A_670 : i32
    %dma_start3A_672 = arith.constant 50 : i32
    %dma_start3A_673 = arith.constant 0 : i32
    %dma_start3A_674 = tpu.memref_slice %arg10[%dma_start3A_672, %dma_start3A_673] : memref<100x128xf32, #tpu.memory_space<vmem>> -> memref<50x128xf32, #tpu.memory_space<vmem>>
    %dma_start3A_675 = arith.constant 0 : i32
    %dma_start3A_676 = arith.constant 0 : i32
    %dma_start3A_677 = tpu.memref_slice %arg5[%add3A_671, %dma_start3A_675, %dma_start3A_676] : memref<4096x50x128xf32, #tpu.memory_space<hbm>> -> memref<1x50x128xf32, #tpu.memory_space<hbm>>
    %dma_start3A_678 = tpu.memref_squeeze %dma_start3A_677 : memref<1x50x128xf32, #tpu.memory_space<hbm>> -> memref<50x128xf32, #tpu.memory_space<hbm>>
    %dma_start3A_679 = arith.constant 0 : i32
    %dma_start3A_680 = arith.constant 0 : i32
    %dma_start3A_681 = tpu.memref_slice %arg5[%add3A_671, %dma_start3A_679, %dma_start3A_680] : memref<4096x50x128xf32, #tpu.memory_space<hbm>> -> memref<1x50x128xf32, #tpu.memory_space<hbm>>
    %dma_start3A_682 = tpu.memref_squeeze %dma_start3A_681 : memref<1x50x128xf32, #tpu.memory_space<hbm>> -> memref<50x128xf32, #tpu.memory_space<hbm>>
    %dma_start3A_683 = arith.constant 50 : i32
    %dma_start3A_684 = arith.constant 0 : i32
    %dma_start3A_685 = tpu.memref_slice %arg10[%dma_start3A_683, %dma_start3A_684] : memref<100x128xf32, #tpu.memory_space<vmem>> -> memref<50x128xf32, #tpu.memory_space<vmem>>
    tpu.enqueue_dma source(%dma_start3A_685 : memref<50x128xf32, #tpu.memory_space<vmem>>) target(%dma_start3A_682 : memref<50x128xf32, #tpu.memory_space<hbm>>) target_semaphore(%arg18 : memref<!tpu.dma_semaphore, #tpu.memory_space<semaphore_mem>>)
    %dma_wait3A_686 = arith.constant 0 : i32
    %dma_wait3A_687 = arith.constant 0 : i32
    %dma_wait3A_688 = tpu.memref_slice %arg6[%dma_wait3A_686, %dma_wait3A_687] : memref<65x100xi32, #tpu.memory_space<vmem>> -> memref<1x100xi32, #tpu.memory_space<vmem>>
    %dma_wait3A_689 = tpu.memref_squeeze %dma_wait3A_688 : memref<1x100xi32, #tpu.memory_space<vmem>> -> memref<100xi32, #tpu.memory_space<vmem>>
    %dma_wait3A_690 = arith.constant 0 : i32
    %dma_wait3A_691 = arith.constant 0 : i32
    %dma_wait3A_692 = tpu.memref_slice %arg3[%dma_wait3A_690, %dma_wait3A_691] : memref<100000x128xf32, #tpu.memory_space<hbm>> -> memref<100000x128xf32, #tpu.memory_space<hbm>>
    tpu.wait_indirect_dma semaphore(%arg15 : memref<!tpu.dma_semaphore, #tpu.memory_space<semaphore_mem>>) src(%dma_wait3A_692 : memref<100000x128xf32, #tpu.memory_space<hbm>>) dst(%arg11 : memref<100x128xf32, #tpu.memory_space<vmem>>)
    %get3A_693 = arith.constant 63 : i32
    %get3A_694 = arith.index_cast %get3A_693 : i32 to index
    %get3A_695 = arith.constant 0 : index
    %get3A_696 = tpu.vector_load %arg6[%get3A_694, %get3A_695] {strides = array<i32>} : memref<65x100xi32, #tpu.memory_space<vmem>>, vector<1x16xi32>,
    %get3A_697 = vector.shape_cast %get3A_696 : vector<1x16xi32> to vector<16xi32>
    %ge3A_698 = arith.constant 0 : i32
    %ge3A_699 = vector.broadcast %ge3A_698 : i32 to vector<16xi32>
    %ge3A_700 = arith.cmpi sge, %get3A_697, %ge3A_699 : vector<16xi32>
    %lt3A_701 = arith.constant 4 : i32
    %lt3A_702 = vector.broadcast %lt3A_701 : i32 to vector<16xi32>
    %lt3A_703 = arith.cmpi slt, %get3A_697, %lt3A_702 : vector<16xi32>
    %and3A_704 = arith.andi %ge3A_700, %lt3A_703 : vector<16xi1>
    %jit3A_705 = arith.constant 1 : i32
    %jit3A_706 = arith.constant 0 : i32
    %broadcast_in_dim3A_707 = vector.broadcast %jit3A_705 : i32 to vector<16xi32>
    %broadcast_in_dim3A_708 = vector.broadcast %jit3A_706 : i32 to vector<16xi32>
    %select_n3A_709 = arith.select %and3A_704, %broadcast_in_dim3A_707, %broadcast_in_dim3A_708 : vector<16xi1>, vector<16xi32>
    %get3A_710 = arith.constant 63 : i32
    %get3A_711 = arith.index_cast %get3A_710 : i32 to index
    %get3A_712 = arith.constant 16 : index
    %get3A_713 = tpu.vector_load %arg6[%get3A_711, %get3A_712] {strides = array<i32>} : memref<65x100xi32, #tpu.memory_space<vmem>>, vector<1x16xi32>,
    %get3A_714 = vector.shape_cast %get3A_713 : vector<1x16xi32> to vector<16xi32>
    %ge3A_715 = arith.constant 0 : i32
    %ge3A_716 = vector.broadcast %ge3A_715 : i32 to vector<16xi32>
    %ge3A_717 = arith.cmpi sge, %get3A_714, %ge3A_716 : vector<16xi32>
    %lt3A_718 = arith.constant 4 : i32
    %lt3A_719 = vector.broadcast %lt3A_718 : i32 to vector<16xi32>
    %lt3A_720 = arith.cmpi slt, %get3A_714, %lt3A_719 : vector<16xi32>
    %and3A_721 = arith.andi %ge3A_717, %lt3A_720 : vector<16xi1>
    %jit3A_722 = arith.constant 1 : i32
    %jit3A_723 = arith.constant 0 : i32
    %broadcast_in_dim3A_724 = vector.broadcast %jit3A_722 : i32 to vector<16xi32>
    %broadcast_in_dim3A_725 = vector.broadcast %jit3A_723 : i32 to vector<16xi32>
    %select_n3A_726 = arith.select %and3A_721, %broadcast_in_dim3A_724, %broadcast_in_dim3A_725 : vector<16xi1>, vector<16xi32>
    %add3A_727 = arith.addi %select_n3A_709, %select_n3A_726 : vector<16xi32>
    %get3A_728 = arith.constant 63 : i32
    %get3A_729 = arith.index_cast %get3A_728 : i32 to index
    %get3A_730 = arith.constant 32 : index
    %get3A_731 = tpu.vector_load %arg6[%get3A_729, %get3A_730] {strides = array<i32>} : memref<65x100xi32, #tpu.memory_space<vmem>>, vector<1x16xi32>,
    %get3A_732 = vector.shape_cast %get3A_731 : vector<1x16xi32> to vector<16xi32>
    %ge3A_733 = arith.constant 0 : i32
    %ge3A_734 = vector.broadcast %ge3A_733 : i32 to vector<16xi32>
    %ge3A_735 = arith.cmpi sge, %get3A_732, %ge3A_734 : vector<16xi32>
    %lt3A_736 = arith.constant 4 : i32
    %lt3A_737 = vector.broadcast %lt3A_736 : i32 to vector<16xi32>
    %lt3A_738 = arith.cmpi slt, %get3A_732, %lt3A_737 : vector<16xi32>
    %and3A_739 = arith.andi %ge3A_735, %lt3A_738 : vector<16xi1>
    %jit3A_740 = arith.constant 1 : i32
    %jit3A_741 = arith.constant 0 : i32
    %broadcast_in_dim3A_742 = vector.broadcast %jit3A_740 : i32 to vector<16xi32>
    %broadcast_in_dim3A_743 = vector.broadcast %jit3A_741 : i32 to vector<16xi32>
    %select_n3A_744 = arith.select %and3A_739, %broadcast_in_dim3A_742, %broadcast_in_dim3A_743 : vector<16xi1>, vector<16xi32>
    %add3A_745 = arith.addi %add3A_727, %select_n3A_744 : vector<16xi32>
    %get3A_746 = arith.constant 63 : i32
    %get3A_747 = arith.index_cast %get3A_746 : i32 to index
    %get3A_748 = arith.constant 48 : index
    %get3A_749 = tpu.vector_load %arg6[%get3A_747, %get3A_748] {strides = array<i32>} : memref<65x100xi32, #tpu.memory_space<vmem>>, vector<1x16xi32>,
    %get3A_750 = vector.shape_cast %get3A_749 : vector<1x16xi32> to vector<16xi32>
    %ge3A_751 = arith.constant 0 : i32
    %ge3A_752 = vector.broadcast %ge3A_751 : i32 to vector<16xi32>
    %ge3A_753 = arith.cmpi sge, %get3A_750, %ge3A_752 : vector<16xi32>
    %lt3A_754 = arith.constant 4 : i32
    %lt3A_755 = vector.broadcast %lt3A_754 : i32 to vector<16xi32>
    %lt3A_756 = arith.cmpi slt, %get3A_750, %lt3A_755 : vector<16xi32>
    %and3A_757 = arith.andi %ge3A_753, %lt3A_756 : vector<16xi1>
    %jit3A_758 = arith.constant 1 : i32
    %jit3A_759 = arith.constant 0 : i32
    %broadcast_in_dim3A_760 = vector.broadcast %jit3A_758 : i32 to vector<16xi32>
    %broadcast_in_dim3A_761 = vector.broadcast %jit3A_759 : i32 to vector<16xi32>
    %select_n3A_762 = arith.select %and3A_757, %broadcast_in_dim3A_760, %broadcast_in_dim3A_761 : vector<16xi1>, vector<16xi32>
    %add3A_763 = arith.addi %add3A_745, %select_n3A_762 : vector<16xi32>
    %get3A_764 = arith.constant 63 : i32
    %get3A_765 = arith.index_cast %get3A_764 : i32 to index
    %get3A_766 = arith.constant 64 : index
    %get3A_767 = tpu.vector_load %arg6[%get3A_765, %get3A_766] {strides = array<i32>} : memref<65x100xi32, #tpu.memory_space<vmem>>, vector<1x16xi32>,
    %get3A_768 = vector.shape_cast %get3A_767 : vector<1x16xi32> to vector<16xi32>
    %ge3A_769 = arith.constant 0 : i32
    %ge3A_770 = vector.broadcast %ge3A_769 : i32 to vector<16xi32>
    %ge3A_771 = arith.cmpi sge, %get3A_768, %ge3A_770 : vector<16xi32>
    %lt3A_772 = arith.constant 4 : i32
    %lt3A_773 = vector.broadcast %lt3A_772 : i32 to vector<16xi32>
    %lt3A_774 = arith.cmpi slt, %get3A_768, %lt3A_773 : vector<16xi32>
    %and3A_775 = arith.andi %ge3A_771, %lt3A_774 : vector<16xi1>
    %jit3A_776 = arith.constant 1 : i32
    %jit3A_777 = arith.constant 0 : i32
    %broadcast_in_dim3A_778 = vector.broadcast %jit3A_776 : i32 to vector<16xi32>
    %broadcast_in_dim3A_779 = vector.broadcast %jit3A_777 : i32 to vector<16xi32>
    %select_n3A_780 = arith.select %and3A_775, %broadcast_in_dim3A_778, %broadcast_in_dim3A_779 : vector<16xi1>, vector<16xi32>
    %add3A_781 = arith.addi %add3A_763, %select_n3A_780 : vector<16xi32>
    %get3A_782 = arith.constant 63 : i32
    %get3A_783 = arith.index_cast %get3A_782 : i32 to index
    %get3A_784 = arith.constant 80 : index
    %get3A_785 = tpu.vector_load %arg6[%get3A_783, %get3A_784] {strides = array<i32>} : memref<65x100xi32, #tpu.memory_space<vmem>>, vector<1x16xi32>,
    %get3A_786 = vector.shape_cast %get3A_785 : vector<1x16xi32> to vector<16xi32>
    %ge3A_787 = arith.constant 0 : i32
    %ge3A_788 = vector.broadcast %ge3A_787 : i32 to vector<16xi32>
    %ge3A_789 = arith.cmpi sge, %get3A_786, %ge3A_788 : vector<16xi32>
    %lt3A_790 = arith.constant 4 : i32
    %lt3A_791 = vector.broadcast %lt3A_790 : i32 to vector<16xi32>
    %lt3A_792 = arith.cmpi slt, %get3A_786, %lt3A_791 : vector<16xi32>
    %and3A_793 = arith.andi %ge3A_789, %lt3A_792 : vector<16xi1>
    %jit3A_794 = arith.constant 1 : i32
    %jit3A_795 = arith.constant 0 : i32
    %broadcast_in_dim3A_796 = vector.broadcast %jit3A_794 : i32 to vector<16xi32>
    %broadcast_in_dim3A_797 = vector.broadcast %jit3A_795 : i32 to vector<16xi32>
    %select_n3A_798 = arith.select %and3A_793, %broadcast_in_dim3A_796, %broadcast_in_dim3A_797 : vector<16xi1>, vector<16xi32>
    %add3A_799 = arith.addi %add3A_781, %select_n3A_798 : vector<16xi32>
    %get3A_800 = arith.constant 63 : i32
    %get3A_801 = arith.index_cast %get3A_800 : i32 to index
    %get3A_802 = arith.constant 84 : index
    %get3A_803 = tpu.vector_load %arg6[%get3A_801, %get3A_802] {strides = array<i32>} : memref<65x100xi32, #tpu.memory_space<vmem>>, vector<1x16xi32>,
    %get3A_804 = vector.shape_cast %get3A_803 : vector<1x16xi32> to vector<16xi32>
    %ge3A_805 = arith.constant 0 : i32
    %ge3A_806 = vector.broadcast %ge3A_805 : i32 to vector<16xi32>
    %ge3A_807 = arith.cmpi sge, %get3A_804, %ge3A_806 : vector<16xi32>
    %lt3A_808 = arith.constant 4 : i32
    %lt3A_809 = vector.broadcast %lt3A_808 : i32 to vector<16xi32>
    %lt3A_810 = arith.cmpi slt, %get3A_804, %lt3A_809 : vector<16xi32>
    %and3A_811 = arith.andi %ge3A_807, %lt3A_810 : vector<16xi1>
    %jit3A_812 = arith.constant 1 : i32
    %jit3A_813 = arith.constant 0 : i32
    %broadcast_in_dim3A_814 = vector.broadcast %jit3A_812 : i32 to vector<16xi32>
    %broadcast_in_dim3A_815 = vector.broadcast %jit3A_813 : i32 to vector<16xi32>
    %select_n3A_816 = arith.select %and3A_811, %broadcast_in_dim3A_814, %broadcast_in_dim3A_815 : vector<16xi1>, vector<16xi32>
    %add3A_817 = arith.addi %add3A_799, %select_n3A_816 : vector<16xi32>
    %slice3A_818 = vector.extract_strided_slice %add3A_817 {offsets = [0], sizes = [1], strides = [1]} : vector<16xi32> to vector<1xi32>
    %squeeze3A_819 = vector.extract %slice3A_818[0] : i32 from vector<1xi32>
    %slice3A_820 = vector.extract_strided_slice %add3A_817 {offsets = [1], sizes = [1], strides = [1]} : vector<16xi32> to vector<1xi32>
    %squeeze3A_821 = vector.extract %slice3A_820[0] : i32 from vector<1xi32>
    %add3A_822 = arith.addi %squeeze3A_819, %squeeze3A_821 : i32
    %slice3A_823 = vector.extract_strided_slice %add3A_817 {offsets = [2], sizes = [1], strides = [1]} : vector<16xi32> to vector<1xi32>
    %squeeze3A_824 = vector.extract %slice3A_823[0] : i32 from vector<1xi32>
    %add3A_825 = arith.addi %add3A_822, %squeeze3A_824 : i32
    %slice3A_826 = vector.extract_strided_slice %add3A_817 {offsets = [3], sizes = [1], strides = [1]} : vector<16xi32> to vector<1xi32>
    %squeeze3A_827 = vector.extract %slice3A_826[0] : i32 from vector<1xi32>
    %add3A_828 = arith.addi %add3A_825, %squeeze3A_827 : i32
    %slice3A_829 = vector.extract_strided_slice %add3A_817 {offsets = [4], sizes = [1], strides = [1]} : vector<16xi32> to vector<1xi32>
    %squeeze3A_830 = vector.extract %slice3A_829[0] : i32 from vector<1xi32>
    %add3A_831 = arith.addi %add3A_828, %squeeze3A_830 : i32
    %slice3A_832 = vector.extract_strided_slice %add3A_817 {offsets = [5], sizes = [1], strides = [1]} : vector<16xi32> to vector<1xi32>
    %squeeze3A_833 = vector.extract %slice3A_832[0] : i32 from vector<1xi32>
    %add3A_834 = arith.addi %add3A_831, %squeeze3A_833 : i32
    %slice3A_835 = vector.extract_strided_slice %add3A_817 {offsets = [6], sizes = [1], strides = [1]} : vector<16xi32> to vector<1xi32>
    %squeeze3A_836 = vector.extract %slice3A_835[0] : i32 from vector<1xi32>
    %add3A_837 = arith.addi %add3A_834, %squeeze3A_836 : i32
    %slice3A_838 = vector.extract_strided_slice %add3A_817 {offsets = [7], sizes = [1], strides = [1]} : vector<16xi32> to vector<1xi32>
    %squeeze3A_839 = vector.extract %slice3A_838[0] : i32 from vector<1xi32>
    %add3A_840 = arith.addi %add3A_837, %squeeze3A_839 : i32
    %slice3A_841 = vector.extract_strided_slice %add3A_817 {offsets = [8], sizes = [1], strides = [1]} : vector<16xi32> to vector<1xi32>
    %squeeze3A_842 = vector.extract %slice3A_841[0] : i32 from vector<1xi32>
    %add3A_843 = arith.addi %add3A_840, %squeeze3A_842 : i32
    %slice3A_844 = vector.extract_strided_slice %add3A_817 {offsets = [9], sizes = [1], strides = [1]} : vector<16xi32> to vector<1xi32>
    %squeeze3A_845 = vector.extract %slice3A_844[0] : i32 from vector<1xi32>
    %add3A_846 = arith.addi %add3A_843, %squeeze3A_845 : i32
    %slice3A_847 = vector.extract_strided_slice %add3A_817 {offsets = [10], sizes = [1], strides = [1]} : vector<16xi32> to vector<1xi32>
    %squeeze3A_848 = vector.extract %slice3A_847[0] : i32 from vector<1xi32>
    %add3A_849 = arith.addi %add3A_846, %squeeze3A_848 : i32
    %slice3A_850 = vector.extract_strided_slice %add3A_817 {offsets = [11], sizes = [1], strides = [1]} : vector<16xi32> to vector<1xi32>
    %squeeze3A_851 = vector.extract %slice3A_850[0] : i32 from vector<1xi32>
    %add3A_852 = arith.addi %add3A_849, %squeeze3A_851 : i32
    %slice3A_853 = vector.extract_strided_slice %add3A_817 {offsets = [12], sizes = [1], strides = [1]} : vector<16xi32> to vector<1xi32>
    %squeeze3A_854 = vector.extract %slice3A_853[0] : i32 from vector<1xi32>
    %add3A_855 = arith.addi %add3A_852, %squeeze3A_854 : i32
    %slice3A_856 = vector.extract_strided_slice %add3A_817 {offsets = [13], sizes = [1], strides = [1]} : vector<16xi32> to vector<1xi32>
    %squeeze3A_857 = vector.extract %slice3A_856[0] : i32 from vector<1xi32>
    %add3A_858 = arith.addi %add3A_855, %squeeze3A_857 : i32
    %slice3A_859 = vector.extract_strided_slice %add3A_817 {offsets = [14], sizes = [1], strides = [1]} : vector<16xi32> to vector<1xi32>
    %squeeze3A_860 = vector.extract %slice3A_859[0] : i32 from vector<1xi32>
    %add3A_861 = arith.addi %add3A_858, %squeeze3A_860 : i32
    %slice3A_862 = vector.extract_strided_slice %add3A_817 {offsets = [15], sizes = [1], strides = [1]} : vector<16xi32> to vector<1xi32>
    %squeeze3A_863 = vector.extract %slice3A_862[0] : i32 from vector<1xi32>
    %add3A_864 = arith.addi %add3A_861, %squeeze3A_863 : i32
    %gt3A_865 = arith.constant 0 : i32
    %gt3A_866 = arith.cmpi sgt, %add3A_864, %gt3A_865 : i32
    %convert_element_type3A_867 = arith.extui %gt3A_866 : i1 to i32
    %cond3A_868 = arith.constant 0 : i32
    %cond3A_869 = arith.cmpi ne, %convert_element_type3A_867, %cond3A_868 : i32
    scf.if %cond3A_869 {
      %scan3A_1026 = arith.constant 0 : i32
      %scan3A_1027 = arith.constant 0 : i32
      %scan3A_1028 = arith.constant 100 : i32
      %scan3A_1029 = arith.addi %scan3A_1027, %scan3A_1028 : i32
      %scan3A_1030 = arith.constant 1 : i32
      scf.for %scan3A_1032 = %scan3A_1027 to %scan3A_1029 step %scan3A_1030  : i32 {
        %get3A_1033 = arith.constant 63 : i32
        %get3A_1034 = arith.index_cast %get3A_1033 : i32 to index
        %get3A_1035 = arith.index_cast %scan3A_1032 : i32 to index
        %get3A_1036 = tpu.vector_load %arg6[%get3A_1034, %get3A_1035] {strides = array<i32>} : memref<65x100xi32, #tpu.memory_space<vmem>>, vector<1x16xi32>,
        %get3A_1037 = vector.shape_cast %get3A_1036 : vector<1x16xi32> to vector<16xi32>
        %slice3A_1038 = vector.extract_strided_slice %get3A_1037 {offsets = [0], sizes = [1], strides = [1]} : vector<16xi32> to vector<1xi32>
        %squeeze3A_1039 = vector.extract %slice3A_1038[0] : i32 from vector<1xi32>
        %ge3A_1040 = arith.constant 0 : i32
        %ge3A_1041 = arith.cmpi sge, %squeeze3A_1039, %ge3A_1040 : i32
        %lt3A_1042 = arith.constant 4 : i32
        %lt3A_1043 = arith.cmpi slt, %squeeze3A_1039, %lt3A_1042 : i32
        %and3A_1044 = arith.andi %ge3A_1041, %lt3A_1043 : i1
        %convert_element_type3A_1045 = arith.extui %and3A_1044 : i1 to i32
        %cond3A_1046 = arith.constant 0 : i32
        %cond3A_1047 = arith.cmpi ne, %convert_element_type3A_1045, %cond3A_1046 : i32
        scf.if %cond3A_1047 {
          %sub3A = arith.constant 0 : i32
          %sub3A_1048 = arith.subi %squeeze3A_1039, %sub3A : i32
          "tpu.region"() ({
            %run_scoped3A = tpu.sem_alloc : memref<!tpu.dma_semaphore, #tpu.memory_space<semaphore_mem>>
            %dma_start3A_1049 = arith.constant 0 : i32
            %dma_start3A_1050 = tpu.memref_slice %arg11[%scan3A_1032, %dma_start3A_1049] : memref<100x128xf32, #tpu.memory_space<vmem>> -> memref<1x128xf32, #tpu.memory_space<vmem>>
            %dma_start3A_1051 = tpu.memref_squeeze %dma_start3A_1050 : memref<1x128xf32, #tpu.memory_space<vmem>> -> memref<128xf32, #tpu.memory_space<vmem>>
            %dma_start3A_1052 = arith.constant 0 : i32
            %dma_start3A_1053 = tpu.memref_slice %arg7[%sub3A_1048, %dma_start3A_1052] : memref<4x128xf32, #tpu.memory_space<vmem_shared>> -> memref<1x128xf32, #tpu.memory_space<vmem_shared>>
            %dma_start3A_1054 = tpu.memref_squeeze %dma_start3A_1053 : memref<1x128xf32, #tpu.memory_space<vmem_shared>> -> memref<128xf32, #tpu.memory_space<vmem_shared>>
            %dma_start3A_1055 = arith.constant 0 : i32
            %dma_start3A_1056 = tpu.memref_slice %arg11[%scan3A_1032, %dma_start3A_1055] : memref<100x128xf32, #tpu.memory_space<vmem>> -> memref<1x128xf32, #tpu.memory_space<vmem>>
            %dma_start3A_1057 = tpu.memref_squeeze %dma_start3A_1056 : memref<1x128xf32, #tpu.memory_space<vmem>> -> memref<128xf32, #tpu.memory_space<vmem>>
            %dma_start3A_1058 = arith.constant 0 : i32
            %dma_start3A_1059 = tpu.memref_slice %arg7[%sub3A_1048, %dma_start3A_1058] : memref<4x128xf32, #tpu.memory_space<vmem_shared>> -> memref<1x128xf32, #tpu.memory_space<vmem_shared>>
            %dma_start3A_1060 = tpu.memref_squeeze %dma_start3A_1059 : memref<1x128xf32, #tpu.memory_space<vmem_shared>> -> memref<128xf32, #tpu.memory_space<vmem_shared>>
            tpu.enqueue_dma source(%dma_start3A_1060 : memref<128xf32, #tpu.memory_space<vmem_shared>>) target(%dma_start3A_1057 : memref<128xf32, #tpu.memory_space<vmem>>) target_semaphore(%run_scoped3A : memref<!tpu.dma_semaphore, #tpu.memory_space<semaphore_mem>>)
            %dma_wait3A_1061 = arith.constant 0 : i32
            %dma_wait3A_1062 = tpu.memref_slice %arg11[%scan3A_1032, %dma_wait3A_1061] : memref<100x128xf32, #tpu.memory_space<vmem>> -> memref<1x128xf32, #tpu.memory_space<vmem>>
            %dma_wait3A_1063 = tpu.memref_squeeze %dma_wait3A_1062 : memref<1x128xf32, #tpu.memory_space<vmem>> -> memref<128xf32, #tpu.memory_space<vmem>>
            %dma_wait3A_1064 = arith.constant 0 : i32
            %dma_wait3A_1065 = tpu.memref_slice %arg7[%sub3A_1048, %dma_wait3A_1064] : memref<4x128xf32, #tpu.memory_space<vmem_shared>> -> memref<1x128xf32, #tpu.memory_space<vmem_shared>>
            %dma_wait3A_1066 = tpu.memref_squeeze %dma_wait3A_1065 : memref<1x128xf32, #tpu.memory_space<vmem_shared>> -> memref<128xf32, #tpu.memory_space<vmem_shared>>
            %dma_wait3A_1067 = arith.constant 0 : i32
            %dma_wait3A_1068 = tpu.memref_slice %arg11[%scan3A_1032, %dma_wait3A_1067] : memref<100x128xf32, #tpu.memory_space<vmem>> -> memref<1x128xf32, #tpu.memory_space<vmem>>
            %dma_wait3A_1069 = tpu.memref_squeeze %dma_wait3A_1068 : memref<1x128xf32, #tpu.memory_space<vmem>> -> memref<128xf32, #tpu.memory_space<vmem>>
            %dma_wait3A_1070 = arith.constant 0 : i32
            %dma_wait3A_1071 = tpu.memref_slice %arg7[%sub3A_1048, %dma_wait3A_1070] : memref<4x128xf32, #tpu.memory_space<vmem_shared>> -> memref<1x128xf32, #tpu.memory_space<vmem_shared>>
            %dma_wait3A_1072 = tpu.memref_squeeze %dma_wait3A_1071 : memref<1x128xf32, #tpu.memory_space<vmem_shared>> -> memref<128xf32, #tpu.memory_space<vmem_shared>>
            tpu.wait_dma2 semaphore(%run_scoped3A : memref<!tpu.dma_semaphore, #tpu.memory_space<semaphore_mem>>) src(%dma_wait3A_1072 : memref<128xf32, #tpu.memory_space<vmem_shared>>) dst(%dma_wait3A_1069 : memref<128xf32, #tpu.memory_space<vmem>>)
            tpu.yield
          }) : () -> ()
        } else {
        }
      }
      %scan3A_1031 = arith.constant 100 : i32
    } else {
    }
    %add3A_870 = arith.constant 126 : i32
    %add3A_871 = arith.addi %mul3A_2, %add3A_870 : i32
    %add3A_872 = arith.constant 0 : i32
    %add3A_873 = arith.addi %add3A_871, %add3A_872 : i32
    %dma_start3A_874 = arith.constant 0 : i32
    %dma_start3A_875 = arith.constant 0 : i32
    %dma_start3A_876 = tpu.memref_slice %arg11[%dma_start3A_874, %dma_start3A_875] : memref<100x128xf32, #tpu.memory_space<vmem>> -> memref<50x128xf32, #tpu.memory_space<vmem>>
    %dma_start3A_877 = arith.constant 0 : i32
    %dma_start3A_878 = arith.constant 0 : i32
    %dma_start3A_879 = tpu.memref_slice %arg5[%add3A_873, %dma_start3A_877, %dma_start3A_878] : memref<4096x50x128xf32, #tpu.memory_space<hbm>> -> memref<1x50x128xf32, #tpu.memory_space<hbm>>
    %dma_start3A_880 = tpu.memref_squeeze %dma_start3A_879 : memref<1x50x128xf32, #tpu.memory_space<hbm>> -> memref<50x128xf32, #tpu.memory_space<hbm>>
    %dma_start3A_881 = arith.constant 0 : i32
    %dma_start3A_882 = arith.constant 0 : i32
    %dma_start3A_883 = tpu.memref_slice %arg5[%add3A_873, %dma_start3A_881, %dma_start3A_882] : memref<4096x50x128xf32, #tpu.memory_space<hbm>> -> memref<1x50x128xf32, #tpu.memory_space<hbm>>
    %dma_start3A_884 = tpu.memref_squeeze %dma_start3A_883 : memref<1x50x128xf32, #tpu.memory_space<hbm>> -> memref<50x128xf32, #tpu.memory_space<hbm>>
    %dma_start3A_885 = arith.constant 0 : i32
    %dma_start3A_886 = arith.constant 0 : i32
    %dma_start3A_887 = tpu.memref_slice %arg11[%dma_start3A_885, %dma_start3A_886] : memref<100x128xf32, #tpu.memory_space<vmem>> -> memref<50x128xf32, #tpu.memory_space<vmem>>
    tpu.enqueue_dma source(%dma_start3A_887 : memref<50x128xf32, #tpu.memory_space<vmem>>) target(%dma_start3A_884 : memref<50x128xf32, #tpu.memory_space<hbm>>) target_semaphore(%arg19 : memref<!tpu.dma_semaphore, #tpu.memory_space<semaphore_mem>>)
    %add3A_888 = arith.constant 126 : i32
    %add3A_889 = arith.addi %mul3A_2, %add3A_888 : i32
    %add3A_890 = arith.constant 1 : i32
    %add3A_891 = arith.addi %add3A_889, %add3A_890 : i32
    %dma_start3A_892 = arith.constant 50 : i32
    %dma_start3A_893 = arith.constant 0 : i32
    %dma_start3A_894 = tpu.memref_slice %arg11[%dma_start3A_892, %dma_start3A_893] : memref<100x128xf32, #tpu.memory_space<vmem>> -> memref<50x128xf32, #tpu.memory_space<vmem>>
    %dma_start3A_895 = arith.constant 0 : i32
    %dma_start3A_896 = arith.constant 0 : i32
    %dma_start3A_897 = tpu.memref_slice %arg5[%add3A_891, %dma_start3A_895, %dma_start3A_896] : memref<4096x50x128xf32, #tpu.memory_space<hbm>> -> memref<1x50x128xf32, #tpu.memory_space<hbm>>
    %dma_start3A_898 = tpu.memref_squeeze %dma_start3A_897 : memref<1x50x128xf32, #tpu.memory_space<hbm>> -> memref<50x128xf32, #tpu.memory_space<hbm>>
    %dma_start3A_899 = arith.constant 0 : i32
    %dma_start3A_900 = arith.constant 0 : i32
    %dma_start3A_901 = tpu.memref_slice %arg5[%add3A_891, %dma_start3A_899, %dma_start3A_900] : memref<4096x50x128xf32, #tpu.memory_space<hbm>> -> memref<1x50x128xf32, #tpu.memory_space<hbm>>
    %dma_start3A_902 = tpu.memref_squeeze %dma_start3A_901 : memref<1x50x128xf32, #tpu.memory_space<hbm>> -> memref<50x128xf32, #tpu.memory_space<hbm>>
    %dma_start3A_903 = arith.constant 50 : i32
    %dma_start3A_904 = arith.constant 0 : i32
    %dma_start3A_905 = tpu.memref_slice %arg11[%dma_start3A_903, %dma_start3A_904] : memref<100x128xf32, #tpu.memory_space<vmem>> -> memref<50x128xf32, #tpu.memory_space<vmem>>
    tpu.enqueue_dma source(%dma_start3A_905 : memref<50x128xf32, #tpu.memory_space<vmem>>) target(%dma_start3A_902 : memref<50x128xf32, #tpu.memory_space<hbm>>) target_semaphore(%arg19 : memref<!tpu.dma_semaphore, #tpu.memory_space<semaphore_mem>>)
    %dma_wait3A_906 = arith.constant 0 : i32
    %dma_wait3A_907 = arith.constant 0 : i32
    %dma_wait3A_908 = arith.constant 0 : i32
    %dma_wait3A_909 = tpu.memref_slice %arg8[%dma_wait3A_907, %dma_wait3A_908] : memref<100x128xf32, #tpu.memory_space<vmem>> -> memref<50x128xf32, #tpu.memory_space<vmem>>
    %dma_wait3A_910 = arith.constant 0 : i32
    %dma_wait3A_911 = arith.constant 0 : i32
    %dma_wait3A_912 = tpu.memref_slice %arg5[%dma_wait3A_906, %dma_wait3A_910, %dma_wait3A_911] : memref<4096x50x128xf32, #tpu.memory_space<hbm>> -> memref<1x50x128xf32, #tpu.memory_space<hbm>>
    %dma_wait3A_913 = tpu.memref_squeeze %dma_wait3A_912 : memref<1x50x128xf32, #tpu.memory_space<hbm>> -> memref<50x128xf32, #tpu.memory_space<hbm>>
    %dma_wait3A_914 = arith.constant 0 : i32
    %dma_wait3A_915 = arith.constant 0 : i32
    %dma_wait3A_916 = tpu.memref_slice %arg5[%dma_wait3A_906, %dma_wait3A_914, %dma_wait3A_915] : memref<4096x50x128xf32, #tpu.memory_space<hbm>> -> memref<1x50x128xf32, #tpu.memory_space<hbm>>
    %dma_wait3A_917 = tpu.memref_squeeze %dma_wait3A_916 : memref<1x50x128xf32, #tpu.memory_space<hbm>> -> memref<50x128xf32, #tpu.memory_space<hbm>>
    %dma_wait3A_918 = arith.constant 0 : i32
    %dma_wait3A_919 = arith.constant 0 : i32
    %dma_wait3A_920 = tpu.memref_slice %arg8[%dma_wait3A_918, %dma_wait3A_919] : memref<100x128xf32, #tpu.memory_space<vmem>> -> memref<50x128xf32, #tpu.memory_space<vmem>>
    tpu.wait_dma2 semaphore(%arg16 : memref<!tpu.dma_semaphore, #tpu.memory_space<semaphore_mem>>) src(%dma_wait3A_920 : memref<50x128xf32, #tpu.memory_space<vmem>>) dst(%dma_wait3A_917 : memref<50x128xf32, #tpu.memory_space<hbm>>)
    %dma_wait3A_921 = arith.constant 0 : i32
    %dma_wait3A_922 = arith.constant 0 : i32
    %dma_wait3A_923 = arith.constant 0 : i32
    %dma_wait3A_924 = tpu.memref_slice %arg8[%dma_wait3A_922, %dma_wait3A_923] : memref<100x128xf32, #tpu.memory_space<vmem>> -> memref<50x128xf32, #tpu.memory_space<vmem>>
    %dma_wait3A_925 = arith.constant 0 : i32
    %dma_wait3A_926 = arith.constant 0 : i32
    %dma_wait3A_927 = tpu.memref_slice %arg5[%dma_wait3A_921, %dma_wait3A_925, %dma_wait3A_926] : memref<4096x50x128xf32, #tpu.memory_space<hbm>> -> memref<1x50x128xf32, #tpu.memory_space<hbm>>
    %dma_wait3A_928 = tpu.memref_squeeze %dma_wait3A_927 : memref<1x50x128xf32, #tpu.memory_space<hbm>> -> memref<50x128xf32, #tpu.memory_space<hbm>>
    %dma_wait3A_929 = arith.constant 0 : i32
    %dma_wait3A_930 = arith.constant 0 : i32
    %dma_wait3A_931 = tpu.memref_slice %arg5[%dma_wait3A_921, %dma_wait3A_929, %dma_wait3A_930] : memref<4096x50x128xf32, #tpu.memory_space<hbm>> -> memref<1x50x128xf32, #tpu.memory_space<hbm>>
    %dma_wait3A_932 = tpu.memref_squeeze %dma_wait3A_931 : memref<1x50x128xf32, #tpu.memory_space<hbm>> -> memref<50x128xf32, #tpu.memory_space<hbm>>
    %dma_wait3A_933 = arith.constant 0 : i32
    %dma_wait3A_934 = arith.constant 0 : i32
    %dma_wait3A_935 = tpu.memref_slice %arg8[%dma_wait3A_933, %dma_wait3A_934] : memref<100x128xf32, #tpu.memory_space<vmem>> -> memref<50x128xf32, #tpu.memory_space<vmem>>
    tpu.wait_dma2 semaphore(%arg16 : memref<!tpu.dma_semaphore, #tpu.memory_space<semaphore_mem>>) src(%dma_wait3A_935 : memref<50x128xf32, #tpu.memory_space<vmem>>) dst(%dma_wait3A_932 : memref<50x128xf32, #tpu.memory_space<hbm>>)
    %dma_wait3A_936 = arith.constant 0 : i32
    %dma_wait3A_937 = arith.constant 0 : i32
    %dma_wait3A_938 = arith.constant 0 : i32
    %dma_wait3A_939 = tpu.memref_slice %arg9[%dma_wait3A_937, %dma_wait3A_938] : memref<100x128xf32, #tpu.memory_space<vmem>> -> memref<50x128xf32, #tpu.memory_space<vmem>>
    %dma_wait3A_940 = arith.constant 0 : i32
    %dma_wait3A_941 = arith.constant 0 : i32
    %dma_wait3A_942 = tpu.memref_slice %arg5[%dma_wait3A_936, %dma_wait3A_940, %dma_wait3A_941] : memref<4096x50x128xf32, #tpu.memory_space<hbm>> -> memref<1x50x128xf32, #tpu.memory_space<hbm>>
    %dma_wait3A_943 = tpu.memref_squeeze %dma_wait3A_942 : memref<1x50x128xf32, #tpu.memory_space<hbm>> -> memref<50x128xf32, #tpu.memory_space<hbm>>
    %dma_wait3A_944 = arith.constant 0 : i32
    %dma_wait3A_945 = arith.constant 0 : i32
    %dma_wait3A_946 = tpu.memref_slice %arg5[%dma_wait3A_936, %dma_wait3A_944, %dma_wait3A_945] : memref<4096x50x128xf32, #tpu.memory_space<hbm>> -> memref<1x50x128xf32, #tpu.memory_space<hbm>>
    %dma_wait3A_947 = tpu.memref_squeeze %dma_wait3A_946 : memref<1x50x128xf32, #tpu.memory_space<hbm>> -> memref<50x128xf32, #tpu.memory_space<hbm>>
    %dma_wait3A_948 = arith.constant 0 : i32
    %dma_wait3A_949 = arith.constant 0 : i32
    %dma_wait3A_950 = tpu.memref_slice %arg9[%dma_wait3A_948, %dma_wait3A_949] : memref<100x128xf32, #tpu.memory_space<vmem>> -> memref<50x128xf32, #tpu.memory_space<vmem>>
    tpu.wait_dma2 semaphore(%arg17 : memref<!tpu.dma_semaphore, #tpu.memory_space<semaphore_mem>>) src(%dma_wait3A_950 : memref<50x128xf32, #tpu.memory_space<vmem>>) dst(%dma_wait3A_947 : memref<50x128xf32, #tpu.memory_space<hbm>>)
    %dma_wait3A_951 = arith.constant 0 : i32
    %dma_wait3A_952 = arith.constant 0 : i32
    %dma_wait3A_953 = arith.constant 0 : i32
    %dma_wait3A_954 = tpu.memref_slice %arg9[%dma_wait3A_952, %dma_wait3A_953] : memref<100x128xf32, #tpu.memory_space<vmem>> -> memref<50x128xf32, #tpu.memory_space<vmem>>
    %dma_wait3A_955 = arith.constant 0 : i32
    %dma_wait3A_956 = arith.constant 0 : i32
    %dma_wait3A_957 = tpu.memref_slice %arg5[%dma_wait3A_951, %dma_wait3A_955, %dma_wait3A_956] : memref<4096x50x128xf32, #tpu.memory_space<hbm>> -> memref<1x50x128xf32, #tpu.memory_space<hbm>>
    %dma_wait3A_958 = tpu.memref_squeeze %dma_wait3A_957 : memref<1x50x128xf32, #tpu.memory_space<hbm>> -> memref<50x128xf32, #tpu.memory_space<hbm>>
    %dma_wait3A_959 = arith.constant 0 : i32
    %dma_wait3A_960 = arith.constant 0 : i32
    %dma_wait3A_961 = tpu.memref_slice %arg5[%dma_wait3A_951, %dma_wait3A_959, %dma_wait3A_960] : memref<4096x50x128xf32, #tpu.memory_space<hbm>> -> memref<1x50x128xf32, #tpu.memory_space<hbm>>
    %dma_wait3A_962 = tpu.memref_squeeze %dma_wait3A_961 : memref<1x50x128xf32, #tpu.memory_space<hbm>> -> memref<50x128xf32, #tpu.memory_space<hbm>>
    %dma_wait3A_963 = arith.constant 0 : i32
    %dma_wait3A_964 = arith.constant 0 : i32
    %dma_wait3A_965 = tpu.memref_slice %arg9[%dma_wait3A_963, %dma_wait3A_964] : memref<100x128xf32, #tpu.memory_space<vmem>> -> memref<50x128xf32, #tpu.memory_space<vmem>>
    tpu.wait_dma2 semaphore(%arg17 : memref<!tpu.dma_semaphore, #tpu.memory_space<semaphore_mem>>) src(%dma_wait3A_965 : memref<50x128xf32, #tpu.memory_space<vmem>>) dst(%dma_wait3A_962 : memref<50x128xf32, #tpu.memory_space<hbm>>)
    %dma_wait3A_966 = arith.constant 0 : i32
    %dma_wait3A_967 = arith.constant 0 : i32
    %dma_wait3A_968 = arith.constant 0 : i32
    %dma_wait3A_969 = tpu.memref_slice %arg10[%dma_wait3A_967, %dma_wait3A_968] : memref<100x128xf32, #tpu.memory_space<vmem>> -> memref<50x128xf32, #tpu.memory_space<vmem>>
    %dma_wait3A_970 = arith.constant 0 : i32
    %dma_wait3A_971 = arith.constant 0 : i32
    %dma_wait3A_972 = tpu.memref_slice %arg5[%dma_wait3A_966, %dma_wait3A_970, %dma_wait3A_971] : memref<4096x50x128xf32, #tpu.memory_space<hbm>> -> memref<1x50x128xf32, #tpu.memory_space<hbm>>
    %dma_wait3A_973 = tpu.memref_squeeze %dma_wait3A_972 : memref<1x50x128xf32, #tpu.memory_space<hbm>> -> memref<50x128xf32, #tpu.memory_space<hbm>>
    %dma_wait3A_974 = arith.constant 0 : i32
    %dma_wait3A_975 = arith.constant 0 : i32
    %dma_wait3A_976 = tpu.memref_slice %arg5[%dma_wait3A_966, %dma_wait3A_974, %dma_wait3A_975] : memref<4096x50x128xf32, #tpu.memory_space<hbm>> -> memref<1x50x128xf32, #tpu.memory_space<hbm>>
    %dma_wait3A_977 = tpu.memref_squeeze %dma_wait3A_976 : memref<1x50x128xf32, #tpu.memory_space<hbm>> -> memref<50x128xf32, #tpu.memory_space<hbm>>
    %dma_wait3A_978 = arith.constant 0 : i32
    %dma_wait3A_979 = arith.constant 0 : i32
    %dma_wait3A_980 = tpu.memref_slice %arg10[%dma_wait3A_978, %dma_wait3A_979] : memref<100x128xf32, #tpu.memory_space<vmem>> -> memref<50x128xf32, #tpu.memory_space<vmem>>
    tpu.wait_dma2 semaphore(%arg18 : memref<!tpu.dma_semaphore, #tpu.memory_space<semaphore_mem>>) src(%dma_wait3A_980 : memref<50x128xf32, #tpu.memory_space<vmem>>) dst(%dma_wait3A_977 : memref<50x128xf32, #tpu.memory_space<hbm>>)
    %dma_wait3A_981 = arith.constant 0 : i32
    %dma_wait3A_982 = arith.constant 0 : i32
    %dma_wait3A_983 = arith.constant 0 : i32
    %dma_wait3A_984 = tpu.memref_slice %arg10[%dma_wait3A_982, %dma_wait3A_983] : memref<100x128xf32, #tpu.memory_space<vmem>> -> memref<50x128xf32, #tpu.memory_space<vmem>>
    %dma_wait3A_985 = arith.constant 0 : i32
    %dma_wait3A_986 = arith.constant 0 : i32
    %dma_wait3A_987 = tpu.memref_slice %arg5[%dma_wait3A_981, %dma_wait3A_985, %dma_wait3A_986] : memref<4096x50x128xf32, #tpu.memory_space<hbm>> -> memref<1x50x128xf32, #tpu.memory_space<hbm>>
    %dma_wait3A_988 = tpu.memref_squeeze %dma_wait3A_987 : memref<1x50x128xf32, #tpu.memory_space<hbm>> -> memref<50x128xf32, #tpu.memory_space<hbm>>
    %dma_wait3A_989 = arith.constant 0 : i32
    %dma_wait3A_990 = arith.constant 0 : i32
    %dma_wait3A_991 = tpu.memref_slice %arg5[%dma_wait3A_981, %dma_wait3A_989, %dma_wait3A_990] : memref<4096x50x128xf32, #tpu.memory_space<hbm>> -> memref<1x50x128xf32, #tpu.memory_space<hbm>>
    %dma_wait3A_992 = tpu.memref_squeeze %dma_wait3A_991 : memref<1x50x128xf32, #tpu.memory_space<hbm>> -> memref<50x128xf32, #tpu.memory_space<hbm>>
    %dma_wait3A_993 = arith.constant 0 : i32
    %dma_wait3A_994 = arith.constant 0 : i32
    %dma_wait3A_995 = tpu.memref_slice %arg10[%dma_wait3A_993, %dma_wait3A_994] : memref<100x128xf32, #tpu.memory_space<vmem>> -> memref<50x128xf32, #tpu.memory_space<vmem>>
    tpu.wait_dma2 semaphore(%arg18 : memref<!tpu.dma_semaphore, #tpu.memory_space<semaphore_mem>>) src(%dma_wait3A_995 : memref<50x128xf32, #tpu.memory_space<vmem>>) dst(%dma_wait3A_992 : memref<50x128xf32, #tpu.memory_space<hbm>>)
    %dma_wait3A_996 = arith.constant 0 : i32
    %dma_wait3A_997 = arith.constant 0 : i32
    %dma_wait3A_998 = arith.constant 0 : i32
    %dma_wait3A_999 = tpu.memref_slice %arg11[%dma_wait3A_997, %dma_wait3A_998] : memref<100x128xf32, #tpu.memory_space<vmem>> -> memref<50x128xf32, #tpu.memory_space<vmem>>
    %dma_wait3A_1000 = arith.constant 0 : i32
    %dma_wait3A_1001 = arith.constant 0 : i32
    %dma_wait3A_1002 = tpu.memref_slice %arg5[%dma_wait3A_996, %dma_wait3A_1000, %dma_wait3A_1001] : memref<4096x50x128xf32, #tpu.memory_space<hbm>> -> memref<1x50x128xf32, #tpu.memory_space<hbm>>
    %dma_wait3A_1003 = tpu.memref_squeeze %dma_wait3A_1002 : memref<1x50x128xf32, #tpu.memory_space<hbm>> -> memref<50x128xf32, #tpu.memory_space<hbm>>
    %dma_wait3A_1004 = arith.constant 0 : i32
    %dma_wait3A_1005 = arith.constant 0 : i32
    %dma_wait3A_1006 = tpu.memref_slice %arg5[%dma_wait3A_996, %dma_wait3A_1004, %dma_wait3A_1005] : memref<4096x50x128xf32, #tpu.memory_space<hbm>> -> memref<1x50x128xf32, #tpu.memory_space<hbm>>
    %dma_wait3A_1007 = tpu.memref_squeeze %dma_wait3A_1006 : memref<1x50x128xf32, #tpu.memory_space<hbm>> -> memref<50x128xf32, #tpu.memory_space<hbm>>
    %dma_wait3A_1008 = arith.constant 0 : i32
    %dma_wait3A_1009 = arith.constant 0 : i32
    %dma_wait3A_1010 = tpu.memref_slice %arg11[%dma_wait3A_1008, %dma_wait3A_1009] : memref<100x128xf32, #tpu.memory_space<vmem>> -> memref<50x128xf32, #tpu.memory_space<vmem>>
    tpu.wait_dma2 semaphore(%arg19 : memref<!tpu.dma_semaphore, #tpu.memory_space<semaphore_mem>>) src(%dma_wait3A_1010 : memref<50x128xf32, #tpu.memory_space<vmem>>) dst(%dma_wait3A_1007 : memref<50x128xf32, #tpu.memory_space<hbm>>)
    %dma_wait3A_1011 = arith.constant 0 : i32
    %dma_wait3A_1012 = arith.constant 0 : i32
    %dma_wait3A_1013 = arith.constant 0 : i32
    %dma_wait3A_1014 = tpu.memref_slice %arg11[%dma_wait3A_1012, %dma_wait3A_1013] : memref<100x128xf32, #tpu.memory_space<vmem>> -> memref<50x128xf32, #tpu.memory_space<vmem>>
    %dma_wait3A_1015 = arith.constant 0 : i32
    %dma_wait3A_1016 = arith.constant 0 : i32
    %dma_wait3A_1017 = tpu.memref_slice %arg5[%dma_wait3A_1011, %dma_wait3A_1015, %dma_wait3A_1016] : memref<4096x50x128xf32, #tpu.memory_space<hbm>> -> memref<1x50x128xf32, #tpu.memory_space<hbm>>
    %dma_wait3A_1018 = tpu.memref_squeeze %dma_wait3A_1017 : memref<1x50x128xf32, #tpu.memory_space<hbm>> -> memref<50x128xf32, #tpu.memory_space<hbm>>
    %dma_wait3A_1019 = arith.constant 0 : i32
    %dma_wait3A_1020 = arith.constant 0 : i32
    %dma_wait3A_1021 = tpu.memref_slice %arg5[%dma_wait3A_1011, %dma_wait3A_1019, %dma_wait3A_1020] : memref<4096x50x128xf32, #tpu.memory_space<hbm>> -> memref<1x50x128xf32, #tpu.memory_space<hbm>>
    %dma_wait3A_1022 = tpu.memref_squeeze %dma_wait3A_1021 : memref<1x50x128xf32, #tpu.memory_space<hbm>> -> memref<50x128xf32, #tpu.memory_space<hbm>>
    %dma_wait3A_1023 = arith.constant 0 : i32
    %dma_wait3A_1024 = arith.constant 0 : i32
    %dma_wait3A_1025 = tpu.memref_slice %arg11[%dma_wait3A_1023, %dma_wait3A_1024] : memref<100x128xf32, #tpu.memory_space<vmem>> -> memref<50x128xf32, #tpu.memory_space<vmem>>
    tpu.wait_dma2 semaphore(%arg19 : memref<!tpu.dma_semaphore, #tpu.memory_space<semaphore_mem>>) src(%dma_wait3A_1025 : memref<50x128xf32, #tpu.memory_space<vmem>>) dst(%dma_wait3A_1022 : memref<50x128xf32, #tpu.memory_space<hbm>>)
    return
  }
}

</mosaic_0001>

<sc_bundles>
// kernel: kernel.3.cloned.1.call-start
scs
__scs_entry_jumppad:
0x0: {  	(pc) =	sbr.rel $0x88, $3  }
0x1: {  	(tag) =	ssettag $0x0;
	lr =	simm.s32 $0x1  }
0x2: {  	[smem:$0x3F9E] =	sst lr;
	_ =	strace $0xD0000000  }
0x3: {  	_ = 	snop  }
0x4: {  	_ = 	snop  }
0x5: {  	_ = 	snop  }
0x6: {  	_ = 	snop  }
0x7: {  	_ = 	snop  }
__scs_overlays_trampoline_lowered:
0x8: {  	[smem:$0x3FAD] =	sst s0  }
0x9: {  	[smem:$0x3FAE] =	sst s1  }
0xa: {  	[smem:$0x3FAF] =	sst s2  }
0xb: {  	[smem:$0x3FB0] =	sst s3  }
0xc: {  	[smem:$0x3FB1] =	sst s4  }
0xd: {  	[smem:$0x3FB2] =	sst s5  }
0xe: {  	[smem:$0x3FB3] =	sst s6  }
0xf: {  	[smem:$0x3FB4] =	sst s7  }
0x10: {  	[smem:$0x3FB5] =	sst s8  }
0x11: {  	[smem:$0x3FB6] =	sst s9;
	s0 =	simm.s32 @!p0 $0x0  }
0x12: {  	s1 =	sld [smem:$0x3F9C];
	s0 =	simm.s32 @p0 $0x1  }
0x13: {  	[smem:$0x3FB7] =	sst s0;
	s0 =	simm.s32 @!p1 $0x0  }
0x14: {  	s2 =	sld [smem:$0x3F9B];
	s0 =	simm.s32 @p1 $0x1  }
0x15: {  	[smem:$0x3FB8] =	sst s0;
	s0 =	simm.s32 @!p2 $0x0  }
0x16: {  	s3 =	sld [smem:$0x3FDB];
	s0 =	simm.s32 @p2 $0x1  }
0x17: {  	s4 =	simm.s32 $0x1BF5;
	[smem:$0x3FBA] =	sst s0  }
0x18: {  	s0 =	sld [smem:$0x3F9D];
	_ =	swait.ge [sflag:s4], $0x0  }
0x19: {  	s7 =	sld [smem:$0x3F9E]  }
0x1a: {  	s8 =	sadd.s32 $0xFFFFE003, lr  }
0x1b: {  	s9 =	sadd.s32 $0xFFFFFEF7, lr;
	s5 =	simm.s32 $0xFFFFFFFF;
	p2 =	slt.u32 s8, $0xFFFFF086  }
0x1c: {  	p1 =	slt.u32 s9, $0xF7A;
	s5 =	simm.s32 @!p2 $0x0  }
0x1d: {  	s5 =	simm.s32 @p1 $0x1;
	p0 =	seq.s32 s7, s2  }
0x1e: {  	s7 =	smul.u32 @!p0 $0xF7A, s2;
	p2 =	seq.s32 @!p0 s5, $0x0  }
0x1f: {  	s9 =	smul.u32 $0xF7A, s1;
	s8 =	simm.s32 @!p0 $0x1BF5;
	p2 =	por !p2, p0  }
0x20: {  	[sflag:s8] =	ssyncset.s32 @!p0 $0xFFFFF086;
	s6 =	sadd.s32 @!p0 s3, s7;
	s7 =	simm.s32 @!p0 $0x108  }
0x21: {  	s3 =	sadd.s32 s3, s9;
	s6 =	sadd.s32 @!p0 $0x88, s6;
	s7 =	simm.s32 @p2 $0x1082  }
0x22: {  	[simem:s7], [sflag:s8] =	dma.local @!p0 [hbm:s6], $0xF7A  }
0x23: {  	s9 =	sor.u32 $0xD0000000, s2;
	s6 =	simm.s32 $0x108;
	_ =	swait.ge @!p0 [sflag:s8], $0x0  }
0x24: {  	s3 =	sadd.s32 $0x88, s3;
	s6 =	simm.s32 @!p1 $0x1082;
	[sflag:s4] =	ssyncset.s32 $0xFFFFF086  }
0x25: {  	[simem:s6], [sflag:s4] =	dma.local [hbm:s3], $0xF7A  }
0x26: {  	[smem:$0x3F9E] =	sst s1;
	(tag) =	ssettag s2;
	_ =	strace s9  }
0x27: {  	s1 =	sld [smem:$0x3FAE]  }
0x28: {  	s2 =	sld [smem:$0x3FAF]  }
0x29: {  	s4 =	sld [smem:$0x3FB1]  }
0x2a: {  	p0 =	seq.s32 s5, $0x0;
	s5 =	sld [smem:$0x3FB2]  }
0x2b: {  	s6 =	sld [smem:$0x3FB3]  }
0x2c: {  	s7 =	sld [smem:$0x3FB4]  }
0x2d: {  	s3 =	simm.s32 $0x108;
	s8 =	sld [smem:$0x3FB5]  }
0x2e: {  	s3 =	simm.s32 @!p0 $0x1082;
	s9 =	sld [smem:$0x3FB6]  }
0x2f: {  	lr =	sadd.s32 s0, s3;
	s0 =	sld [smem:$0x3FAD]  }
0x30: {  	s3 =	sld [smem:$0x3FB0]  }
0x31: {  	[smem:$0x3FB9] =	sst s10  }
0x32: {  	s10 =	sld [smem:$0x3FB7];
	_ =	sdelay $0x3  }
0x33: {  	p0 =	seq.s32 s10, $0x1;
	s10 =	sld [smem:$0x3FB9];
	_ =	sdelay $0x3  }
0x34: {  	[smem:$0x3FB9] =	sst s10  }
0x35: {  	s10 =	sld [smem:$0x3FB8];
	_ =	sdelay $0x3  }
0x36: {  	p1 =	seq.s32 s10, $0x1;
	s10 =	sld [smem:$0x3FB9];
	_ =	sdelay $0x3  }
0x37: {  	[smem:$0x3FB9] =	sst s10  }
0x38: {  	s10 =	sld [smem:$0x3FBA]  }
0x39: {  	_ = 	snop;
	(pc) =	sbr.ind lr, $3  }
0x3a: {  	_ = 	snop  }
0x3b: {  	_ = 	snop  }
0x3c: {  	p2 =	seq.s32 s10, $0x1;
	s10 =	sld [smem:$0x3FB9]  }
0x3d: {  	_ =	shalt  }
0x3e: {  	_ =	shalt  }
0x3f: {  	_ =	shalt  }
0x40: {  	_ =	shalt  }
0x41: {  	_ =	shalt  }
0x42: {  	_ =	shalt  }
0x43: {  	_ =	shalt  }
0x44: {  	_ =	shalt  }
0x45: {  	_ =	shalt  }
0x46: {  	_ =	shalt  }
0x47: {  	_ =	shalt  }
0x48: {  	_ =	shalt  }
0x49: {  	_ =	shalt  }
0x4a: {  	_ =	shalt  }
0x4b: {  	_ =	shalt  }
0x4c: {  	_ =	shalt  }
0x4d: {  	_ =	shalt  }
0x4e: {  	_ =	shalt  }
0x4f: {  	_ =	shalt  }
0x50: {  	_ =	shalt  }
0x51: {  	_ =	shalt  }
0x52: {  	_ =	shalt  }
0x53: {  	_ =	shalt  }
0x54: {  	_ =	shalt  }
0x55: {  	_ =	shalt  }
0x56: {  	_ =	shalt  }
0x57: {  	_ =	shalt  }
0x58: {  	_ =	shalt  }
0x59: {  	_ =	shalt  }
0x5a: {  	_ =	shalt  }
0x5b: {  	_ =	shalt  }
0x5c: {  	_ =	shalt  }
0x5d: {  	_ =	shalt  }
0x5e: {  	_ =	shalt  }
0x5f: {  	_ =	shalt  }
0x60: {  	_ =	shalt  }
0x61: {  	_ =	shalt  }
0x62: {  	_ =	shalt  }
0x63: {  	_ =	shalt  }
0x64: {  	_ =	shalt  }
0x65: {  	_ =	shalt  }
0x66: {  	_ =	shalt  }
0x67: {  	_ =	shalt  }
0x68: {  	_ =	shalt  }
0x69: {  	_ =	shalt  }
0x6a: {  	_ =	shalt  }
0x6b: {  	_ =	shalt  }
0x6c: {  	_ =	shalt  }
0x6d: {  	_ =	shalt  }
0x6e: {  	_ =	shalt  }
0x6f: {  	_ =	shalt  }
0x70: {  	_ =	shalt  }
0x71: {  	_ =	shalt  }
0x72: {  	_ =	shalt  }
0x73: {  	_ =	shalt  }
0x74: {  	_ =	shalt  }
0x75: {  	_ =	shalt  }
0x76: {  	_ =	shalt  }
0x77: {  	_ =	shalt  }
0x78: {  	_ =	shalt  }
0x79: {  	_ =	shalt  }
0x7a: {  	_ =	shalt  }
0x7b: {  	_ =	shalt  }
0x7c: {  	_ =	shalt  }
0x7d: {  	_ =	shalt  }
0x7e: {  	_ =	shalt  }
0x7f: {  	_ =	shalt  }
0x80: {  	_ =	shalt  }
0x81: {  	_ =	shalt  }
0x82: {  	_ =	shalt  }
0x83: {  	_ =	shalt  }
0x84: {  	_ =	shalt  }
0x85: {  	_ =	shalt  }
0x86: {  	_ =	shalt  }
0x87: {  	_ =	shalt  }
.Lfunc_end0:
.L_simem_size_0:
called_computation_lowered:
.L_overlay_start_0:
0x88: {  	s2 =	sld [smem:$0x3FD9]  }
0x89: {  	s3 =	sld [smem:$0x3FFE];
	_ =	sdelay $0x1  }
0x8a: {  	s1 =	srdreg.scid  }
0x8b: {  	s0 =	sand.u32 $0x1, s1  }
0x8c: {  	s17 =	sshll.u32 s0, $0xA;
	s2 =	sadd.s32 s3, s2  }
0x8d: {  	s2 =	sadd.s32 s2, s17  }
0x8e: {  	[smem:$0x3FC5] =	sst s2  }
0x8f: {  	_ = 	snop  }
0x90: {  	s2 =	sld [smem:$0x3FC8]  }
0x91: {  	s18 =	sld [smem:$0x3FC7]  }
0x92: {  	s4 =	sld [smem:$0x3FD0];
	(tm) =	ssettm $0x1  }
0x93: {  	s5 =	sld [smem:$0x3FFB];
	_ =	sdelay $0x3  }
0x94: {  	_ =	strace s5  }
0x95: {  	s5 =	sld [smem:$0x3FFC];
	_ =	sdelay $0x3  }
0x96: {  	_ =	strace s5  }
0x97: {  	s5 =	sld [smem:$0x3FFD];
	_ =	sdelay $0x3  }
0x98: {  	_ =	strace s5  }
0x99: {  	_ =	strace $0x8FFFFFFF  }
0x9a: {  	s19 =	sld [smem:$0x3FDB];
	_ =	sdelay $0x1  }
0x9b: {  	s6 =	simm.s32 $_scs_section_size  }
0x9c: {  	s7 =	simm.s32 $_size__tile_overlayer_lowered;
	s8 =	simm.s32 $_tile_overlayer_lowered  }
0x9d: {  	s22 =	simm.s32 $0x1BFF;
	s21 =	sshll.u32 s8, $0x1;
	s5 =	sadd.s32 s6, s19  }
0x9e: {  	s9 =	simm.s32 $0x0;
	s20 =	sshll.u32 s7, $0x1;
	s7 =	sadd.s32 s21, s5  }
0x9f: {  	[timem:s9], [sflag:s22] =	dma.local [hbm:s7], s20  }
0xa0: {  	_ =	swait.ge [sflag:s22], s20  }
0xa1: {  	s6 =	ssub.s32 $0x0, s20;
	[sflag:s22] =	ssyncset.done $0x0  }
0xa2: {  	[sflag:s22] =	ssyncadd.s32 s6;
	_ =	sdelay $0x1  }
0xa3: {  	s23 =	simm.s32 $0x1B8B  }
0xa4: {  	_ =	swait.ge [sflag:s23], $0x1  }
0xa5: {  	[sflag:s23] =	ssyncset.done $0x0  }
0xa6: {  	s25 =	simm.s32 $0x1B8E;
	s24 =	sld [smem:$0x3FFE];
	[sflag:s23] =	ssyncadd.s32 $0xFFFFFFFF  }
0xa7: {  	s26 =	simm.s32 $execute0_lowered;
	[smem:$0x3FD2] =	sst s25  }
0xa8: {  	s7 =	sshll.u32 s26, $0x1;
	_ =	strace $0x80000046;
	[dreg:$0x1] =	wrdreg $0xFFFFFFFF  }
0xa9: {  	s28 =	simm.s32 $_size_execute0_lowered;
	s5 =	sadd.s32 s5, s7;
	[dreg:$0x0] =	wrdreg $0x0  }
0xaa: {  	s7 =	sshll.u32 s28, $0x1;
	[dreg:$0x2] =	wrdreg s5  }
0xab: {  	[dreg:$0x3] =	wrdreg s7  }
0xac: {  	[dreg:$0x4] =	wrdreg $0xC0  }
0xad: {  	_ =	task [dreg:s9], $0x5FFFF  }
0xae: {  	[dreg:$0x1] =	wrdreg $0xFFFFFFFF  }
0xaf: {  	[dreg:$0x0] =	wrdreg $0x60  }
0xb0: {  	[dreg:$0x2] =	wrdreg s4  }
0xb1: {  	[dreg:$0x3] =	wrdreg s2  }
0xb2: {  	[dreg:$0x4] =	wrdreg s18  }
0xb3: {  	[dreg:$0x5] =	wrdreg s24  }
0xb4: {  	[dreg:$0x6] =	wrdreg $0x24000  }
0xb5: {  	[dreg:$0x7] =	wrdreg $0x9  }
0xb6: {  	_ =	task.clear_ibuf [dreg:s9], $0x8FFFF;
	_ =	strace $0x90000046  }
0xb7: {  	s29 =	simm.s32 $0x9;
	_ =	strace $0x80000048  }
0xb8: {  	_ =	swait.ge [sflag:s29], $0x1  }
0xb9: {  	[sflag:s29] =	ssyncadd.s32 $0xFFFFFFFF  }
0xba: {  	_ =	strace $0x90000048  }
0xbb: {  	_ =	sfence  }
0xbc: {  	s30 =	sld [smem:$0x0];
	_ =	sdelay $0x2  }
0xbd: {  	s31 =	sshll.u32 s1, $0xD;
	s1 =	sshrl.u32 s1, $0x2  }
0xbe: {  	s3 =	sand.u32 $0x4000, s31;
	s1 =	sadd.s32 s1, s30  }
0xbf: {  	s0 =	sor.u32 s3, s0;
	s1 =	sshll.u32 s1, $0x11  }
0xc0: {  	s0 =	sor.u32 s1, s0  }
0xc1: {  	s0 =	sadd.s32 $0x8F2B, s0  }
0xc2: {  	[sflag:s0] =	ssyncadd.remote.s32 $0x1  }
0xc3: {  	_ =	sfence.sel $0xFFFF  }
0xc4: {  	[dreg:$0x0] =	wrdreg $0xFFFFFFFF;
	(pc) =	sbr.abs _section_cstart, $3  }
0xc5: {  	[dreg:$0x1] =	wrdreg $0xFFFFFFFF  }
0xc6: {  	_ =	task.clear_ibuf [dreg:s9], $0x2FFFF;
	_ =	strace $0x9FFFFFFF  }
0xc7: {  	(tm) =	ssettm $0x7FFFFFFF  }
tec
execute0_lowered:
.L_overlay_start_1:
0x0: {  	(tag) =	ssettag $0x1  }
0x1: {  	s0 =	rddreg [dreg:$0x0]  }
0x2: {  	s1 =	rddreg [dreg:$0x1]  }
0x3: {  	s2 =	rddreg [dreg:$0x3]  }
0x4: {  	s3 =	rddreg [dreg:$0x4];
	s5 =	srdreg.scid  }
0x5: {  	s4 =	simm.s32 $0x0;
	s7 =	stileid.u32;
	s28 =	simm.s32 $0x5820  }
0x6: {  	s30 =	simm.s32 $0x8C20;
	s29 =	simm.s32 $0x2;
	s5 =	sand.u32 $0x1, s5  }
0x7: {  	[smem:$0x7FF] =	sst s4;
	s8 =	sshll.u32 s7, $0x1;
	s6 =	ssub.s32 $0x2, s5  }
0x8: {  	_ =	strace $0x80000047;
	s8 =	sor.u32 s5, s8;
	s5 =	sadd.s32 $0x400, s2  }
0x9: {  	s2 =	sadd.s32 $0x780, s2;
	s9 =	sshrl.u32 s6, $0x1;
	s10 =	smul.u32 $0xE0000, s8  }
0xa: {  	s11 =	sshll.u32 s8, $0xA;
	[dreg:$0x7] =	wrdreg s2;
	s9 =	ssub.s32 s6, s9  }
0xb: {  	s6 =	sshll.u32 s8, $0x7;
	s8 =	smul.u32 $0x1C000, s8;
	s0 =	sadd.s32 s0, s11  }
0xc: {  	s31 =	simm.s32 $0xC020;
	[dreg:$0x6] =	wrdreg s0;
	s26 =	smax.u32 s9, $0x1  }
0xd: {  	s12 =	simm.s32 $0x8;
	s2 =	sadd.s32 s8, s2;
	[dreg:$0x10] =	wrdreg s26  }
0xe: {  	p0 =	sne.s32 s7, $0x0;
	s20 =	sadd.s32 s5, s8;
	[dreg:$0x9] =	wrdreg s2  }
0xf: {  	s19 =	sshrl.u32 s10, $0x3;
	s21 =	sadd.s32 $0x700, s20;
	[dreg:$0x8] =	wrdreg s20  }
0x10: {  	s0 =	sadd.s32 s5, s19;
	s22 =	sadd.s32 $0xA80, s20;
	[dreg:$0xa] =	wrdreg s21  }
0x11: {  	s11 =	simm.s32 $0x7;
	s23 =	sadd.s32 $0x1B200, s0;
	[dreg:$0xb] =	wrdreg s22  }
0x12: {  	s10 =	simm.s32 $0x6;
	s24 =	sadd.s32 $0x1B580, s0;
	[dreg:$0xc] =	wrdreg s23  }
.Ltmp0:
0x13: {  	s25 =	sadd.s32 $0x1B900, s0;
	[dreg:$0xd] =	wrdreg s24;
	(pc) =	sbr.rel .LBB2_1-.Ltmp0, $4  }
0x14: {  	s26 =	simm.s32 $0x4;
	s0 =	sadd.s32 $0x1BC80, s0;
	[dreg:$0xe] =	wrdreg s25  }
0x15: {  	s8 =	simm.s32 $0x0;
	s20 =	simm.s32 $0x64;
	[dreg:$0xf] =	wrdreg s0  }
0x16: {  	s0 =	sshrl.u32 @!p0 s3, $0x3;
	s23 =	simm.s32 $0x1;
	s24 =	simm.s32 $0x2420  }
0x17: {  	v0 =	vimm.s32 $0x0;
	s21 =	simm.s32 $0x5;
	[dreg:$0x11] =	wrdreg s0;
	s0 =	simm.s32 $0x3  }
.LBB2_35:
0x18: {  	s2 =	rddreg [dreg:$0xe]  }
0x19: {  	[hbm4b:s2+s4] =	stream.linear.scatter [tilespmem:s31], [sflag:$0x8], $0x1900, $0x38;
	[tilespmem:$0xF420] =	vst v63  }
0x1a: {  	s22 =	rddreg [dreg:$0xf];
	s7 =	simm.s32 $0xD920  }
0x1b: {  	[hbm4b:s22+s4] =	stream.linear.scatter [tilespmem:s7], [sflag:$0x8], $0x1900, $0x38;
	[tilespmem:$0xF420] =	vst v63  }
0x1c: {  	_ =	swait.ge [sflag:s21], $0x1900  }
0x1d: {  	[sflag:s21] =	ssyncset.done $0x0  }
0x1e: {  	[sflag:s21] =	ssyncadd.s32 $0xFFFFE700  }
0x1f: {  	_ =	swait.ge [sflag:s21], $0x1900  }
0x20: {  	[sflag:s21] =	ssyncset.done $0x0  }
0x21: {  	[sflag:s21] =	ssyncadd.s32 $0xFFFFE700  }
0x22: {  	_ =	swait.ge [sflag:s10], $0x1900  }
0x23: {  	[sflag:s10] =	ssyncset.done $0x0  }
0x24: {  	[sflag:s10] =	ssyncadd.s32 $0xFFFFE700  }
0x25: {  	_ =	swait.ge [sflag:s10], $0x1900  }
0x26: {  	[sflag:s10] =	ssyncset.done $0x0  }
0x27: {  	[sflag:s10] =	ssyncadd.s32 $0xFFFFE700  }
0x28: {  	_ =	swait.ge [sflag:s11], $0x1900  }
0x29: {  	[sflag:s11] =	ssyncset.done $0x0  }
0x2a: {  	[sflag:s11] =	ssyncadd.s32 $0xFFFFE700  }
0x2b: {  	_ =	swait.ge [sflag:s11], $0x1900  }
0x2c: {  	[sflag:s11] =	ssyncset.done $0x0  }
0x2d: {  	[sflag:s11] =	ssyncadd.s32 $0xFFFFE700  }
0x2e: {  	_ =	swait.ge [sflag:s12], $0x1900  }
0x2f: {  	[sflag:s12] =	ssyncset.done $0x0  }
0x30: {  	[sflag:s12] =	ssyncadd.s32 $0xFFFFE700  }
0x31: {  	_ =	swait.ge [sflag:s12], $0x1900  }
0x32: {  	s8 =	sadd.s32 $0x1, s8;
	s25 =	rddreg [dreg:$0x10]  }
0x33: {  	p1 =	sne.s32 s8, s25  }
.Ltmp1:
0x34: {  	_ = 	snop;
	(pc) =	sbr.rel @!p1 .LBB2_36-.Ltmp1, $3  }
0x35: {  	_ =	sdelay $0x1  }
0x36: {  	[sflag:s12] =	ssyncset.done $0x0  }
0x37: {  	[sflag:s12] =	ssyncadd.s32 $0xFFFFE700  }
.LBB2_1:
0x38: {  	[dreg:$0x12] =	wrdreg s8  }
0x39: {  	s2 =	rddreg [dreg:$0x6];
	s15 =	simm.s32 $0x9  }
0x3a: {  	[tilespmem:s4], [sflag:$0x9] =	stream.linear.gather [hbm4b:s2+s4], $0x2000, $0x38;
	[tilespmem:$0xF420] =	vst v63  }
0x3b: {  	_ =	swait.ge [sflag:s15], $0x2000  }
0x3c: {  	[sflag:s15] =	ssyncset.done $0x0  }
0x3d: {  	s8 =	rddreg [dreg:$0x11];
	[sflag:s15] =	ssyncadd.s32 $0xFFFFE000  }
0x3e: {  	s2 =	simm.s32 @!p0 $0x1C09;
	s7 =	rddreg [dreg:$0x2]  }
0x3f: {  	[spmem:s8], [sflag:s2] =	dma.local @!p0 [hbm:s7], $0x40  }
0x40: {  	s2 =	simm.s32 @!p0 $0x9  }
0x41: {  	_ =	swait.ge @!p0 [sflag:s2], $0x40  }
0x42: {  	[sflag:s2] =	ssyncset.done @!p0 $0x0  }
0x43: {  	[sflag:s2] =	ssyncadd.s32 @!p0 $0xFFFFFFC0  }
0x44: {  	[bflag:$0x0] =	sbarrier.arrive $0xFFFF  }
0x45: {  	[tilespmem:s24], [sflag:$0x1] =	stream.indirect.gather [hbm4b:s1+s20], $0x80, s4, s20, $0xb8;
	[tilespmem:$0xF420] =	vst v63  }
0x46: {  	s16 =	simm.s32 $0x80  }
0x47: {  	[tilespmem:s28], [sflag:$0x2] =	stream.indirect.gather [hbm4b:s1+s20], $0x80, s16, s20, $0xb8;
	[tilespmem:$0xF420] =	vst v63  }
0x48: {  	_ =	swait.ge [sflag:s23], $0x3200  }
0x49: {  	[sflag:s23] =	ssyncset.done $0x0  }
0x4a: {  	[sflag:s23] =	ssyncadd.s32 $0xFFFFCE00  }
0x4b: {  	v1 =	vld [tilespmem:$0x0]  }
0x4c: {  	v2 =	vld [tilespmem:$0x10]  }
0x4d: {  	v3 =	vld [tilespmem:$0x20]  }
0x4e: {  	v4 =	vld [tilespmem:$0x30]  }
0x4f: {  	v5 =	vld [tilespmem:$0x40]  }
0x50: {  	v6 =	vld [tilespmem:$0x50]  }
0x51: {  	vm0 =	vlt.u32 v1, $0x4;
	vm1 =	vlt.u32 v2, $0x4;
	v1 =	vld [tilespmem:$0x54]  }
0x52: {  	vm11 =	vlt.u32 v3, $0x4;
	v2 =	vsel vm0, $0x1, v0;
	v7 =	vsel vm1, $0x1, v0  }
0x53: {  	vm12 =	vlt.u32 v4, $0x4;
	v3 =	vsel vm11, $0x1, v0;
	v2 =	vadd.s32 v2, v7  }
0x54: {  	vm13 =	vlt.u32 v5, $0x4;
	v2 =	vadd.s32 v3, v2;
	v3 =	vsel vm12, $0x1, v0  }
0x55: {  	vm14 =	vlt.u32 v6, $0x4;
	v2 =	vadd.s32 v3, v2;
	v3 =	vsel vm13, $0x1, v0  }
0x56: {  	v2 =	vadd.s32 v3, v2;
	v3 =	vsel vm14, $0x1, v0;
	vm15 =	vlt.u32 v1, $0x4  }
0x57: {  	v1 =	vadd.s32 v3, v2;
	v2 =	vsel vm15, $0x1, v0  }
0x58: {  	v1 =	vadd.s32 v2, v1  }
0x59: {  	(v2sf) =	vpush v1, $0x0  }
0x5a: {  	(v2sf) =	vpush v1, $0x1  }
0x5b: {  	(v2sf) =	vpush v1, $0x2  }
0x5c: {  	(v2sf) =	vpush v1, $0x3  }
0x5d: {  	(v2sf) =	vpush v1, $0x4  }
0x5e: {  	(v2sf) =	vpush v1, $0x5  }
0x5f: {  	(v2sf) =	vpush v1, $0x6  }
0x60: {  	(v2sf) =	vpush v1, $0x7  }
0x61: {  	(v2sf) =	vpush v1, $0x8  }
0x62: {  	(v2sf) =	vpush v1, $0x9  }
0x63: {  	(v2sf) =	vpush v1, $0xA  }
0x64: {  	(v2sf) =	vpush v1, $0xB  }
0x65: {  	(v2sf) =	vpush v1, $0xC  }
0x66: {  	(v2sf) =	vpush v1, $0xD  }
0x67: {  	(v2sf) =	vpush v1, $0xE  }
0x68: {  	s17 =	spop (v2sf);
	(v2sf) =	vpush v1, $0xF  }
0x69: {  	s18 =	spop (v2sf)  }
0x6a: {  	s2 =	sadd.s32 s18, s17;
	s19 =	spop (v2sf)  }
0x6b: {  	s2 =	sadd.s32 s19, s2;
	s22 =	spop (v2sf)  }
0x6c: {  	s2 =	sadd.s32 s22, s2;
	s25 =	spop (v2sf)  }
0x6d: {  	s2 =	sadd.s32 s25, s2;
	s8 =	spop (v2sf)  }
0x6e: {  	s2 =	sadd.s32 s8, s2;
	s9 =	spop (v2sf)  }
0x6f: {  	s2 =	sadd.s32 s9, s2;
	s13 =	spop (v2sf)  }
0x70: {  	s2 =	sadd.s32 s13, s2;
	s14 =	spop (v2sf)  }
0x71: {  	s2 =	sadd.s32 s14, s2;
	s15 =	spop (v2sf)  }
0x72: {  	s2 =	sadd.s32 s15, s2;
	s16 =	spop (v2sf)  }
0x73: {  	s2 =	sadd.s32 s16, s2;
	s17 =	spop (v2sf)  }
0x74: {  	s2 =	sadd.s32 s17, s2;
	s18 =	spop (v2sf)  }
0x75: {  	s2 =	sadd.s32 s18, s2;
	s19 =	spop (v2sf)  }
0x76: {  	s2 =	sadd.s32 s19, s2;
	s22 =	spop (v2sf)  }
0x77: {  	s2 =	sadd.s32 s22, s2;
	s25 =	spop (v2sf)  }
0x78: {  	s2 =	sadd.s32 s25, s2  }
0x79: {  	p1 =	slt.s32 s2, $0x1  }
.Ltmp2:
0x7a: {  	_ = 	snop;
	(pc) =	sbr.rel @p1 .LBB2_5-.Ltmp2, $1  }
0x7b: {  	_ =	sdelay $0x3  }
0x7c: {  	s2 =	simm.s32 $0x0  }
0x7d: {  	v1 =	vld [tilespmem:s2+$0x0];
	_ =	sdelay $0x4  }
0x7e: {  	(v2sf) =	vpush v1, $0x0;
	_ =	sdelay $0xe  }
0x7f: {  	s2 =	spop (v2sf)  }
0x80: {  	p2 =	sgt.u32 s2, $0x3  }
0x81: {  	s2 =	sshll.u32 @!p2 s2, $0x7  }
0x82: {  	s2 =	sand.u32 @!p2 $0x3FFFFF80, s2  }
0x83: {  	s8 =	simm.s32 @!p2 $0x9;
	s2 =	sadd.s32 @!p2 s2, s3  }
0x84: {  	[tilespmem:s24], [sflag:$0x9] =	stream.linear.gather @!p2 [spmem:s2], $0x80, $0x38;
	[tilespmem:$0xF420] =	vst v63  }
0x85: {  	s7 =	simm.s32 $0x4;
	_ =	swait.ge @!p2 [sflag:s8], $0x80  }
0x86: {  	s9 =	simm.s32 $0x8;
	s2 =	simm.s32 $0x24A0;
	[sflag:s8] =	ssyncset.done @!p2 $0x0  }
.LBB2_3:
0x87: {  	s13 =	sshra.s32 s7, $0x2  }
0x88: {  	[sflag:s8] =	ssyncadd.s32 @!p2 $0xFFFFFF80;
	s7 =	smov.u32 s9;
	s9 =	sadd.s32 $0x4, s9  }
0x89: {  	p1 =	sne.s32 s9, $0x190;
	v1 =	vld [tilespmem:s13+$0x0];
	_ =	sdelay $0x4  }
0x8a: {  	(v2sf) =	vpush v1, $0x0;
	_ =	sdelay $0xe  }
0x8b: {  	s8 =	spop (v2sf)  }
0x8c: {  	p2 =	sgt.u32 s8, $0x3  }
0x8d: {  	s8 =	sshll.u32 @!p2 s8, $0x7  }
.Ltmp3:
0x8e: {  	s8 =	sand.u32 @!p2 $0x3FFFFF80, s8;
	(pc) =	sbr.rel @p1 .LBB2_3-.Ltmp3, $4  }
0x8f: {  	s13 =	sadd.s32 @!p2 s8, s3;
	s8 =	simm.s32 @!p2 $0x9  }
0x90: {  	[tilespmem:s2], [sflag:$0x9] =	stream.linear.gather @!p2 [spmem:s13], $0x80, $0x38;
	[tilespmem:$0xF420] =	vst v63  }
0x91: {  	_ =	swait.ge @!p2 [sflag:s8], $0x80  }
0x92: {  	s2 =	sadd.s32 $0x80, s2;
	[sflag:s8] =	ssyncset.done @!p2 $0x0  }
0x93: {  	s7 =	sshra.s32 s7, $0x2;
	[sflag:s8] =	ssyncadd.s32 @!p2 $0xFFFFFF80  }
0x94: {  	v1 =	vld [tilespmem:s7+$0x0];
	_ =	sdelay $0x4  }
0x95: {  	(v2sf) =	vpush v1, $0x0;
	_ =	sdelay $0xe  }
0x96: {  	s7 =	spop (v2sf)  }
0x97: {  	p1 =	sgt.u32 s7, $0x3  }
0x98: {  	s7 =	sshll.u32 @!p1 s7, $0x7  }
0x99: {  	s7 =	sand.u32 @!p1 $0x3FFFFF80, s7  }
0x9a: {  	s8 =	simm.s32 @!p1 $0x9;
	s7 =	sadd.s32 @!p1 s7, s3  }
0x9b: {  	[tilespmem:s2], [sflag:$0x9] =	stream.linear.gather @!p1 [spmem:s7], $0x80, $0x38;
	[tilespmem:$0xF420] =	vst v63  }
0x9c: {  	_ =	swait.ge @!p1 [sflag:s8], $0x80  }
0x9d: {  	[sflag:s8] =	ssyncset.done @!p1 $0x0  }
0x9e: {  	[sflag:s8] =	ssyncadd.s32 @!p1 $0xFFFFFF80  }
.LBB2_5:
0x9f: {  	s14 =	simm.s32 $0x0;
	s2 =	rddreg [dreg:$0x8]  }
0xa0: {  	[hbm4b:s2+s14] =	stream.linear.scatter [tilespmem:s24], [sflag:$0x5], $0x1900, $0x38;
	[tilespmem:$0xF420] =	vst v63  }
0xa1: {  	s13 =	rddreg [dreg:$0x9];
	s7 =	simm.s32 $0x3D20  }
0xa2: {  	[hbm4b:s13+s14] =	stream.linear.scatter [tilespmem:s7], [sflag:$0x5], $0x1900, $0x38;
	[tilespmem:$0xF420] =	vst v63  }
0xa3: {  	s15 =	simm.s32 $0x100  }
0xa4: {  	[tilespmem:s30], [sflag:$0x3] =	stream.indirect.gather [hbm4b:s1+s20], $0x80, s15, s20, $0xb8;
	[tilespmem:$0xF420] =	vst v63  }
0xa5: {  	_ =	swait.ge [sflag:s29], $0x3200  }
0xa6: {  	[sflag:s29] =	ssyncset.done $0x0  }
0xa7: {  	[sflag:s29] =	ssyncadd.s32 $0xFFFFCE00  }
0xa8: {  	v1 =	vld [tilespmem:$0x80]  }
0xa9: {  	v2 =	vld [tilespmem:$0x90]  }
0xaa: {  	v3 =	vld [tilespmem:$0xA0]  }
0xab: {  	v4 =	vld [tilespmem:$0xB0]  }
0xac: {  	v5 =	vld [tilespmem:$0xC0]  }
0xad: {  	v6 =	vld [tilespmem:$0xD0]  }
0xae: {  	vm0 =	vlt.u32 v1, $0x4;
	vm1 =	vlt.u32 v2, $0x4;
	v1 =	vld [tilespmem:$0xD4]  }
0xaf: {  	vm11 =	vlt.u32 v3, $0x4;
	v2 =	vsel vm0, $0x1, v0;
	v7 =	vsel vm1, $0x1, v0  }
0xb0: {  	vm12 =	vlt.u32 v4, $0x4;
	v3 =	vsel vm11, $0x1, v0;
	v2 =	vadd.s32 v2, v7  }
0xb1: {  	vm13 =	vlt.u32 v5, $0x4;
	v2 =	vadd.s32 v3, v2;
	v3 =	vsel vm12, $0x1, v0  }
0xb2: {  	vm14 =	vlt.u32 v6, $0x4;
	v2 =	vadd.s32 v3, v2;
	v3 =	vsel vm13, $0x1, v0  }
0xb3: {  	v2 =	vadd.s32 v3, v2;
	v3 =	vsel vm14, $0x1, v0;
	vm15 =	vlt.u32 v1, $0x4  }
0xb4: {  	v1 =	vadd.s32 v3, v2;
	v2 =	vsel vm15, $0x1, v0  }
0xb5: {  	v1 =	vadd.s32 v2, v1  }
0xb6: {  	(v2sf) =	vpush v1, $0x0  }
0xb7: {  	(v2sf) =	vpush v1, $0x1  }
0xb8: {  	(v2sf) =	vpush v1, $0x2  }
0xb9: {  	(v2sf) =	vpush v1, $0x3  }
0xba: {  	(v2sf) =	vpush v1, $0x4  }
0xbb: {  	(v2sf) =	vpush v1, $0x5  }
0xbc: {  	(v2sf) =	vpush v1, $0x6  }
0xbd: {  	(v2sf) =	vpush v1, $0x7  }
0xbe: {  	(v2sf) =	vpush v1, $0x8  }
0xbf: {  	(v2sf) =	vpush v1, $0x9  }
0xc0: {  	(v2sf) =	vpush v1, $0xA  }
0xc1: {  	(v2sf) =	vpush v1, $0xB  }
0xc2: {  	(v2sf) =	vpush v1, $0xC  }
0xc3: {  	(v2sf) =	vpush v1, $0xD  }
0xc4: {  	(v2sf) =	vpush v1, $0xE  }
0xc5: {  	s16 =	spop (v2sf);
	(v2sf) =	vpush v1, $0xF  }
0xc6: {  	s17 =	spop (v2sf)  }
0xc7: {  	s2 =	sadd.s32 s17, s16;
	s18 =	spop (v2sf)  }
0xc8: {  	s2 =	sadd.s32 s18, s2;
	s19 =	spop (v2sf)  }
0xc9: {  	s2 =	sadd.s32 s19, s2;
	s22 =	spop (v2sf)  }
0xca: {  	s2 =	sadd.s32 s22, s2;
	s25 =	spop (v2sf)  }
0xcb: {  	s2 =	sadd.s32 s25, s2;
	s8 =	spop (v2sf)  }
0xcc: {  	s2 =	sadd.s32 s8, s2;
	s9 =	spop (v2sf)  }
0xcd: {  	s2 =	sadd.s32 s9, s2;
	s13 =	spop (v2sf)  }
0xce: {  	s2 =	sadd.s32 s13, s2;
	s15 =	spop (v2sf)  }
0xcf: {  	s2 =	sadd.s32 s15, s2;
	s16 =	spop (v2sf)  }
0xd0: {  	s2 =	sadd.s32 s16, s2;
	s17 =	spop (v2sf)  }
0xd1: {  	s2 =	sadd.s32 s17, s2;
	s18 =	spop (v2sf)  }
0xd2: {  	s2 =	sadd.s32 s18, s2;
	s19 =	spop (v2sf)  }
0xd3: {  	s2 =	sadd.s32 s19, s2;
	s22 =	spop (v2sf)  }
0xd4: {  	s2 =	sadd.s32 s22, s2;
	s25 =	spop (v2sf)  }
0xd5: {  	s2 =	sadd.s32 s25, s2  }
0xd6: {  	p1 =	slt.s32 s2, $0x1  }
.Ltmp4:
0xd7: {  	_ = 	snop;
	(pc) =	sbr.rel @p1 .LBB2_9-.Ltmp4, $2  }
0xd8: {  	_ =	sdelay $0x2  }
0xd9: {  	s2 =	simm.s32 $0x5820  }
0xda: {  	s7 =	simm.s32 $0x0  }
0xdb: {  	v1 =	vld [tilespmem:s7+$0x80];
	_ =	sdelay $0x4  }
0xdc: {  	(v2sf) =	vpush v1, $0x0;
	_ =	sdelay $0xe  }
0xdd: {  	s7 =	spop (v2sf)  }
0xde: {  	p2 =	sgt.u32 s7, $0x3  }
0xdf: {  	s7 =	sshll.u32 @!p2 s7, $0x7  }
0xe0: {  	s7 =	sand.u32 @!p2 $0x3FFFFF80, s7  }
0xe1: {  	s8 =	simm.s32 @!p2 $0x9;
	s7 =	sadd.s32 @!p2 s7, s3  }
0xe2: {  	[tilespmem:s2], [sflag:$0x9] =	stream.linear.gather @!p2 [spmem:s7], $0x80, $0x38;
	[tilespmem:$0xF420] =	vst v63  }
0xe3: {  	s9 =	simm.s32 $0x8;
	_ =	swait.ge @!p2 [sflag:s8], $0x80  }
0xe4: {  	s7 =	simm.s32 $0x4;
	s2 =	simm.s32 $0x58A0;
	[sflag:s8] =	ssyncset.done @!p2 $0x0  }
.LBB2_7:
0xe5: {  	s13 =	sshra.s32 s7, $0x2  }
0xe6: {  	[sflag:s8] =	ssyncadd.s32 @!p2 $0xFFFFFF80;
	s7 =	smov.u32 s9;
	s9 =	sadd.s32 $0x4, s9  }
0xe7: {  	p1 =	sne.s32 s9, $0x190;
	v1 =	vld [tilespmem:s13+$0x80];
	_ =	sdelay $0x4  }
0xe8: {  	(v2sf) =	vpush v1, $0x0;
	_ =	sdelay $0xe  }
0xe9: {  	s8 =	spop (v2sf)  }
0xea: {  	p2 =	sgt.u32 s8, $0x3  }
0xeb: {  	s8 =	sshll.u32 @!p2 s8, $0x7  }
.Ltmp5:
0xec: {  	s8 =	sand.u32 @!p2 $0x3FFFFF80, s8;
	(pc) =	sbr.rel @p1 .LBB2_7-.Ltmp5, $4  }
0xed: {  	s13 =	sadd.s32 @!p2 s8, s3;
	s8 =	simm.s32 @!p2 $0x9  }
0xee: {  	[tilespmem:s2], [sflag:$0x9] =	stream.linear.gather @!p2 [spmem:s13], $0x80, $0x38;
	[tilespmem:$0xF420] =	vst v63  }
0xef: {  	_ =	swait.ge @!p2 [sflag:s8], $0x80  }
0xf0: {  	s2 =	sadd.s32 $0x80, s2;
	[sflag:s8] =	ssyncset.done @!p2 $0x0  }
0xf1: {  	s7 =	sshra.s32 s7, $0x2;
	[sflag:s8] =	ssyncadd.s32 @!p2 $0xFFFFFF80  }
0xf2: {  	v1 =	vld [tilespmem:s7+$0x80];
	_ =	sdelay $0x4  }
0xf3: {  	(v2sf) =	vpush v1, $0x0;
	_ =	sdelay $0xe  }
0xf4: {  	s7 =	spop (v2sf)  }
0xf5: {  	p1 =	sgt.u32 s7, $0x3  }
0xf6: {  	s7 =	sshll.u32 @!p1 s7, $0x7  }
0xf7: {  	s7 =	sand.u32 @!p1 $0x3FFFFF80, s7  }
0xf8: {  	s8 =	simm.s32 @!p1 $0x9;
	s7 =	sadd.s32 @!p1 s7, s3  }
0xf9: {  	[tilespmem:s2], [sflag:$0x9] =	stream.linear.gather @!p1 [spmem:s7], $0x80, $0x38;
	[tilespmem:$0xF420] =	vst v63  }
0xfa: {  	_ =	swait.ge @!p1 [sflag:s8], $0x80  }
0xfb: {  	[sflag:s8] =	ssyncset.done @!p1 $0x0  }
0xfc: {  	[sflag:s8] =	ssyncadd.s32 @!p1 $0xFFFFFF80  }
.LBB2_9:
0xfd: {  	s2 =	rddreg [dreg:$0xa]  }
0xfe: {  	[hbm4b:s2+s14] =	stream.linear.scatter [tilespmem:s28], [sflag:$0x6], $0x1900, $0x38;
	[tilespmem:$0xF420] =	vst v63  }
.Ltmp6:
0xff: {  	_ = 	snop;
	(pc) =	sbr.rel .LBB2_10-.Ltmp6, $4  }
0x100: {  	s25 =	rddreg [dreg:$0xb];
	s7 =	simm.s32 $0x7120;
	s15 =	simm.s32 $0x180  }
0x101: {  	[hbm4b:s25+s14] =	stream.linear.scatter [tilespmem:s7], [sflag:$0x6], $0x1900, $0x38;
	[tilespmem:$0xF420] =	vst v63  }
0x102: {  	s16 =	simm.s32 $0x100;
	s17 =	simm.s32 $0x200;
	s19 =	simm.s32 $0x280  }
0x103: {  	[tilespmem:s31], [sflag:$0x4] =	stream.indirect.gather [hbm4b:s1+s20], $0x80, s15, s20, $0xb8;
	[tilespmem:$0xF420] =	vst v63  }
.LBB2_26:
0x104: {  	s2 =	sshll.u32 s9, $0x1  }
0x105: {  	s2 =	sadd.s32 s6, s2  }
0x106: {  	s7 =	smul.u32 $0x380, s2  }
0x107: {  	s2 =	smul.u32 $0x1C00, s2;
	_ =	sdelay $0x1  }
0x108: {  	s7 =	sadd.s32 s5, s7;
	s2 =	sshrl.u32 s2, $0x3  }
0x109: {  	[hbm4b:s7+s4] =	stream.linear.scatter [tilespmem:s28], [sflag:$0x6], $0x1900, $0x38;
	[tilespmem:$0xF420] =	vst v63  }
0x10a: {  	s2 =	sadd.s32 s5, s2  }
0x10b: {  	s22 =	simm.s32 $0x7120;
	s2 =	sadd.s32 $0x380, s2  }
0x10c: {  	[hbm4b:s2+s4] =	stream.linear.scatter [tilespmem:s22], [sflag:$0x6], $0x1900, $0x38;
	[tilespmem:$0xF420] =	vst v63  }
0x10d: {  	s14 =	sadd.s32 $0x1, s14;
	_ =	swait.ge [sflag:s12], $0x1900  }
0x10e: {  	p1 =	sne.s32 s14, $0xF;
	[sflag:s12] =	ssyncset.done $0x0  }
.Ltmp7:
0x10f: {  	[sflag:s12] =	ssyncadd.s32 $0xFFFFE700;
	(pc) =	sbr.rel @!p1 .LBB2_27-.Ltmp7, $4  }
0x110: {  	s25 =	sadd.s32 $0x380, s13;
	_ =	swait.ge [sflag:s12], $0x1900  }
0x111: {  	s16 =	sadd.s32 $0x200, s16;
	s15 =	sadd.s32 $0x200, s15;
	[sflag:s12] =	ssyncset.done $0x0  }
0x112: {  	s17 =	sadd.s32 $0x200, s17;
	s19 =	sadd.s32 $0x200, s19;
	[sflag:s12] =	ssyncadd.s32 $0xFFFFE700  }
0x113: {  	[tilespmem:s31], [sflag:$0x4] =	stream.indirect.gather [hbm4b:s1+s20], $0x80, s25, s20, $0xb8;
	[tilespmem:$0xF420] =	vst v63  }
.LBB2_10:
0x114: {  	s9 =	sshll.u32 s14, $0x2  }
0x115: {  	_ =	swait.ge [sflag:s0], $0x3200;
	s13 =	sor.u32 $0x2, s9  }
0x116: {  	[sflag:s0] =	ssyncset.done $0x0;
	s2 =	sshll.u32 s13, $0x7  }
0x117: {  	[sflag:s0] =	ssyncadd.s32 $0xFFFFCE00;
	s2 =	sand.u32 $0x3FFFFF00, s2  }
0x118: {  	v1 =	vld [tilespmem:s2+$0x0]  }
0x119: {  	v2 =	vld [tilespmem:s2+$0x10]  }
0x11a: {  	v3 =	vld [tilespmem:s2+$0x20]  }
0x11b: {  	v4 =	vld [tilespmem:s2+$0x30]  }
0x11c: {  	v5 =	vld [tilespmem:s2+$0x40]  }
0x11d: {  	v6 =	vld [tilespmem:s2+$0x50]  }
0x11e: {  	vm0 =	vlt.u32 v1, $0x4;
	vm1 =	vlt.u32 v2, $0x4;
	v1 =	vld [tilespmem:s2+$0x54]  }
0x11f: {  	vm11 =	vlt.u32 v3, $0x4;
	v2 =	vsel vm0, $0x1, v0;
	v7 =	vsel vm1, $0x1, v0  }
0x120: {  	vm12 =	vlt.u32 v4, $0x4;
	v3 =	vsel vm11, $0x1, v0;
	v2 =	vadd.s32 v2, v7  }
0x121: {  	vm13 =	vlt.u32 v5, $0x4;
	v2 =	vadd.s32 v3, v2;
	v3 =	vsel vm12, $0x1, v0  }
0x122: {  	vm14 =	vlt.u32 v6, $0x4;
	v2 =	vadd.s32 v3, v2;
	v3 =	vsel vm13, $0x1, v0  }
0x123: {  	v2 =	vadd.s32 v3, v2;
	v3 =	vsel vm14, $0x1, v0;
	vm15 =	vlt.u32 v1, $0x4  }
0x124: {  	v1 =	vadd.s32 v3, v2;
	v2 =	vsel vm15, $0x1, v0  }
0x125: {  	v1 =	vadd.s32 v2, v1  }
0x126: {  	(v2sf) =	vpush v1, $0x0  }
0x127: {  	(v2sf) =	vpush v1, $0x1  }
0x128: {  	(v2sf) =	vpush v1, $0x2  }
0x129: {  	(v2sf) =	vpush v1, $0x3  }
0x12a: {  	(v2sf) =	vpush v1, $0x4  }
0x12b: {  	(v2sf) =	vpush v1, $0x5  }
0x12c: {  	(v2sf) =	vpush v1, $0x6  }
0x12d: {  	(v2sf) =	vpush v1, $0x7  }
0x12e: {  	(v2sf) =	vpush v1, $0x8  }
0x12f: {  	(v2sf) =	vpush v1, $0x9  }
0x130: {  	(v2sf) =	vpush v1, $0xA  }
0x131: {  	(v2sf) =	vpush v1, $0xB  }
0x132: {  	(v2sf) =	vpush v1, $0xC  }
0x133: {  	(v2sf) =	vpush v1, $0xD  }
0x134: {  	(v2sf) =	vpush v1, $0xE  }
0x135: {  	s18 =	spop (v2sf);
	(v2sf) =	vpush v1, $0xF  }
0x136: {  	s7 =	spop (v2sf)  }
0x137: {  	s2 =	sadd.s32 s7, s18;
	s22 =	spop (v2sf)  }
0x138: {  	s2 =	sadd.s32 s22, s2;
	s25 =	spop (v2sf)  }
0x139: {  	s2 =	sadd.s32 s25, s2;
	s8 =	spop (v2sf)  }
0x13a: {  	s2 =	sadd.s32 s8, s2;
	s18 =	spop (v2sf)  }
0x13b: {  	s2 =	sadd.s32 s18, s2;
	s22 =	spop (v2sf)  }
0x13c: {  	s2 =	sadd.s32 s22, s2;
	s25 =	spop (v2sf)  }
0x13d: {  	s2 =	sadd.s32 s25, s2;
	s8 =	spop (v2sf)  }
0x13e: {  	s2 =	sadd.s32 s8, s2;
	s18 =	spop (v2sf)  }
0x13f: {  	s2 =	sadd.s32 s18, s2;
	s22 =	spop (v2sf)  }
0x140: {  	s2 =	sadd.s32 s22, s2;
	s25 =	spop (v2sf)  }
0x141: {  	s2 =	sadd.s32 s25, s2;
	s8 =	spop (v2sf)  }
0x142: {  	s2 =	sadd.s32 s8, s2;
	s18 =	spop (v2sf)  }
0x143: {  	s2 =	sadd.s32 s18, s2;
	s22 =	spop (v2sf)  }
0x144: {  	s2 =	sadd.s32 s22, s2;
	s25 =	spop (v2sf)  }
0x145: {  	s2 =	sadd.s32 s25, s2  }
0x146: {  	p1 =	slt.s32 s2, $0x1  }
.Ltmp8:
0x147: {  	_ = 	snop;
	(pc) =	sbr.rel @p1 .LBB2_14-.Ltmp8, $2  }
0x148: {  	_ =	sdelay $0x2  }
0x149: {  	s2 =	simm.s32 $0x8C20  }
0x14a: {  	s7 =	sadd.s32 $0x0, s16  }
0x14b: {  	v1 =	vld [tilespmem:s7+$0x0];
	_ =	sdelay $0x4  }
0x14c: {  	(v2sf) =	vpush v1, $0x0;
	_ =	sdelay $0xe  }
0x14d: {  	s7 =	spop (v2sf)  }
0x14e: {  	p2 =	sgt.u32 s7, $0x3  }
0x14f: {  	s7 =	sshll.u32 @!p2 s7, $0x7  }
0x150: {  	s7 =	sand.u32 @!p2 $0x3FFFFF80, s7  }
0x151: {  	s8 =	sadd.s32 @!p2 s7, s3;
	s7 =	simm.s32 @!p2 $0x9  }
0x152: {  	[tilespmem:s2], [sflag:$0x9] =	stream.linear.gather @!p2 [spmem:s8], $0x80, $0x38;
	[tilespmem:$0xF420] =	vst v63  }
0x153: {  	s18 =	simm.s32 $0x8CA0;
	_ =	swait.ge @!p2 [sflag:s7], $0x80  }
0x154: {  	s2 =	simm.s32 $0x8;
	s8 =	simm.s32 $0x1;
	[sflag:s7] =	ssyncset.done @!p2 $0x0  }
.LBB2_12:
0x155: {  	s8 =	sadd.s32 s8, s16  }
0x156: {  	[sflag:s7] =	ssyncadd.s32 @!p2 $0xFFFFFF80;
	s22 =	smov.u32 s2;
	s2 =	sadd.s32 $0x4, s2  }
0x157: {  	p1 =	sne.s32 s2, $0x190;
	v1 =	vld [tilespmem:s8+$0x0];
	_ =	sdelay $0x4  }
0x158: {  	(v2sf) =	vpush v1, $0x0;
	_ =	sdelay $0xe  }
0x159: {  	s7 =	spop (v2sf)  }
0x15a: {  	p2 =	sgt.u32 s7, $0x3  }
0x15b: {  	s7 =	sshll.u32 @!p2 s7, $0x7  }
.Ltmp9:
0x15c: {  	s7 =	sand.u32 @!p2 $0x3FFFFF80, s7;
	(pc) =	sbr.rel @p1 .LBB2_12-.Ltmp9, $4  }
0x15d: {  	s8 =	sadd.s32 @!p2 s7, s3;
	s7 =	simm.s32 @!p2 $0x9  }
0x15e: {  	[tilespmem:s18], [sflag:$0x9] =	stream.linear.gather @!p2 [spmem:s8], $0x80, $0x38;
	[tilespmem:$0xF420] =	vst v63  }
0x15f: {  	_ =	swait.ge @!p2 [sflag:s7], $0x80  }
0x160: {  	s8 =	sshra.s32 s22, $0x2;
	s18 =	sadd.s32 $0x80, s18;
	[sflag:s7] =	ssyncset.done @!p2 $0x0  }
0x161: {  	s2 =	sadd.s32 s8, s16;
	[sflag:s7] =	ssyncadd.s32 @!p2 $0xFFFFFF80  }
0x162: {  	v1 =	vld [tilespmem:s2+$0x0];
	_ =	sdelay $0x4  }
0x163: {  	(v2sf) =	vpush v1, $0x0;
	_ =	sdelay $0xe  }
0x164: {  	s2 =	spop (v2sf)  }
0x165: {  	p1 =	sgt.u32 s2, $0x3  }
0x166: {  	s2 =	sshll.u32 @!p1 s2, $0x7  }
0x167: {  	s2 =	sand.u32 @!p1 $0x3FFFFF80, s2  }
0x168: {  	s7 =	simm.s32 @!p1 $0x9;
	s2 =	sadd.s32 @!p1 s2, s3  }
0x169: {  	[tilespmem:s18], [sflag:$0x9] =	stream.linear.gather @!p1 [spmem:s2], $0x80, $0x38;
	[tilespmem:$0xF420] =	vst v63  }
0x16a: {  	_ =	swait.ge @!p1 [sflag:s7], $0x80  }
0x16b: {  	[sflag:s7] =	ssyncset.done @!p1 $0x0  }
0x16c: {  	[sflag:s7] =	ssyncadd.s32 @!p1 $0xFFFFFF80  }
.LBB2_14:
0x16d: {  	s2 =	sshll.u32 s13, $0x1  }
0x16e: {  	s2 =	sadd.s32 s6, s2  }
0x16f: {  	s7 =	smul.u32 $0x380, s2  }
0x170: {  	s2 =	smul.u32 $0x1C00, s2;
	_ =	sdelay $0x1  }
0x171: {  	s25 =	simm.s32 $0x0;
	s7 =	sadd.s32 s5, s7;
	s2 =	sshrl.u32 s2, $0x3  }
0x172: {  	[hbm4b:s7+s25] =	stream.linear.scatter [tilespmem:s30], [sflag:$0x7], $0x1900, $0x38;
	[tilespmem:$0xF420] =	vst v63  }
0x173: {  	s2 =	sadd.s32 s5, s2  }
0x174: {  	s18 =	simm.s32 $0xA520;
	s2 =	sadd.s32 $0x380, s2  }
0x175: {  	[hbm4b:s2+s25] =	stream.linear.scatter [tilespmem:s18], [sflag:$0x7], $0x1900, $0x38;
	[tilespmem:$0xF420] =	vst v63  }
0x176: {  	_ =	swait.ge [sflag:s21], $0x1900  }
0x177: {  	[sflag:s21] =	ssyncset.done $0x0  }
0x178: {  	[sflag:s21] =	ssyncadd.s32 $0xFFFFE700  }
0x179: {  	s18 =	sadd.s32 $0x4, s9;
	_ =	swait.ge [sflag:s21], $0x1900  }
0x17a: {  	s22 =	sshll.u32 s18, $0x7;
	[sflag:s21] =	ssyncset.done $0x0  }
0x17b: {  	s13 =	sand.u32 $0x3FFFFF80, s22;
	[sflag:s21] =	ssyncadd.s32 $0xFFFFE700  }
0x17c: {  	[tilespmem:s24], [sflag:$0x1] =	stream.indirect.gather [hbm4b:s1+s20], $0x80, s13, s20, $0xb8;
	[tilespmem:$0xF420] =	vst v63  }
0x17d: {  	s30 =	sor.u32 $0x3, s9;
	_ =	swait.ge [sflag:s26], $0x3200  }
0x17e: {  	s7 =	sshll.u32 s30, $0x7;
	[sflag:s26] =	ssyncset.done $0x0  }
0x17f: {  	s2 =	sand.u32 $0x3FFFFF80, s7;
	[sflag:s26] =	ssyncadd.s32 $0xFFFFCE00  }
0x180: {  	v1 =	vld [tilespmem:s2+$0x0]  }
0x181: {  	v2 =	vld [tilespmem:s2+$0x10]  }
0x182: {  	v3 =	vld [tilespmem:s2+$0x20]  }
0x183: {  	v4 =	vld [tilespmem:s2+$0x30]  }
0x184: {  	v5 =	vld [tilespmem:s2+$0x40]  }
0x185: {  	v6 =	vld [tilespmem:s2+$0x50]  }
0x186: {  	vm0 =	vlt.u32 v1, $0x4;
	vm1 =	vlt.u32 v2, $0x4;
	v1 =	vld [tilespmem:s2+$0x54]  }
0x187: {  	vm11 =	vlt.u32 v3, $0x4;
	v2 =	vsel vm0, $0x1, v0;
	v7 =	vsel vm1, $0x1, v0  }
0x188: {  	vm12 =	vlt.u32 v4, $0x4;
	v3 =	vsel vm11, $0x1, v0;
	v2 =	vadd.s32 v2, v7  }
0x189: {  	vm13 =	vlt.u32 v5, $0x4;
	v2 =	vadd.s32 v3, v2;
	v3 =	vsel vm12, $0x1, v0  }
0x18a: {  	vm14 =	vlt.u32 v6, $0x4;
	v2 =	vadd.s32 v3, v2;
	v3 =	vsel vm13, $0x1, v0  }
0x18b: {  	v2 =	vadd.s32 v3, v2;
	v3 =	vsel vm14, $0x1, v0;
	vm15 =	vlt.u32 v1, $0x4  }
0x18c: {  	v1 =	vadd.s32 v3, v2;
	v2 =	vsel vm15, $0x1, v0  }
0x18d: {  	v1 =	vadd.s32 v2, v1  }
0x18e: {  	(v2sf) =	vpush v1, $0x0  }
0x18f: {  	(v2sf) =	vpush v1, $0x1  }
0x190: {  	(v2sf) =	vpush v1, $0x2  }
0x191: {  	(v2sf) =	vpush v1, $0x3  }
0x192: {  	(v2sf) =	vpush v1, $0x4  }
0x193: {  	(v2sf) =	vpush v1, $0x5  }
0x194: {  	(v2sf) =	vpush v1, $0x6  }
0x195: {  	(v2sf) =	vpush v1, $0x7  }
0x196: {  	(v2sf) =	vpush v1, $0x8  }
0x197: {  	(v2sf) =	vpush v1, $0x9  }
0x198: {  	(v2sf) =	vpush v1, $0xA  }
0x199: {  	(v2sf) =	vpush v1, $0xB  }
0x19a: {  	(v2sf) =	vpush v1, $0xC  }
0x19b: {  	(v2sf) =	vpush v1, $0xD  }
0x19c: {  	(v2sf) =	vpush v1, $0xE  }
0x19d: {  	s8 =	spop (v2sf);
	(v2sf) =	vpush v1, $0xF  }
0x19e: {  	s22 =	spop (v2sf)  }
0x19f: {  	s2 =	sadd.s32 s22, s8;
	s8 =	spop (v2sf)  }
0x1a0: {  	s2 =	sadd.s32 s8, s2;
	s22 =	spop (v2sf)  }
0x1a1: {  	s2 =	sadd.s32 s22, s2;
	s8 =	spop (v2sf)  }
0x1a2: {  	s2 =	sadd.s32 s8, s2;
	s22 =	spop (v2sf)  }
0x1a3: {  	s2 =	sadd.s32 s22, s2;
	s8 =	spop (v2sf)  }
0x1a4: {  	s2 =	sadd.s32 s8, s2;
	s22 =	spop (v2sf)  }
0x1a5: {  	s2 =	sadd.s32 s22, s2;
	s8 =	spop (v2sf)  }
0x1a6: {  	s2 =	sadd.s32 s8, s2;
	s22 =	spop (v2sf)  }
0x1a7: {  	s2 =	sadd.s32 s22, s2;
	s8 =	spop (v2sf)  }
0x1a8: {  	s2 =	sadd.s32 s8, s2;
	s22 =	spop (v2sf)  }
0x1a9: {  	s2 =	sadd.s32 s22, s2;
	s8 =	spop (v2sf)  }
0x1aa: {  	s2 =	sadd.s32 s8, s2;
	s22 =	spop (v2sf)  }
0x1ab: {  	s2 =	sadd.s32 s22, s2;
	s8 =	spop (v2sf)  }
0x1ac: {  	s2 =	sadd.s32 s8, s2;
	s22 =	spop (v2sf)  }
0x1ad: {  	s2 =	sadd.s32 s22, s2  }
0x1ae: {  	p1 =	slt.s32 s2, $0x1  }
.Ltmp10:
0x1af: {  	_ = 	snop;
	(pc) =	sbr.rel @p1 .LBB2_18-.Ltmp10, $2  }
0x1b0: {  	_ =	sdelay $0x2  }
0x1b1: {  	s2 =	simm.s32 $0xC020  }
0x1b2: {  	s7 =	sadd.s32 $0x0, s15  }
0x1b3: {  	v1 =	vld [tilespmem:s7+$0x0];
	_ =	sdelay $0x4  }
0x1b4: {  	(v2sf) =	vpush v1, $0x0;
	_ =	sdelay $0xe  }
0x1b5: {  	s7 =	spop (v2sf)  }
0x1b6: {  	p2 =	sgt.u32 s7, $0x3  }
0x1b7: {  	s7 =	sshll.u32 @!p2 s7, $0x7  }
0x1b8: {  	s7 =	sand.u32 @!p2 $0x3FFFFF80, s7  }
0x1b9: {  	s8 =	simm.s32 @!p2 $0x9;
	s7 =	sadd.s32 @!p2 s7, s3  }
0x1ba: {  	[tilespmem:s2], [sflag:$0x9] =	stream.linear.gather @!p2 [spmem:s7], $0x80, $0x38;
	[tilespmem:$0xF420] =	vst v63  }
0x1bb: {  	s22 =	simm.s32 $0x1;
	_ =	swait.ge @!p2 [sflag:s8], $0x80  }
0x1bc: {  	s7 =	simm.s32 $0x8;
	s2 =	simm.s32 $0xC0A0;
	[sflag:s8] =	ssyncset.done @!p2 $0x0  }
.LBB2_16:
0x1bd: {  	s22 =	sadd.s32 s22, s15  }
0x1be: {  	[sflag:s8] =	ssyncadd.s32 @!p2 $0xFFFFFF80;
	s28 =	smov.u32 s7;
	s7 =	sadd.s32 $0x4, s7  }
0x1bf: {  	p1 =	sne.s32 s7, $0x190;
	v1 =	vld [tilespmem:s22+$0x0];
	_ =	sdelay $0x4  }
0x1c0: {  	(v2sf) =	vpush v1, $0x0;
	_ =	sdelay $0xe  }
0x1c1: {  	s8 =	spop (v2sf)  }
0x1c2: {  	p2 =	sgt.u32 s8, $0x3  }
0x1c3: {  	s8 =	sshll.u32 @!p2 s8, $0x7  }
.Ltmp11:
0x1c4: {  	s8 =	sand.u32 @!p2 $0x3FFFFF80, s8;
	(pc) =	sbr.rel @p1 .LBB2_16-.Ltmp11, $4  }
0x1c5: {  	s22 =	sadd.s32 @!p2 s8, s3;
	s8 =	simm.s32 @!p2 $0x9  }
0x1c6: {  	[tilespmem:s2], [sflag:$0x9] =	stream.linear.gather @!p2 [spmem:s22], $0x80, $0x38;
	[tilespmem:$0xF420] =	vst v63  }
0x1c7: {  	_ =	swait.ge @!p2 [sflag:s8], $0x80  }
0x1c8: {  	s22 =	sshra.s32 s28, $0x2;
	s2 =	sadd.s32 $0x80, s2;
	[sflag:s8] =	ssyncset.done @!p2 $0x0  }
0x1c9: {  	s7 =	sadd.s32 s22, s15;
	[sflag:s8] =	ssyncadd.s32 @!p2 $0xFFFFFF80  }
0x1ca: {  	v1 =	vld [tilespmem:s7+$0x0];
	_ =	sdelay $0x4  }
0x1cb: {  	(v2sf) =	vpush v1, $0x0;
	_ =	sdelay $0xe  }
0x1cc: {  	s7 =	spop (v2sf)  }
0x1cd: {  	p1 =	sgt.u32 s7, $0x3  }
0x1ce: {  	s7 =	sshll.u32 @!p1 s7, $0x7  }
0x1cf: {  	s7 =	sand.u32 @!p1 $0x3FFFFF80, s7  }
0x1d0: {  	s8 =	simm.s32 @!p1 $0x9;
	s7 =	sadd.s32 @!p1 s7, s3  }
0x1d1: {  	[tilespmem:s2], [sflag:$0x9] =	stream.linear.gather @!p1 [spmem:s7], $0x80, $0x38;
	[tilespmem:$0xF420] =	vst v63  }
0x1d2: {  	_ =	swait.ge @!p1 [sflag:s8], $0x80  }
0x1d3: {  	[sflag:s8] =	ssyncset.done @!p1 $0x0  }
0x1d4: {  	s28 =	simm.s32 $0x5820;
	[sflag:s8] =	ssyncadd.s32 @!p1 $0xFFFFFF80  }
.LBB2_18:
0x1d5: {  	s2 =	sshll.u32 s30, $0x1  }
0x1d6: {  	s2 =	sadd.s32 s6, s2  }
0x1d7: {  	s7 =	smul.u32 $0x380, s2  }
0x1d8: {  	s2 =	smul.u32 $0x1C00, s2;
	_ =	sdelay $0x1  }
0x1d9: {  	s7 =	sadd.s32 s5, s7;
	s2 =	sshrl.u32 s2, $0x3  }
0x1da: {  	[hbm4b:s7+s25] =	stream.linear.scatter [tilespmem:s31], [sflag:$0x8], $0x1900, $0x38;
	[tilespmem:$0xF420] =	vst v63  }
0x1db: {  	s2 =	sadd.s32 s5, s2  }
0x1dc: {  	s22 =	simm.s32 $0xD920;
	s2 =	sadd.s32 $0x380, s2  }
0x1dd: {  	[hbm4b:s2+s25] =	stream.linear.scatter [tilespmem:s22], [sflag:$0x8], $0x1900, $0x38;
	[tilespmem:$0xF420] =	vst v63  }
0x1de: {  	_ =	swait.ge [sflag:s10], $0x1900  }
0x1df: {  	[sflag:s10] =	ssyncset.done $0x0  }
0x1e0: {  	[sflag:s10] =	ssyncadd.s32 $0xFFFFE700  }
0x1e1: {  	s9 =	sadd.s32 $0x5, s9;
	_ =	swait.ge [sflag:s10], $0x1900  }
0x1e2: {  	s25 =	sshll.u32 s9, $0x7;
	[sflag:s10] =	ssyncset.done $0x0  }
0x1e3: {  	s25 =	sand.u32 $0x3FFFFF80, s25;
	[sflag:s10] =	ssyncadd.s32 $0xFFFFE700  }
0x1e4: {  	[tilespmem:s28], [sflag:$0x2] =	stream.indirect.gather [hbm4b:s1+s20], $0x80, s25, s20, $0xb8;
	[tilespmem:$0xF420] =	vst v63  }
0x1e5: {  	_ =	swait.ge [sflag:s23], $0x3200  }
0x1e6: {  	[sflag:s23] =	ssyncset.done $0x0  }
0x1e7: {  	[sflag:s23] =	ssyncadd.s32 $0xFFFFCE00  }
0x1e8: {  	v1 =	vld [tilespmem:s13+$0x0]  }
0x1e9: {  	v2 =	vld [tilespmem:s13+$0x10]  }
0x1ea: {  	v3 =	vld [tilespmem:s13+$0x20]  }
0x1eb: {  	v4 =	vld [tilespmem:s13+$0x30]  }
0x1ec: {  	v5 =	vld [tilespmem:s13+$0x40]  }
0x1ed: {  	v6 =	vld [tilespmem:s13+$0x50]  }
0x1ee: {  	vm0 =	vlt.u32 v1, $0x4;
	vm1 =	vlt.u32 v2, $0x4;
	v1 =	vld [tilespmem:s13+$0x54]  }
0x1ef: {  	vm11 =	vlt.u32 v3, $0x4;
	v2 =	vsel vm0, $0x1, v0;
	v7 =	vsel vm1, $0x1, v0  }
0x1f0: {  	vm12 =	vlt.u32 v4, $0x4;
	v3 =	vsel vm11, $0x1, v0;
	v2 =	vadd.s32 v2, v7  }
0x1f1: {  	vm13 =	vlt.u32 v5, $0x4;
	v2 =	vadd.s32 v3, v2;
	v3 =	vsel vm12, $0x1, v0  }
0x1f2: {  	vm14 =	vlt.u32 v6, $0x4;
	v2 =	vadd.s32 v3, v2;
	v3 =	vsel vm13, $0x1, v0  }
0x1f3: {  	v2 =	vadd.s32 v3, v2;
	v3 =	vsel vm14, $0x1, v0;
	vm15 =	vlt.u32 v1, $0x4  }
0x1f4: {  	v1 =	vadd.s32 v3, v2;
	v2 =	vsel vm15, $0x1, v0  }
0x1f5: {  	v1 =	vadd.s32 v2, v1  }
0x1f6: {  	(v2sf) =	vpush v1, $0x0  }
0x1f7: {  	(v2sf) =	vpush v1, $0x1  }
0x1f8: {  	(v2sf) =	vpush v1, $0x2  }
0x1f9: {  	(v2sf) =	vpush v1, $0x3  }
0x1fa: {  	(v2sf) =	vpush v1, $0x4  }
0x1fb: {  	(v2sf) =	vpush v1, $0x5  }
0x1fc: {  	(v2sf) =	vpush v1, $0x6  }
0x1fd: {  	(v2sf) =	vpush v1, $0x7  }
0x1fe: {  	(v2sf) =	vpush v1, $0x8  }
0x1ff: {  	(v2sf) =	vpush v1, $0x9  }
0x200: {  	(v2sf) =	vpush v1, $0xA  }
0x201: {  	(v2sf) =	vpush v1, $0xB  }
0x202: {  	(v2sf) =	vpush v1, $0xC  }
0x203: {  	(v2sf) =	vpush v1, $0xD  }
0x204: {  	(v2sf) =	vpush v1, $0xE  }
0x205: {  	s7 =	spop (v2sf);
	(v2sf) =	vpush v1, $0xF  }
0x206: {  	s13 =	spop (v2sf)  }
0x207: {  	s8 =	spop (v2sf);
	s2 =	sadd.s32 s13, s7  }
0x208: {  	s22 =	spop (v2sf);
	s2 =	sadd.s32 s8, s2  }
0x209: {  	s13 =	spop (v2sf);
	s2 =	sadd.s32 s22, s2  }
0x20a: {  	s22 =	spop (v2sf);
	s2 =	sadd.s32 s13, s2  }
0x20b: {  	s13 =	spop (v2sf);
	s2 =	sadd.s32 s22, s2  }
0x20c: {  	s22 =	spop (v2sf);
	s2 =	sadd.s32 s13, s2  }
0x20d: {  	s13 =	spop (v2sf);
	s2 =	sadd.s32 s22, s2  }
0x20e: {  	s22 =	spop (v2sf);
	s2 =	sadd.s32 s13, s2  }
0x20f: {  	s13 =	spop (v2sf);
	s2 =	sadd.s32 s22, s2  }
0x210: {  	s22 =	spop (v2sf);
	s2 =	sadd.s32 s13, s2  }
0x211: {  	s13 =	spop (v2sf);
	s2 =	sadd.s32 s22, s2  }
0x212: {  	s22 =	spop (v2sf);
	s2 =	sadd.s32 s13, s2  }
0x213: {  	s13 =	spop (v2sf);
	s2 =	sadd.s32 s22, s2  }
0x214: {  	s2 =	sadd.s32 s13, s2;
	s22 =	spop (v2sf)  }
0x215: {  	s2 =	sadd.s32 s22, s2  }
0x216: {  	p1 =	slt.s32 s2, $0x1  }
.Ltmp12:
0x217: {  	_ = 	snop;
	(pc) =	sbr.rel @p1 .LBB2_22-.Ltmp12, $2  }
0x218: {  	_ =	sdelay $0x2  }
0x219: {  	s30 =	simm.s32 $0x8C20;
	s2 =	simm.s32 $0x2420  }
0x21a: {  	s7 =	sadd.s32 $0x0, s17  }
0x21b: {  	v1 =	vld [tilespmem:s7+$0x0];
	_ =	sdelay $0x4  }
0x21c: {  	(v2sf) =	vpush v1, $0x0;
	_ =	sdelay $0xe  }
0x21d: {  	s7 =	spop (v2sf)  }
0x21e: {  	p2 =	sgt.u32 s7, $0x3  }
0x21f: {  	s7 =	sshll.u32 @!p2 s7, $0x7  }
0x220: {  	s7 =	sand.u32 @!p2 $0x3FFFFF80, s7  }
0x221: {  	s8 =	simm.s32 @!p2 $0x9;
	s7 =	sadd.s32 @!p2 s7, s3  }
0x222: {  	[tilespmem:s2], [sflag:$0x9] =	stream.linear.gather @!p2 [spmem:s7], $0x80, $0x38;
	[tilespmem:$0xF420] =	vst v63  }
0x223: {  	s13 =	simm.s32 $0x1;
	_ =	swait.ge @!p2 [sflag:s8], $0x80  }
0x224: {  	s7 =	simm.s32 $0x8;
	s2 =	simm.s32 $0x24A0;
	[sflag:s8] =	ssyncset.done @!p2 $0x0  }
.LBB2_20:
0x225: {  	s13 =	sadd.s32 s13, s17  }
0x226: {  	[sflag:s8] =	ssyncadd.s32 @!p2 $0xFFFFFF80;
	s22 =	smov.u32 s7;
	s7 =	sadd.s32 $0x4, s7  }
0x227: {  	p1 =	sne.s32 s7, $0x190;
	v1 =	vld [tilespmem:s13+$0x0];
	_ =	sdelay $0x4  }
0x228: {  	(v2sf) =	vpush v1, $0x0;
	_ =	sdelay $0xe  }
0x229: {  	s8 =	spop (v2sf)  }
0x22a: {  	p2 =	sgt.u32 s8, $0x3  }
0x22b: {  	s8 =	sshll.u32 @!p2 s8, $0x7  }
.Ltmp13:
0x22c: {  	s8 =	sand.u32 @!p2 $0x3FFFFF80, s8;
	(pc) =	sbr.rel @p1 .LBB2_20-.Ltmp13, $4  }
0x22d: {  	s13 =	sadd.s32 @!p2 s8, s3;
	s8 =	simm.s32 @!p2 $0x9  }
0x22e: {  	[tilespmem:s2], [sflag:$0x9] =	stream.linear.gather @!p2 [spmem:s13], $0x80, $0x38;
	[tilespmem:$0xF420] =	vst v63  }
0x22f: {  	_ =	swait.ge @!p2 [sflag:s8], $0x80  }
0x230: {  	s13 =	sshra.s32 s22, $0x2;
	s2 =	sadd.s32 $0x80, s2;
	[sflag:s8] =	ssyncset.done @!p2 $0x0  }
0x231: {  	s7 =	sadd.s32 s13, s17;
	[sflag:s8] =	ssyncadd.s32 @!p2 $0xFFFFFF80  }
0x232: {  	v1 =	vld [tilespmem:s7+$0x0];
	_ =	sdelay $0x4  }
0x233: {  	(v2sf) =	vpush v1, $0x0;
	_ =	sdelay $0xe  }
0x234: {  	s7 =	spop (v2sf)  }
0x235: {  	p1 =	sgt.u32 s7, $0x3  }
0x236: {  	s7 =	sshll.u32 @!p1 s7, $0x7  }
0x237: {  	s7 =	sand.u32 @!p1 $0x3FFFFF80, s7  }
0x238: {  	s8 =	simm.s32 @!p1 $0x9;
	s7 =	sadd.s32 @!p1 s7, s3  }
0x239: {  	[tilespmem:s2], [sflag:$0x9] =	stream.linear.gather @!p1 [spmem:s7], $0x80, $0x38;
	[tilespmem:$0xF420] =	vst v63  }
0x23a: {  	_ =	swait.ge @!p1 [sflag:s8], $0x80  }
0x23b: {  	[sflag:s8] =	ssyncset.done @!p1 $0x0  }
0x23c: {  	[sflag:s8] =	ssyncadd.s32 @!p1 $0xFFFFFF80  }
.LBB2_22:
0x23d: {  	s2 =	sshll.u32 s18, $0x1  }
0x23e: {  	s2 =	sadd.s32 s6, s2  }
0x23f: {  	s2 =	smul.u32 $0x380, s2;
	_ =	sdelay $0x1  }
0x240: {  	s8 =	simm.s32 $0x0;
	s18 =	rddreg [dreg:$0x7];
	s7 =	sadd.s32 s5, s2  }
0x241: {  	[hbm4b:s7+s8] =	stream.linear.scatter [tilespmem:s24], [sflag:$0x5], $0x1900, $0x38;
	[tilespmem:$0xF420] =	vst v63  }
0x242: {  	s22 =	simm.s32 $0x3D20;
	s2 =	sadd.s32 s2, s18  }
0x243: {  	[hbm4b:s2+s8] =	stream.linear.scatter [tilespmem:s22], [sflag:$0x5], $0x1900, $0x38;
	[tilespmem:$0xF420] =	vst v63  }
0x244: {  	_ =	swait.ge [sflag:s11], $0x1900  }
0x245: {  	[sflag:s11] =	ssyncset.done $0x0  }
0x246: {  	[sflag:s11] =	ssyncadd.s32 $0xFFFFE700  }
0x247: {  	s7 =	sshll.u32 s14, $0x9;
	_ =	swait.ge [sflag:s11], $0x1900  }
0x248: {  	s13 =	sand.u32 $0x3FFFFE00, s7;
	[sflag:s11] =	ssyncset.done $0x0  }
0x249: {  	s2 =	sadd.s32 $0x300, s13;
	[sflag:s11] =	ssyncadd.s32 $0xFFFFE700  }
0x24a: {  	[tilespmem:s30], [sflag:$0x3] =	stream.indirect.gather [hbm4b:s1+s20], $0x80, s2, s20, $0xb8;
	[tilespmem:$0xF420] =	vst v63  }
0x24b: {  	_ =	swait.ge [sflag:s29], $0x3200  }
0x24c: {  	[sflag:s29] =	ssyncset.done $0x0  }
0x24d: {  	[sflag:s29] =	ssyncadd.s32 $0xFFFFCE00  }
0x24e: {  	v1 =	vld [tilespmem:s25+$0x0]  }
0x24f: {  	v2 =	vld [tilespmem:s25+$0x10]  }
0x250: {  	v3 =	vld [tilespmem:s25+$0x20]  }
0x251: {  	v4 =	vld [tilespmem:s25+$0x30]  }
0x252: {  	v5 =	vld [tilespmem:s25+$0x40]  }
0x253: {  	v6 =	vld [tilespmem:s25+$0x50]  }
0x254: {  	vm0 =	vlt.u32 v1, $0x4;
	vm1 =	vlt.u32 v2, $0x4;
	v1 =	vld [tilespmem:s25+$0x54]  }
0x255: {  	vm11 =	vlt.u32 v3, $0x4;
	v2 =	vsel vm0, $0x1, v0;
	v7 =	vsel vm1, $0x1, v0  }
0x256: {  	vm12 =	vlt.u32 v4, $0x4;
	v3 =	vsel vm11, $0x1, v0;
	v2 =	vadd.s32 v2, v7  }
0x257: {  	vm13 =	vlt.u32 v5, $0x4;
	v2 =	vadd.s32 v3, v2;
	v3 =	vsel vm12, $0x1, v0  }
0x258: {  	vm14 =	vlt.u32 v6, $0x4;
	v2 =	vadd.s32 v3, v2;
	v3 =	vsel vm13, $0x1, v0  }
0x259: {  	v2 =	vadd.s32 v3, v2;
	v3 =	vsel vm14, $0x1, v0;
	vm15 =	vlt.u32 v1, $0x4  }
0x25a: {  	v1 =	vadd.s32 v3, v2;
	v2 =	vsel vm15, $0x1, v0  }
0x25b: {  	v1 =	vadd.s32 v2, v1  }
0x25c: {  	(v2sf) =	vpush v1, $0x0  }
0x25d: {  	(v2sf) =	vpush v1, $0x1  }
0x25e: {  	(v2sf) =	vpush v1, $0x2  }
0x25f: {  	(v2sf) =	vpush v1, $0x3  }
0x260: {  	(v2sf) =	vpush v1, $0x4  }
0x261: {  	(v2sf) =	vpush v1, $0x5  }
0x262: {  	(v2sf) =	vpush v1, $0x6  }
0x263: {  	(v2sf) =	vpush v1, $0x7  }
0x264: {  	(v2sf) =	vpush v1, $0x8  }
0x265: {  	(v2sf) =	vpush v1, $0x9  }
0x266: {  	(v2sf) =	vpush v1, $0xA  }
0x267: {  	(v2sf) =	vpush v1, $0xB  }
0x268: {  	(v2sf) =	vpush v1, $0xC  }
0x269: {  	(v2sf) =	vpush v1, $0xD  }
0x26a: {  	(v2sf) =	vpush v1, $0xE  }
0x26b: {  	s8 =	spop (v2sf);
	(v2sf) =	vpush v1, $0xF  }
0x26c: {  	s18 =	spop (v2sf)  }
0x26d: {  	s22 =	spop (v2sf);
	s2 =	sadd.s32 s18, s8  }
0x26e: {  	s25 =	spop (v2sf);
	s2 =	sadd.s32 s22, s2  }
0x26f: {  	s18 =	spop (v2sf);
	s2 =	sadd.s32 s25, s2  }
0x270: {  	s22 =	spop (v2sf);
	s2 =	sadd.s32 s18, s2  }
0x271: {  	s25 =	spop (v2sf);
	s2 =	sadd.s32 s22, s2  }
0x272: {  	s18 =	spop (v2sf);
	s2 =	sadd.s32 s25, s2  }
0x273: {  	s22 =	spop (v2sf);
	s2 =	sadd.s32 s18, s2  }
0x274: {  	s25 =	spop (v2sf);
	s2 =	sadd.s32 s22, s2  }
0x275: {  	s18 =	spop (v2sf);
	s2 =	sadd.s32 s25, s2  }
0x276: {  	s22 =	spop (v2sf);
	s2 =	sadd.s32 s18, s2  }
0x277: {  	s25 =	spop (v2sf);
	s2 =	sadd.s32 s22, s2  }
0x278: {  	s18 =	spop (v2sf);
	s2 =	sadd.s32 s25, s2  }
0x279: {  	s22 =	spop (v2sf);
	s2 =	sadd.s32 s18, s2  }
0x27a: {  	s2 =	sadd.s32 s22, s2;
	s25 =	spop (v2sf)  }
0x27b: {  	s2 =	sadd.s32 s25, s2  }
0x27c: {  	p1 =	slt.s32 s2, $0x1  }
.Ltmp14:
0x27d: {  	_ = 	snop;
	(pc) =	sbr.rel @p1 .LBB2_26-.Ltmp14, $2  }
0x27e: {  	_ =	sdelay $0x2  }
0x27f: {  	s2 =	simm.s32 $0x5820  }
0x280: {  	s7 =	sadd.s32 $0x0, s19  }
0x281: {  	v1 =	vld [tilespmem:s7+$0x0];
	_ =	sdelay $0x4  }
0x282: {  	(v2sf) =	vpush v1, $0x0;
	_ =	sdelay $0xe  }
0x283: {  	s7 =	spop (v2sf)  }
0x284: {  	p2 =	sgt.u32 s7, $0x3  }
0x285: {  	s7 =	sshll.u32 @!p2 s7, $0x7  }
0x286: {  	s7 =	sand.u32 @!p2 $0x3FFFFF80, s7  }
0x287: {  	s8 =	simm.s32 @!p2 $0x9;
	s7 =	sadd.s32 @!p2 s7, s3  }
0x288: {  	[tilespmem:s2], [sflag:$0x9] =	stream.linear.gather @!p2 [spmem:s7], $0x80, $0x38;
	[tilespmem:$0xF420] =	vst v63  }
0x289: {  	s18 =	simm.s32 $0x1;
	_ =	swait.ge @!p2 [sflag:s8], $0x80  }
0x28a: {  	s7 =	simm.s32 $0x8;
	s2 =	simm.s32 $0x58A0;
	[sflag:s8] =	ssyncset.done @!p2 $0x0  }
.LBB2_24:
0x28b: {  	s18 =	sadd.s32 s18, s19  }
0x28c: {  	[sflag:s8] =	ssyncadd.s32 @!p2 $0xFFFFFF80;
	s22 =	smov.u32 s7;
	s7 =	sadd.s32 $0x4, s7  }
0x28d: {  	p1 =	sne.s32 s7, $0x190;
	v1 =	vld [tilespmem:s18+$0x0];
	_ =	sdelay $0x4  }
0x28e: {  	(v2sf) =	vpush v1, $0x0;
	_ =	sdelay $0xe  }
0x28f: {  	s8 =	spop (v2sf)  }
0x290: {  	p2 =	sgt.u32 s8, $0x3  }
0x291: {  	s8 =	sshll.u32 @!p2 s8, $0x7  }
.Ltmp15:
0x292: {  	s8 =	sand.u32 @!p2 $0x3FFFFF80, s8;
	(pc) =	sbr.rel @p1 .LBB2_24-.Ltmp15, $4  }
0x293: {  	s18 =	sadd.s32 @!p2 s8, s3;
	s8 =	simm.s32 @!p2 $0x9  }
0x294: {  	[tilespmem:s2], [sflag:$0x9] =	stream.linear.gather @!p2 [spmem:s18], $0x80, $0x38;
	[tilespmem:$0xF420] =	vst v63  }
0x295: {  	_ =	swait.ge @!p2 [sflag:s8], $0x80  }
0x296: {  	s18 =	sshra.s32 s22, $0x2;
	s2 =	sadd.s32 $0x80, s2;
	[sflag:s8] =	ssyncset.done @!p2 $0x0  }
0x297: {  	s7 =	sadd.s32 s18, s19;
	[sflag:s8] =	ssyncadd.s32 @!p2 $0xFFFFFF80  }
0x298: {  	v1 =	vld [tilespmem:s7+$0x0];
	_ =	sdelay $0x4  }
0x299: {  	(v2sf) =	vpush v1, $0x0;
	_ =	sdelay $0xe  }
0x29a: {  	s7 =	spop (v2sf)  }
0x29b: {  	p1 =	sgt.u32 s7, $0x3  }
0x29c: {  	s7 =	sshll.u32 @!p1 s7, $0x7  }
0x29d: {  	s7 =	sand.u32 @!p1 $0x3FFFFF80, s7  }
.Ltmp16:
0x29e: {  	s8 =	simm.s32 @!p1 $0x9;
	s7 =	sadd.s32 @!p1 s7, s3;
	(pc) =	sbr.rel .LBB2_26-.Ltmp16, $4  }
0x29f: {  	[tilespmem:s2], [sflag:$0x9] =	stream.linear.gather @!p1 [spmem:s7], $0x80, $0x38;
	[tilespmem:$0xF420] =	vst v63  }
0x2a0: {  	_ =	swait.ge @!p1 [sflag:s8], $0x80  }
0x2a1: {  	[sflag:s8] =	ssyncset.done @!p1 $0x0  }
0x2a2: {  	[sflag:s8] =	ssyncadd.s32 @!p1 $0xFFFFFF80  }
.LBB2_27:
0x2a3: {  	_ =	swait.ge [sflag:s0], $0x3200  }
0x2a4: {  	[sflag:s0] =	ssyncset.done $0x0  }
0x2a5: {  	[sflag:s0] =	ssyncadd.s32 $0xFFFFCE00  }
0x2a6: {  	v1 =	vld [tilespmem:$0x1F00]  }
0x2a7: {  	v2 =	vld [tilespmem:$0x1F10]  }
0x2a8: {  	v3 =	vld [tilespmem:$0x1F20]  }
0x2a9: {  	v4 =	vld [tilespmem:$0x1F30]  }
0x2aa: {  	v5 =	vld [tilespmem:$0x1F40]  }
0x2ab: {  	v6 =	vld [tilespmem:$0x1F50]  }
0x2ac: {  	vm0 =	vlt.u32 v1, $0x4;
	vm1 =	vlt.u32 v2, $0x4;
	v1 =	vld [tilespmem:$0x1F54]  }
0x2ad: {  	vm11 =	vlt.u32 v3, $0x4;
	v2 =	vsel vm0, $0x1, v0;
	v7 =	vsel vm1, $0x1, v0  }
0x2ae: {  	vm12 =	vlt.u32 v4, $0x4;
	v3 =	vsel vm11, $0x1, v0;
	v2 =	vadd.s32 v2, v7  }
0x2af: {  	vm13 =	vlt.u32 v5, $0x4;
	v2 =	vadd.s32 v3, v2;
	v3 =	vsel vm12, $0x1, v0  }
0x2b0: {  	vm14 =	vlt.u32 v6, $0x4;
	v2 =	vadd.s32 v3, v2;
	v3 =	vsel vm13, $0x1, v0  }
0x2b1: {  	v2 =	vadd.s32 v3, v2;
	v3 =	vsel vm14, $0x1, v0;
	vm15 =	vlt.u32 v1, $0x4  }
0x2b2: {  	v1 =	vadd.s32 v3, v2;
	v2 =	vsel vm15, $0x1, v0  }
0x2b3: {  	v1 =	vadd.s32 v2, v1  }
0x2b4: {  	(v2sf) =	vpush v1, $0x0  }
0x2b5: {  	(v2sf) =	vpush v1, $0x1  }
0x2b6: {  	(v2sf) =	vpush v1, $0x2  }
0x2b7: {  	(v2sf) =	vpush v1, $0x3  }
0x2b8: {  	(v2sf) =	vpush v1, $0x4  }
0x2b9: {  	(v2sf) =	vpush v1, $0x5  }
0x2ba: {  	(v2sf) =	vpush v1, $0x6  }
0x2bb: {  	(v2sf) =	vpush v1, $0x7  }
0x2bc: {  	(v2sf) =	vpush v1, $0x8  }
0x2bd: {  	(v2sf) =	vpush v1, $0x9  }
0x2be: {  	(v2sf) =	vpush v1, $0xA  }
0x2bf: {  	(v2sf) =	vpush v1, $0xB  }
0x2c0: {  	(v2sf) =	vpush v1, $0xC  }
0x2c1: {  	(v2sf) =	vpush v1, $0xD  }
0x2c2: {  	(v2sf) =	vpush v1, $0xE  }
0x2c3: {  	s2 =	spop (v2sf);
	(v2sf) =	vpush v1, $0xF  }
0x2c4: {  	s7 =	spop (v2sf)  }
0x2c5: {  	s2 =	sadd.s32 s7, s2;
	s19 =	spop (v2sf)  }
0x2c6: {  	s2 =	sadd.s32 s19, s2;
	s22 =	spop (v2sf)  }
0x2c7: {  	s2 =	sadd.s32 s22, s2;
	s25 =	spop (v2sf)  }
0x2c8: {  	s2 =	sadd.s32 s25, s2;
	s8 =	spop (v2sf)  }
0x2c9: {  	s2 =	sadd.s32 s8, s2;
	s9 =	spop (v2sf)  }
0x2ca: {  	s2 =	sadd.s32 s9, s2;
	s13 =	spop (v2sf)  }
0x2cb: {  	s2 =	sadd.s32 s13, s2;
	s14 =	spop (v2sf)  }
0x2cc: {  	s2 =	sadd.s32 s14, s2;
	s15 =	spop (v2sf)  }
0x2cd: {  	s2 =	sadd.s32 s15, s2;
	s16 =	spop (v2sf)  }
0x2ce: {  	s2 =	sadd.s32 s16, s2;
	s17 =	spop (v2sf)  }
0x2cf: {  	s2 =	sadd.s32 s17, s2;
	s18 =	spop (v2sf)  }
0x2d0: {  	s2 =	sadd.s32 s18, s2;
	s19 =	spop (v2sf)  }
0x2d1: {  	s2 =	sadd.s32 s19, s2;
	s22 =	spop (v2sf)  }
0x2d2: {  	s2 =	sadd.s32 s22, s2;
	s25 =	spop (v2sf)  }
0x2d3: {  	s2 =	sadd.s32 s25, s2  }
0x2d4: {  	p1 =	slt.s32 s2, $0x1  }
.Ltmp17:
0x2d5: {  	_ = 	snop;
	(pc) =	sbr.rel @p1 .LBB2_31-.Ltmp17, $1  }
0x2d6: {  	_ =	sdelay $0x3  }
0x2d7: {  	s2 =	simm.s32 $0x0  }
0x2d8: {  	v1 =	vld [tilespmem:s2+$0x1F00];
	_ =	sdelay $0x4  }
0x2d9: {  	(v2sf) =	vpush v1, $0x0;
	_ =	sdelay $0xe  }
0x2da: {  	s2 =	spop (v2sf)  }
0x2db: {  	p2 =	sgt.u32 s2, $0x3  }
0x2dc: {  	s2 =	sshll.u32 @!p2 s2, $0x7  }
0x2dd: {  	s2 =	sand.u32 @!p2 $0x3FFFFF80, s2  }
0x2de: {  	s7 =	simm.s32 $0x8C20;
	s8 =	simm.s32 @!p2 $0x9;
	s2 =	sadd.s32 @!p2 s2, s3  }
0x2df: {  	[tilespmem:s7], [sflag:$0x9] =	stream.linear.gather @!p2 [spmem:s2], $0x80, $0x38;
	[tilespmem:$0xF420] =	vst v63  }
0x2e0: {  	s9 =	simm.s32 $0x8;
	_ =	swait.ge @!p2 [sflag:s8], $0x80  }
0x2e1: {  	s7 =	simm.s32 $0x4;
	s2 =	simm.s32 $0x8CA0;
	[sflag:s8] =	ssyncset.done @!p2 $0x0  }
.LBB2_29:
0x2e2: {  	s13 =	sshra.s32 s7, $0x2  }
0x2e3: {  	[sflag:s8] =	ssyncadd.s32 @!p2 $0xFFFFFF80;
	s7 =	smov.u32 s9;
	s9 =	sadd.s32 $0x4, s9  }
0x2e4: {  	p1 =	sne.s32 s9, $0x190;
	v1 =	vld [tilespmem:s13+$0x1F00];
	_ =	sdelay $0x4  }
0x2e5: {  	(v2sf) =	vpush v1, $0x0;
	_ =	sdelay $0xe  }
0x2e6: {  	s8 =	spop (v2sf)  }
0x2e7: {  	p2 =	sgt.u32 s8, $0x3  }
0x2e8: {  	s8 =	sshll.u32 @!p2 s8, $0x7  }
.Ltmp18:
0x2e9: {  	s8 =	sand.u32 @!p2 $0x3FFFFF80, s8;
	(pc) =	sbr.rel @p1 .LBB2_29-.Ltmp18, $4  }
0x2ea: {  	s13 =	sadd.s32 @!p2 s8, s3;
	s8 =	simm.s32 @!p2 $0x9  }
0x2eb: {  	[tilespmem:s2], [sflag:$0x9] =	stream.linear.gather @!p2 [spmem:s13], $0x80, $0x38;
	[tilespmem:$0xF420] =	vst v63  }
0x2ec: {  	_ =	swait.ge @!p2 [sflag:s8], $0x80  }
0x2ed: {  	s2 =	sadd.s32 $0x80, s2;
	[sflag:s8] =	ssyncset.done @!p2 $0x0  }
0x2ee: {  	s7 =	sshra.s32 s7, $0x2;
	[sflag:s8] =	ssyncadd.s32 @!p2 $0xFFFFFF80  }
0x2ef: {  	v1 =	vld [tilespmem:s7+$0x1F00];
	_ =	sdelay $0x4  }
0x2f0: {  	(v2sf) =	vpush v1, $0x0;
	_ =	sdelay $0xe  }
0x2f1: {  	s7 =	spop (v2sf)  }
0x2f2: {  	p1 =	sgt.u32 s7, $0x3  }
0x2f3: {  	s7 =	sshll.u32 @!p1 s7, $0x7  }
0x2f4: {  	s7 =	sand.u32 @!p1 $0x3FFFFF80, s7  }
0x2f5: {  	s8 =	simm.s32 @!p1 $0x9;
	s7 =	sadd.s32 @!p1 s7, s3  }
0x2f6: {  	[tilespmem:s2], [sflag:$0x9] =	stream.linear.gather @!p1 [spmem:s7], $0x80, $0x38;
	[tilespmem:$0xF420] =	vst v63  }
0x2f7: {  	_ =	swait.ge @!p1 [sflag:s8], $0x80  }
0x2f8: {  	[sflag:s8] =	ssyncset.done @!p1 $0x0  }
0x2f9: {  	[sflag:s8] =	ssyncadd.s32 @!p1 $0xFFFFFF80  }
.LBB2_31:
0x2fa: {  	s2 =	simm.s32 $0x0;
	s7 =	rddreg [dreg:$0xc]  }
0x2fb: {  	[hbm4b:s7+s2] =	stream.linear.scatter [tilespmem:s30], [sflag:$0x7], $0x1900, $0x38;
	[tilespmem:$0xF420] =	vst v63  }
0x2fc: {  	s16 =	rddreg [dreg:$0xd];
	s8 =	simm.s32 $0xA520  }
0x2fd: {  	[hbm4b:s16+s2] =	stream.linear.scatter [tilespmem:s8], [sflag:$0x7], $0x1900, $0x38;
	[tilespmem:$0xF420] =	vst v63  }
0x2fe: {  	_ =	swait.ge [sflag:s26], $0x3200  }
0x2ff: {  	[sflag:s26] =	ssyncset.done $0x0  }
0x300: {  	[sflag:s26] =	ssyncadd.s32 $0xFFFFCE00  }
0x301: {  	v1 =	vld [tilespmem:$0x1F80]  }
0x302: {  	v2 =	vld [tilespmem:$0x1F90]  }
0x303: {  	v3 =	vld [tilespmem:$0x1FA0]  }
0x304: {  	v4 =	vld [tilespmem:$0x1FB0]  }
0x305: {  	v5 =	vld [tilespmem:$0x1FC0]  }
0x306: {  	v6 =	vld [tilespmem:$0x1FD0]  }
0x307: {  	vm0 =	vlt.u32 v1, $0x4;
	vm1 =	vlt.u32 v2, $0x4;
	v1 =	vld [tilespmem:$0x1FD4]  }
0x308: {  	vm11 =	vlt.u32 v3, $0x4;
	v2 =	vsel vm0, $0x1, v0;
	v7 =	vsel vm1, $0x1, v0  }
0x309: {  	vm12 =	vlt.u32 v4, $0x4;
	v3 =	vsel vm11, $0x1, v0;
	v2 =	vadd.s32 v2, v7  }
0x30a: {  	vm13 =	vlt.u32 v5, $0x4;
	v2 =	vadd.s32 v3, v2;
	v3 =	vsel vm12, $0x1, v0  }
0x30b: {  	vm14 =	vlt.u32 v6, $0x4;
	v2 =	vadd.s32 v3, v2;
	v3 =	vsel vm13, $0x1, v0  }
0x30c: {  	v2 =	vadd.s32 v3, v2;
	v3 =	vsel vm14, $0x1, v0;
	vm15 =	vlt.u32 v1, $0x4  }
0x30d: {  	v1 =	vadd.s32 v3, v2;
	v2 =	vsel vm15, $0x1, v0  }
0x30e: {  	v1 =	vadd.s32 v2, v1  }
0x30f: {  	(v2sf) =	vpush v1, $0x0  }
0x310: {  	(v2sf) =	vpush v1, $0x1  }
0x311: {  	(v2sf) =	vpush v1, $0x2  }
0x312: {  	(v2sf) =	vpush v1, $0x3  }
0x313: {  	(v2sf) =	vpush v1, $0x4  }
0x314: {  	(v2sf) =	vpush v1, $0x5  }
0x315: {  	(v2sf) =	vpush v1, $0x6  }
0x316: {  	(v2sf) =	vpush v1, $0x7  }
0x317: {  	(v2sf) =	vpush v1, $0x8  }
0x318: {  	(v2sf) =	vpush v1, $0x9  }
0x319: {  	(v2sf) =	vpush v1, $0xA  }
0x31a: {  	(v2sf) =	vpush v1, $0xB  }
0x31b: {  	(v2sf) =	vpush v1, $0xC  }
0x31c: {  	(v2sf) =	vpush v1, $0xD  }
0x31d: {  	(v2sf) =	vpush v1, $0xE  }
0x31e: {  	s17 =	spop (v2sf);
	(v2sf) =	vpush v1, $0xF  }
0x31f: {  	s18 =	spop (v2sf)  }
0x320: {  	s2 =	sadd.s32 s18, s17;
	s19 =	spop (v2sf)  }
0x321: {  	s2 =	sadd.s32 s19, s2;
	s22 =	spop (v2sf)  }
0x322: {  	s2 =	sadd.s32 s22, s2;
	s25 =	spop (v2sf)  }
0x323: {  	s2 =	sadd.s32 s25, s2;
	s8 =	spop (v2sf)  }
0x324: {  	s2 =	sadd.s32 s8, s2;
	s9 =	spop (v2sf)  }
0x325: {  	s2 =	sadd.s32 s9, s2;
	s13 =	spop (v2sf)  }
0x326: {  	s2 =	sadd.s32 s13, s2;
	s14 =	spop (v2sf)  }
0x327: {  	s2 =	sadd.s32 s14, s2;
	s15 =	spop (v2sf)  }
0x328: {  	s2 =	sadd.s32 s15, s2;
	s16 =	spop (v2sf)  }
0x329: {  	s2 =	sadd.s32 s16, s2;
	s17 =	spop (v2sf)  }
0x32a: {  	s2 =	sadd.s32 s17, s2;
	s18 =	spop (v2sf)  }
0x32b: {  	s2 =	sadd.s32 s18, s2;
	s19 =	spop (v2sf)  }
0x32c: {  	s2 =	sadd.s32 s19, s2;
	s22 =	spop (v2sf)  }
0x32d: {  	s2 =	sadd.s32 s22, s2;
	s25 =	spop (v2sf)  }
0x32e: {  	s2 =	sadd.s32 s25, s2  }
0x32f: {  	p1 =	slt.s32 s2, $0x1  }
.Ltmp19:
0x330: {  	_ = 	snop;
	(pc) =	sbr.rel @p1 .LBB2_35-.Ltmp19, $2  }
0x331: {  	_ =	sdelay $0x2  }
0x332: {  	s8 =	rddreg [dreg:$0x12];
	s2 =	simm.s32 $0xC020  }
0x333: {  	s7 =	simm.s32 $0x0  }
0x334: {  	v1 =	vld [tilespmem:s7+$0x1F80];
	_ =	sdelay $0x4  }
0x335: {  	(v2sf) =	vpush v1, $0x0;
	_ =	sdelay $0xe  }
0x336: {  	s7 =	spop (v2sf)  }
0x337: {  	p2 =	sgt.u32 s7, $0x3  }
0x338: {  	s7 =	sshll.u32 @!p2 s7, $0x7  }
0x339: {  	s7 =	sand.u32 @!p2 $0x3FFFFF80, s7  }
0x33a: {  	s8 =	simm.s32 @!p2 $0x9;
	s7 =	sadd.s32 @!p2 s7, s3  }
0x33b: {  	[tilespmem:s2], [sflag:$0x9] =	stream.linear.gather @!p2 [spmem:s7], $0x80, $0x38;
	[tilespmem:$0xF420] =	vst v63  }
0x33c: {  	s9 =	simm.s32 $0x8;
	_ =	swait.ge @!p2 [sflag:s8], $0x80  }
0x33d: {  	s7 =	simm.s32 $0x4;
	s2 =	simm.s32 $0xC0A0;
	[sflag:s8] =	ssyncset.done @!p2 $0x0  }
.LBB2_33:
0x33e: {  	s13 =	sshra.s32 s7, $0x2  }
0x33f: {  	[sflag:s8] =	ssyncadd.s32 @!p2 $0xFFFFFF80;
	s7 =	smov.u32 s9;
	s9 =	sadd.s32 $0x4, s9  }
0x340: {  	p1 =	sne.s32 s9, $0x190;
	v1 =	vld [tilespmem:s13+$0x1F80];
	_ =	sdelay $0x4  }
0x341: {  	(v2sf) =	vpush v1, $0x0;
	_ =	sdelay $0xe  }
0x342: {  	s8 =	spop (v2sf)  }
0x343: {  	p2 =	sgt.u32 s8, $0x3  }
0x344: {  	s8 =	sshll.u32 @!p2 s8, $0x7  }
.Ltmp20:
0x345: {  	s8 =	sand.u32 @!p2 $0x3FFFFF80, s8;
	(pc) =	sbr.rel @p1 .LBB2_33-.Ltmp20, $4  }
0x346: {  	s13 =	sadd.s32 @!p2 s8, s3;
	s8 =	simm.s32 @!p2 $0x9  }
0x347: {  	[tilespmem:s2], [sflag:$0x9] =	stream.linear.gather @!p2 [spmem:s13], $0x80, $0x38;
	[tilespmem:$0xF420] =	vst v63  }
0x348: {  	_ =	swait.ge @!p2 [sflag:s8], $0x80  }
0x349: {  	s2 =	sadd.s32 $0x80, s2;
	[sflag:s8] =	ssyncset.done @!p2 $0x0  }
0x34a: {  	s7 =	sshra.s32 s7, $0x2;
	[sflag:s8] =	ssyncadd.s32 @!p2 $0xFFFFFF80  }
0x34b: {  	v1 =	vld [tilespmem:s7+$0x1F80];
	_ =	sdelay $0x4  }
0x34c: {  	(v2sf) =	vpush v1, $0x0;
	_ =	sdelay $0xe  }
0x34d: {  	s7 =	spop (v2sf)  }
0x34e: {  	p1 =	sgt.u32 s7, $0x3  }
0x34f: {  	s7 =	sshll.u32 @!p1 s7, $0x7  }
0x350: {  	s7 =	sand.u32 @!p1 $0x3FFFFF80, s7  }
.Ltmp21:
0x351: {  	s8 =	simm.s32 @!p1 $0x9;
	s7 =	sadd.s32 @!p1 s7, s3;
	(pc) =	sbr.rel .LBB2_35-.Ltmp21, $4  }
0x352: {  	[tilespmem:s2], [sflag:$0x9] =	stream.linear.gather @!p1 [spmem:s7], $0x80, $0x38;
	[tilespmem:$0xF420] =	vst v63  }
0x353: {  	_ =	swait.ge @!p1 [sflag:s8], $0x80  }
0x354: {  	[sflag:s8] =	ssyncset.done @!p1 $0x0  }
0x355: {  	[sflag:s8] =	ssyncadd.s32 @!p1 $0xFFFFFF80;
	s8 =	rddreg [dreg:$0x12]  }
.LBB2_36:
0x356: {  	_ =	sfence.sel $0x180000  }
0x357: {  	[bflag:$0x0] =	sbarrier.arrive $0xFFFF  }
0x358: {  	_ =	strace $0x90000047  }
0x359: {  	[bflag:$0x2] =	sbarrier.arrive $0xFFFF  }
0x35a: {  	s0 =	rddreg [dreg:$0x5]  }
0x35b: {  	s0 =	sadd.s32 @!p0 $0x100000, s0  }
0x35c: {  	[sflag:s0] =	ssyncadd.tile.s32 @!p0 $0x1;
	_ =	shalt  }
.Lfunc_end2:
_tile_overlayer_lowered:
.L_overlay_start_2:
0x35d: {  	(tag) =	ssettag $0x2  }
0x35e: {  	s0 =	rddreg [dreg:$0x0];
	s2 =	stileid.u32  }
0x35f: {  	s1 =	rddreg [dreg:$0x1];
	p0 =	sne.s32 s2, $0x0  }
0x360: {  	s3 =	rddreg [dreg:$0x2];
	[bflag:$0x3] =	sbarrier.arrive $0xFFFF;
	s2 =	simm.s32 @!p0 $0x1C09  }
0x361: {  	[timem:s3], [sflag:s2] =	dma.local @!p0 [hbm:s0], s1  }
0x362: {  	s0 =	simm.s32 @!p0 $0x9  }
0x363: {  	_ =	swait.ge @!p0 [sflag:s0], s1  }
0x364: {  	s1 =	ssub.s32 @!p0 $0x0, s1;
	[sflag:s0] =	ssyncset.done @!p0 $0x0  }
0x365: {  	[sflag:s0] =	ssyncadd.s32 @!p0 s1  }
0x366: {  	[bflag:$0x3] =	sbarrier.arrive $0xFFFF  }
0x367: {  	_ =	shalt  }

</sc_bundles>
